<compile_context>
chip_gen: v7x
topology: tpu7x:2x2x1
jax: 0.10.2.dev20260603
libtpu: 0.0.44.dev20260713+nightly
codegen_flags: <defaults>
</compile_context>

<pallas_src>
import functools

import jax
import jax.numpy as jnp
from jax import lax
from jax.experimental import pallas as pl
from jax.experimental.pallas import tpu as pltpu
from jax.experimental.pallas import tpu_sc as plsc

N = 10000
G = 64
NC = 2
NS = 16
NW = NC * NS
K = 128
NCHUNK = 80
EPT = NCHUNK * K
EPAD = NW * EPT
NPAD = 10240
RPT = NPAD // NS
_CAP = 1
H0 = 64
H4 = 16


def _make_scatter(h):
    mesh = plsc.VectorSubcoreMesh(core_axis_name="c", subcore_axis_name="s",
                                  num_cores=NC, num_subcores=NS)

    @functools.partial(
        pl.kernel,
        mesh=mesh,
        compiler_params=pltpu.CompilerParams(use_tc_tiling_on_sc=False),
        out_type=jax.ShapeDtypeStruct((NC, NPAD, h), jnp.float32),
        scratch_types=[
            pltpu.VMEM((NCHUNK, K), jnp.int32),
            pltpu.VMEM((NCHUNK, K), jnp.int32),
            pltpu.VMEM((2, K, h), jnp.float32),
            pltpu.VMEM_SHARED((NPAD, h), jnp.float32),
            pltpu.SemaphoreType.DMA,
            pltpu.SemaphoreType.DMA,
            pltpu.SemaphoreType.DMA,
        ],
    )
    def scatter_kernel(p_hbm, src_hbm, dst_hbm, z_hbm, out_hbm,
                       src_v, dst_v, rows_v, acc_sh, sem0, sem1, semi):
        cid = lax.axis_index("c")
        sid = lax.axis_index("s")
        wid = sid * NC + cid

        pltpu.async_copy(src_hbm.at[wid], src_v, semi)
        pltpu.async_copy(dst_hbm.at[wid], dst_v, semi)

        pltpu.sync_copy(z_hbm, acc_sh.at[pl.ds(sid * RPT, RPT)])

        pltpu.make_async_copy(src_hbm.at[wid], src_v, semi).wait()
        pltpu.make_async_copy(dst_hbm.at[wid], dst_v, semi).wait()

        pltpu.async_copy(p_hbm.at[src_v.at[0]], rows_v.at[0], sem0)
        pltpu.async_copy(p_hbm.at[src_v.at[1]], rows_v.at[1], sem1)

        plsc.subcore_barrier()

        def step(t, carry):
            g = 2 * t
            pltpu.make_async_copy(p_hbm.at[src_v.at[g]],
                                  rows_v.at[0], sem0).wait()
            pltpu.sync_copy(rows_v.at[0], acc_sh.at[dst_v.at[g]], add=True)

            @pl.when(g + 2 < 2 * _CAP)
            def _():
                pltpu.async_copy(p_hbm.at[src_v.at[g + 2]], rows_v.at[0], sem0)

            pltpu.make_async_copy(p_hbm.at[src_v.at[g + 1]],
                                  rows_v.at[1], sem1).wait()
            pltpu.sync_copy(rows_v.at[1], acc_sh.at[dst_v.at[g + 1]], add=True)

            @pl.when(g + 3 < 2 * _CAP)
            def _():
                pltpu.async_copy(p_hbm.at[src_v.at[g + 3]], rows_v.at[1], sem1)

            return carry

        lax.fori_loop(0, _CAP, step, 0)

        plsc.subcore_barrier()
        pltpu.sync_copy(acc_sh.at[pl.ds(sid * RPT, RPT)],
                        out_hbm.at[cid, pl.ds(sid * RPT, RPT)])

    return scatter_kernel


_scatter64 = _make_scatter(H0)
_scatter16 = _make_scatter(H4)


def _mm_body(x_ref, w_ref, o_ref):
    o_ref[...] = jnp.dot(x_ref[...], w_ref[...],
                         preferred_element_type=jnp.float32)


def _first_mm(x, w):
    return pl.pallas_call(
        _mm_body,
        out_shape=jax.ShapeDtypeStruct((N, w.shape[1]), jnp.float32),
    )(x, w)


def _layer_body(agg_ref, p_ref, ba_ref, wb_ref, bb_ref, wa_ref, o_ref):
    agg = agg_ref[0, :N, :] + agg_ref[1, :N, :]
    m = jnp.maximum(agg + p_ref[...] + ba_ref[...], 0.0)
    t = jnp.dot(m, wb_ref[...], preferred_element_type=jnp.float32) + bb_ref[...]
    hnew = jnp.maximum(t, 0.0)
    o_ref[...] = jnp.dot(hnew, wa_ref[...], preferred_element_type=jnp.float32)


def _layer_tc(agg, p, ba, wb, bb, wa_next):
    return pl.pallas_call(
        _layer_body,
        out_shape=jax.ShapeDtypeStruct((N, wa_next.shape[1]), jnp.float32),
    )(agg, p, ba, wb, bb, wa_next)


def _final_body(agg_ref, p_ref, b4a_ref, w4b_ref, bb_ref, batch_ref, o_ref):
    agg = agg_ref[0, :N, :] + agg_ref[1, :N, :]
    m = jnp.maximum(agg + p_ref[...] + b4a_ref[...], 0.0)
    v = jnp.sum(m * w4b_ref[...], axis=1, keepdims=True) + bb_ref[...]
    gids = lax.broadcasted_iota(jnp.int32, (N, G), 1)
    oh = (batch_ref[...] == gids).astype(jnp.float32)
    sums = jnp.sum(oh * v, axis=0, keepdims=True)
    counts = jnp.sum(oh, axis=0, keepdims=True)
    o_ref[...] = sums / jnp.maximum(counts, 1.0)


def _final_tc(agg, p4, b4a_pad, w4b_pad, b4b, batch2d):
    return pl.pallas_call(
        _final_body,
        out_shape=jax.ShapeDtypeStruct((1, G), jnp.float32),
    )(agg, p4, b4a_pad, w4b_pad, b4b, batch2d)


def kernel(x, edge_index, batch,
           W0a, b0a, W0b, b0b,
           W1a, b1a, W1b, b1b,
           W2a, b2a, W2b, b2b,
           W3a, b3a, W3b, b3b,
           W4a, b4a, W4b, b4b):
    src = edge_index[0]
    dst = edge_index[1]
    e = src.shape[0]
    npad_edges = EPAD - e
    pad_idx = jnp.arange(npad_edges, dtype=jnp.int32)
    src_p = jnp.concatenate([src, pad_idx % N]).reshape(NW, NCHUNK, K)
    dst_p = jnp.concatenate([dst, N + pad_idx % (NPAD - N)]).reshape(NW, NCHUNK, K)

    z64 = jnp.zeros((RPT, H0), jnp.float32)
    z16 = jnp.zeros((RPT, H4), jnp.float32)

    W4a_pad = jnp.pad(W4a, ((0, 0), (0, H4 - W4a.shape[1])))
    b4a_pad = jnp.pad(b4a, (0, H4 - b4a.shape[0])).reshape(1, H4)
    w4b_pad = jnp.pad(W4b[:, 0], (0, H4 - W4b.shape[0])).reshape(1, H4)
    b4b_2d = b4b.reshape(1, 1)
    batch2d = batch.reshape(N, 1)

    p = _first_mm(x, W0a)
    tail = [(b0a, W0b, b0b, W1a), (b1a, W1b, b1b, W2a),
            (b2a, W2b, b2b, W3a), (b3a, W3b, b3b, W4a_pad)]
    for ba, wb, bb, wa_next in tail:
        agg = _scatter64(p, src_p, dst_p, z64)
        p = _layer_tc(agg, p, ba.reshape(1, -1), wb,
                      bb.reshape(1, -1), wa_next)
    agg4 = _scatter16(p, src_p, dst_p, z16)
    out = _final_tc(agg4, p, b4a_pad, w4b_pad, b4b_2d, batch2d)
    return out.reshape(G, 1)

# --- scband reference (transcript-rebuilt; emitter-appended) ---
"""Pipeline reference for scband-ginregression-12781822673318 (READ-ONLY COPY).

The authoritative reference and input builder live on the scoring server;
editing this copy changes nothing except your own understanding.
"""

import jax, jax.numpy as jnp
import numpy as np

N, E, F_IN, H, C, G = 10000, 320000, 128, 64, 1, 64

def setup_inputs(seed: int = 0) -> dict:
    key = jax.random.key(seed)
    ks = jax.random.split(key, 16)
    inp = {}
    inp["x"] = jax.random.normal(ks[0], (N, F_IN), dtype=jnp.float32)
    inp["edge_index"] = jax.random.randint(ks[1], (2, E), 0, N, dtype=jnp.int32)
    inp["batch"] = jnp.sort(jax.random.randint(ks[2], (N,), 0, G, dtype=jnp.int32))
    # PyG GIN(in_channels=128, hidden_channels=64, num_layers=5, out_channels=1):
    # conv_i nn = MLP([a, b, b]) = Linear(a,b) -> ReLU -> Linear(b,b)
    dims = [(F_IN, H, H), (H, H, H), (H, H, H), (H, H, H), (H, C, C)]
    k = 3
    for i, (a, b, c) in enumerate(dims):
        inp[f"W{i}a"] = jax.random.normal(ks[k], (a, b), dtype=jnp.float32) * (1.0 / np.sqrt(a)); k += 1
        inp[f"b{i}a"] = jnp.zeros((b,), dtype=jnp.float32)
        inp[f"W{i}b"] = jax.random.normal(ks[k], (b, c), dtype=jnp.float32) * (1.0 / np.sqrt(b)); k += 1
        inp[f"b{i}b"] = jnp.zeros((c,), dtype=jnp.float32)
    return inp

def reference(x, edge_index, batch,
              W0a, b0a, W0b, b0b,
              W1a, b1a, W1b, b1b,
              W2a, b2a, W2b, b2b,
              W3a, b3a, W3b, b3b,
              W4a, b4a, W4b, b4b):
    src = edge_index[0]
    dst = edge_index[1]
    params = [(W0a, b0a, W0b, b0b), (W1a, b1a, W1b, b1b), (W2a, b2a, W2b, b2b),
              (W3a, b3a, W3b, b3b), (W4a, b4a, W4b, b4b)]
    h = x
    n = x.shape[0]
    for i, (Wa, ba, Wb, bb) in enumerate(params):
        # GINConv: nn((1+eps)*x + sum_{j in N(i)} x_j), eps=0
        agg = jnp.zeros((n, h.shape[1]), dtype=h.dtype).at[dst].add(h[src])
        m = agg + h
        m = jnp.maximum(m @ Wa + ba, 0.0)
        m = m @ Wb + bb
        h = m
        if i < len(params) - 1:
            h = jnp.maximum(h, 0.0)  # inter-layer ReLU; dropout(0.6) is identity in eval
    # global_mean_pool over batch assignment
    sums = jax.ops.segment_sum(h, batch, num_segments=G)
    counts = jax.ops.segment_sum(jnp.ones((n, 1), dtype=h.dtype), batch, num_segments=G)
    return sums / jnp.maximum(counts, 1.0)

if __name__ == "__main__":
    import jax
    _d = setup_inputs()
    print(jax.jit(kernel)(*tuple(_d.values())))

</pallas_src>

<mosaic_0001>
#map = affine_map<(d0, d1) -> (0, 0)>
#map1 = affine_map<(d0, d1) -> (0, 0, 0)>
module attributes {stable_mosaic.version = 14 : i64} {
  func.func @scatter_kernel(%arg0: i32, %arg1: i32, %arg2: memref<10000x64xf32, #tpu.memory_space<hbm>>, %arg3: memref<32x80x128xi32, #tpu.memory_space<hbm>>, %arg4: memref<32x80x128xi32, #tpu.memory_space<hbm>>, %arg5: memref<640x64xf32, #tpu.memory_space<hbm>>, %arg6: memref<2x10240x64xf32, #tpu.memory_space<hbm>>, %arg7: memref<80x128xi32, #tpu.memory_space<vmem>>, %arg8: memref<80x128xi32, #tpu.memory_space<vmem>>, %arg9: memref<2x128x64xf32, #tpu.memory_space<vmem>>, %arg10: memref<10240x64xf32, #tpu.memory_space<vmem_shared>>, %arg11: memref<!tpu.dma_semaphore, #tpu.memory_space<semaphore_mem>>, %arg12: memref<!tpu.dma_semaphore, #tpu.memory_space<semaphore_mem>>, %arg13: memref<!tpu.dma_semaphore, #tpu.memory_space<semaphore_mem>>) attributes {dimension_semantics = [#tpu.dimension_semantics<core_parallel>, #tpu.dimension_semantics<subcore_parallel>], iteration_bounds = array<i64: 2, 16>, scalar_prefetch = 0 : i64, scratch_operands = 7 : i64, tpu.core_type = #tpu.core_type<sc_vector_subcore>, window_params = [{transform_indices = #map}, {transform_indices = #map1}, {transform_indices = #map1}, {transform_indices = #map}, {transform_indices = #map1}]} {
    %mul3A = arith.constant 2 : i32
    %mul3A_0 = arith.muli %arg1, %mul3A : i32
    %add3A = arith.addi %mul3A_0, %arg0 : i32
    %dma_start3A = arith.constant 0 : i32
    %dma_start3A_1 = arith.constant 0 : i32
    %dma_start3A_2 = tpu.memref_slice %arg3[%add3A, %dma_start3A, %dma_start3A_1] : memref<32x80x128xi32, #tpu.memory_space<hbm>> -> memref<1x80x128xi32, #tpu.memory_space<hbm>>
    %dma_start3A_3 = tpu.memref_squeeze %dma_start3A_2 : memref<1x80x128xi32, #tpu.memory_space<hbm>> -> memref<80x128xi32, #tpu.memory_space<hbm>>
    %dma_start3A_4 = arith.constant 0 : i32
    %dma_start3A_5 = arith.constant 0 : i32
    %dma_start3A_6 = tpu.memref_slice %arg3[%add3A, %dma_start3A_4, %dma_start3A_5] : memref<32x80x128xi32, #tpu.memory_space<hbm>> -> memref<1x80x128xi32, #tpu.memory_space<hbm>>
    %dma_start3A_7 = tpu.memref_squeeze %dma_start3A_6 : memref<1x80x128xi32, #tpu.memory_space<hbm>> -> memref<80x128xi32, #tpu.memory_space<hbm>>
    tpu.enqueue_dma source(%dma_start3A_7 : memref<80x128xi32, #tpu.memory_space<hbm>>) target(%arg7 : memref<80x128xi32, #tpu.memory_space<vmem>>) target_semaphore(%arg13 : memref<!tpu.dma_semaphore, #tpu.memory_space<semaphore_mem>>)
    %dma_start3A_8 = arith.constant 0 : i32
    %dma_start3A_9 = arith.constant 0 : i32
    %dma_start3A_10 = tpu.memref_slice %arg4[%add3A, %dma_start3A_8, %dma_start3A_9] : memref<32x80x128xi32, #tpu.memory_space<hbm>> -> memref<1x80x128xi32, #tpu.memory_space<hbm>>
    %dma_start3A_11 = tpu.memref_squeeze %dma_start3A_10 : memref<1x80x128xi32, #tpu.memory_space<hbm>> -> memref<80x128xi32, #tpu.memory_space<hbm>>
    %dma_start3A_12 = arith.constant 0 : i32
    %dma_start3A_13 = arith.constant 0 : i32
    %dma_start3A_14 = tpu.memref_slice %arg4[%add3A, %dma_start3A_12, %dma_start3A_13] : memref<32x80x128xi32, #tpu.memory_space<hbm>> -> memref<1x80x128xi32, #tpu.memory_space<hbm>>
    %dma_start3A_15 = tpu.memref_squeeze %dma_start3A_14 : memref<1x80x128xi32, #tpu.memory_space<hbm>> -> memref<80x128xi32, #tpu.memory_space<hbm>>
    tpu.enqueue_dma source(%dma_start3A_15 : memref<80x128xi32, #tpu.memory_space<hbm>>) target(%arg8 : memref<80x128xi32, #tpu.memory_space<vmem>>) target_semaphore(%arg13 : memref<!tpu.dma_semaphore, #tpu.memory_space<semaphore_mem>>)
    %mul3A_16 = arith.constant 640 : i32
    %mul3A_17 = arith.muli %arg1, %mul3A_16 : i32
    "tpu.region"() ({
      %run_scoped3A_104 = tpu.sem_alloc : memref<!tpu.dma_semaphore, #tpu.memory_space<semaphore_mem>>
      %dma_start3A_105 = arith.constant 0 : i32
      %dma_start3A_106 = tpu.memref_slice %arg10[%mul3A_17, %dma_start3A_105] : memref<10240x64xf32, #tpu.memory_space<vmem_shared>> -> memref<640x64xf32, #tpu.memory_space<vmem_shared>>
      tpu.enqueue_dma source(%arg5 : memref<640x64xf32, #tpu.memory_space<hbm>>) target(%dma_start3A_106 : memref<640x64xf32, #tpu.memory_space<vmem_shared>>) target_semaphore(%run_scoped3A_104 : memref<!tpu.dma_semaphore, #tpu.memory_space<semaphore_mem>>)
      %dma_wait3A_107 = arith.constant 0 : i32
      %dma_wait3A_108 = tpu.memref_slice %arg10[%mul3A_17, %dma_wait3A_107] : memref<10240x64xf32, #tpu.memory_space<vmem_shared>> -> memref<640x64xf32, #tpu.memory_space<vmem_shared>>
      tpu.wait_dma2 semaphore(%run_scoped3A_104 : memref<!tpu.dma_semaphore, #tpu.memory_space<semaphore_mem>>) src(%arg5 : memref<640x64xf32, #tpu.memory_space<hbm>>) dst(%dma_wait3A_108 : memref<640x64xf32, #tpu.memory_space<vmem_shared>>)
      tpu.yield
    }) : () -> ()
    %dma_wait3A = arith.constant 0 : i32
    %dma_wait3A_18 = arith.constant 0 : i32
    %dma_wait3A_19 = tpu.memref_slice %arg3[%add3A, %dma_wait3A, %dma_wait3A_18] : memref<32x80x128xi32, #tpu.memory_space<hbm>> -> memref<1x80x128xi32, #tpu.memory_space<hbm>>
    %dma_wait3A_20 = tpu.memref_squeeze %dma_wait3A_19 : memref<1x80x128xi32, #tpu.memory_space<hbm>> -> memref<80x128xi32, #tpu.memory_space<hbm>>
    %dma_wait3A_21 = arith.constant 0 : i32
    %dma_wait3A_22 = arith.constant 0 : i32
    %dma_wait3A_23 = tpu.memref_slice %arg3[%add3A, %dma_wait3A_21, %dma_wait3A_22] : memref<32x80x128xi32, #tpu.memory_space<hbm>> -> memref<1x80x128xi32, #tpu.memory_space<hbm>>
    %dma_wait3A_24 = tpu.memref_squeeze %dma_wait3A_23 : memref<1x80x128xi32, #tpu.memory_space<hbm>> -> memref<80x128xi32, #tpu.memory_space<hbm>>
    tpu.wait_dma2 semaphore(%arg13 : memref<!tpu.dma_semaphore, #tpu.memory_space<semaphore_mem>>) src(%dma_wait3A_24 : memref<80x128xi32, #tpu.memory_space<hbm>>) dst(%arg7 : memref<80x128xi32, #tpu.memory_space<vmem>>)
    %dma_wait3A_25 = arith.constant 0 : i32
    %dma_wait3A_26 = arith.constant 0 : i32
    %dma_wait3A_27 = tpu.memref_slice %arg4[%add3A, %dma_wait3A_25, %dma_wait3A_26] : memref<32x80x128xi32, #tpu.memory_space<hbm>> -> memref<1x80x128xi32, #tpu.memory_space<hbm>>
    %dma_wait3A_28 = tpu.memref_squeeze %dma_wait3A_27 : memref<1x80x128xi32, #tpu.memory_space<hbm>> -> memref<80x128xi32, #tpu.memory_space<hbm>>
    %dma_wait3A_29 = arith.constant 0 : i32
    %dma_wait3A_30 = arith.constant 0 : i32
    %dma_wait3A_31 = tpu.memref_slice %arg4[%add3A, %dma_wait3A_29, %dma_wait3A_30] : memref<32x80x128xi32, #tpu.memory_space<hbm>> -> memref<1x80x128xi32, #tpu.memory_space<hbm>>
    %dma_wait3A_32 = tpu.memref_squeeze %dma_wait3A_31 : memref<1x80x128xi32, #tpu.memory_space<hbm>> -> memref<80x128xi32, #tpu.memory_space<hbm>>
    tpu.wait_dma2 semaphore(%arg13 : memref<!tpu.dma_semaphore, #tpu.memory_space<semaphore_mem>>) src(%dma_wait3A_32 : memref<80x128xi32, #tpu.memory_space<hbm>>) dst(%arg8 : memref<80x128xi32, #tpu.memory_space<vmem>>)
    %dma_start3A_33 = arith.constant 0 : i32
    %dma_start3A_34 = arith.constant 0 : i32
    %dma_start3A_35 = arith.constant 0 : i32
    %dma_start3A_36 = arith.constant 0 : i32
    %dma_start3A_37 = tpu.memref_slice %arg9[%dma_start3A_34, %dma_start3A_35, %dma_start3A_36] : memref<2x128x64xf32, #tpu.memory_space<vmem>> -> memref<1x128x64xf32, #tpu.memory_space<vmem>>
    %dma_start3A_38 = tpu.memref_squeeze %dma_start3A_37 : memref<1x128x64xf32, #tpu.memory_space<vmem>> -> memref<128x64xf32, #tpu.memory_space<vmem>>
    %dma_start3A_39 = arith.constant 0 : i32
    %dma_start3A_40 = tpu.memref_slice %arg7[%dma_start3A_33, %dma_start3A_39] : memref<80x128xi32, #tpu.memory_space<vmem>> -> memref<1x128xi32, #tpu.memory_space<vmem>>
    %dma_start3A_41 = tpu.memref_squeeze %dma_start3A_40 : memref<1x128xi32, #tpu.memory_space<vmem>> -> memref<128xi32, #tpu.memory_space<vmem>>
    %dma_start3A_42 = arith.constant 0 : i32
    %dma_start3A_43 = arith.constant 0 : i32
    %dma_start3A_44 = tpu.memref_slice %arg2[%dma_start3A_42, %dma_start3A_43] : memref<10000x64xf32, #tpu.memory_space<hbm>> -> memref<10000x64xf32, #tpu.memory_space<hbm>>
    tpu.enqueue_indirect_dma source(%dma_start3A_44 : memref<10000x64xf32, #tpu.memory_space<hbm>>) target(%dma_start3A_38 : memref<128x64xf32, #tpu.memory_space<vmem>>) offsets(%dma_start3A_41 : memref<128xi32, #tpu.memory_space<vmem>>) semaphore(%arg11 : memref<!tpu.dma_semaphore, #tpu.memory_space<semaphore_mem>>)
    %dma_start3A_45 = arith.constant 1 : i32
    %dma_start3A_46 = arith.constant 1 : i32
    %dma_start3A_47 = arith.constant 0 : i32
    %dma_start3A_48 = arith.constant 0 : i32
    %dma_start3A_49 = tpu.memref_slice %arg9[%dma_start3A_46, %dma_start3A_47, %dma_start3A_48] : memref<2x128x64xf32, #tpu.memory_space<vmem>> -> memref<1x128x64xf32, #tpu.memory_space<vmem>>
    %dma_start3A_50 = tpu.memref_squeeze %dma_start3A_49 : memref<1x128x64xf32, #tpu.memory_space<vmem>> -> memref<128x64xf32, #tpu.memory_space<vmem>>
    %dma_start3A_51 = arith.constant 0 : i32
    %dma_start3A_52 = tpu.memref_slice %arg7[%dma_start3A_45, %dma_start3A_51] : memref<80x128xi32, #tpu.memory_space<vmem>> -> memref<1x128xi32, #tpu.memory_space<vmem>>
    %dma_start3A_53 = tpu.memref_squeeze %dma_start3A_52 : memref<1x128xi32, #tpu.memory_space<vmem>> -> memref<128xi32, #tpu.memory_space<vmem>>
    %dma_start3A_54 = arith.constant 0 : i32
    %dma_start3A_55 = arith.constant 0 : i32
    %dma_start3A_56 = tpu.memref_slice %arg2[%dma_start3A_54, %dma_start3A_55] : memref<10000x64xf32, #tpu.memory_space<hbm>> -> memref<10000x64xf32, #tpu.memory_space<hbm>>
    tpu.enqueue_indirect_dma source(%dma_start3A_56 : memref<10000x64xf32, #tpu.memory_space<hbm>>) target(%dma_start3A_50 : memref<128x64xf32, #tpu.memory_space<vmem>>) offsets(%dma_start3A_53 : memref<128xi32, #tpu.memory_space<vmem>>) semaphore(%arg12 : memref<!tpu.dma_semaphore, #tpu.memory_space<semaphore_mem>>)
    %barrier3A = arith.constant 0 : index
    tpu.barrier barrier_id(%barrier3A)
    %scan3A = arith.constant 0 : i32
    %scan3A_57 = arith.constant 0 : i32
    %mul3A_58 = arith.constant 2 : i32
    %mul3A_59 = arith.muli %mul3A_58, %scan3A_57 : i32
    %dma_wait3A_60 = arith.constant 0 : i32
    %dma_wait3A_61 = arith.constant 0 : i32
    %dma_wait3A_62 = arith.constant 0 : i32
    %dma_wait3A_63 = tpu.memref_slice %arg9[%dma_wait3A_60, %dma_wait3A_61, %dma_wait3A_62] : memref<2x128x64xf32, #tpu.memory_space<vmem>> -> memref<1x128x64xf32, #tpu.memory_space<vmem>>
    %dma_wait3A_64 = tpu.memref_squeeze %dma_wait3A_63 : memref<1x128x64xf32, #tpu.memory_space<vmem>> -> memref<128x64xf32, #tpu.memory_space<vmem>>
    %dma_wait3A_65 = arith.constant 0 : i32
    %dma_wait3A_66 = tpu.memref_slice %arg7[%mul3A_59, %dma_wait3A_65] : memref<80x128xi32, #tpu.memory_space<vmem>> -> memref<1x128xi32, #tpu.memory_space<vmem>>
    %dma_wait3A_67 = tpu.memref_squeeze %dma_wait3A_66 : memref<1x128xi32, #tpu.memory_space<vmem>> -> memref<128xi32, #tpu.memory_space<vmem>>
    %dma_wait3A_68 = arith.constant 0 : i32
    %dma_wait3A_69 = arith.constant 0 : i32
    %dma_wait3A_70 = tpu.memref_slice %arg2[%dma_wait3A_68, %dma_wait3A_69] : memref<10000x64xf32, #tpu.memory_space<hbm>> -> memref<10000x64xf32, #tpu.memory_space<hbm>>
    tpu.wait_indirect_dma semaphore(%arg11 : memref<!tpu.dma_semaphore, #tpu.memory_space<semaphore_mem>>) src(%dma_wait3A_70 : memref<10000x64xf32, #tpu.memory_space<hbm>>) dst(%dma_wait3A_64 : memref<128x64xf32, #tpu.memory_space<vmem>>)
    %run_scoped3A = arith.constant 0 : i32
    "tpu.region"() ({
      %run_scoped3A_104 = tpu.sem_alloc : memref<!tpu.dma_semaphore, #tpu.memory_space<semaphore_mem>>
      %dma_start3A_105 = arith.constant 0 : i32
      %dma_start3A_106 = arith.constant 0 : i32
      %dma_start3A_107 = tpu.memref_slice %arg9[%run_scoped3A, %dma_start3A_105, %dma_start3A_106] : memref<2x128x64xf32, #tpu.memory_space<vmem>> -> memref<1x128x64xf32, #tpu.memory_space<vmem>>
      %dma_start3A_108 = tpu.memref_squeeze %dma_start3A_107 : memref<1x128x64xf32, #tpu.memory_space<vmem>> -> memref<128x64xf32, #tpu.memory_space<vmem>>
      %dma_start3A_109 = arith.constant 0 : i32
      %dma_start3A_110 = tpu.memref_slice %arg8[%mul3A_59, %dma_start3A_109] : memref<80x128xi32, #tpu.memory_space<vmem>> -> memref<1x128xi32, #tpu.memory_space<vmem>>
      %dma_start3A_111 = tpu.memref_squeeze %dma_start3A_110 : memref<1x128xi32, #tpu.memory_space<vmem>> -> memref<128xi32, #tpu.memory_space<vmem>>
      %dma_start3A_112 = arith.constant 0 : i32
      %dma_start3A_113 = arith.constant 0 : i32
      %dma_start3A_114 = tpu.memref_slice %arg10[%dma_start3A_112, %dma_start3A_113] : memref<10240x64xf32, #tpu.memory_space<vmem_shared>> -> memref<10240x64xf32, #tpu.memory_space<vmem_shared>>
      tpu.enqueue_indirect_dma source(%dma_start3A_108 : memref<128x64xf32, #tpu.memory_space<vmem>>) target(%dma_start3A_114 : memref<10240x64xf32, #tpu.memory_space<vmem_shared>>) offsets(%dma_start3A_111 : memref<128xi32, #tpu.memory_space<vmem>>) semaphore(%run_scoped3A_104 : memref<!tpu.dma_semaphore, #tpu.memory_space<semaphore_mem>>) {add = true}
      %dma_wait3A_115 = arith.constant 0 : i32
      %dma_wait3A_116 = arith.constant 0 : i32
      %dma_wait3A_117 = tpu.memref_slice %arg9[%run_scoped3A, %dma_wait3A_115, %dma_wait3A_116] : memref<2x128x64xf32, #tpu.memory_space<vmem>> -> memref<1x128x64xf32, #tpu.memory_space<vmem>>
      %dma_wait3A_118 = tpu.memref_squeeze %dma_wait3A_117 : memref<1x128x64xf32, #tpu.memory_space<vmem>> -> memref<128x64xf32, #tpu.memory_space<vmem>>
      %dma_wait3A_119 = arith.constant 0 : i32
      %dma_wait3A_120 = tpu.memref_slice %arg8[%mul3A_59, %dma_wait3A_119] : memref<80x128xi32, #tpu.memory_space<vmem>> -> memref<1x128xi32, #tpu.memory_space<vmem>>
      %dma_wait3A_121 = tpu.memref_squeeze %dma_wait3A_120 : memref<1x128xi32, #tpu.memory_space<vmem>> -> memref<128xi32, #tpu.memory_space<vmem>>
      %dma_wait3A_122 = arith.constant 0 : i32
      %dma_wait3A_123 = arith.constant 0 : i32
      %dma_wait3A_124 = tpu.memref_slice %arg10[%dma_wait3A_122, %dma_wait3A_123] : memref<10240x64xf32, #tpu.memory_space<vmem_shared>> -> memref<10240x64xf32, #tpu.memory_space<vmem_shared>>
      tpu.wait_indirect_dma semaphore(%run_scoped3A_104 : memref<!tpu.dma_semaphore, #tpu.memory_space<semaphore_mem>>) src(%dma_wait3A_118 : memref<128x64xf32, #tpu.memory_space<vmem>>) dst(%dma_wait3A_124 : memref<10240x64xf32, #tpu.memory_space<vmem_shared>>)
      tpu.yield
    }) : () -> ()
    %add3A_71 = arith.constant 2 : i32
    %add3A_72 = arith.addi %mul3A_59, %add3A_71 : i32
    %lt3A = arith.constant 2 : i32
    %lt3A_73 = arith.cmpi slt, %add3A_72, %lt3A : i32
    %convert_element_type3A = arith.extui %lt3A_73 : i1 to i32
    %cond3A = arith.constant 0 : i32
    %cond3A_74 = arith.cmpi ne, %convert_element_type3A, %cond3A : i32
    scf.if %cond3A_74 {
      %add3A_104 = arith.constant 2 : i32
      %add3A_105 = arith.addi %mul3A_59, %add3A_104 : i32
      %dma_start3A_106 = arith.constant 0 : i32
      %dma_start3A_107 = arith.constant 0 : i32
      %dma_start3A_108 = arith.constant 0 : i32
      %dma_start3A_109 = tpu.memref_slice %arg9[%dma_start3A_106, %dma_start3A_107, %dma_start3A_108] : memref<2x128x64xf32, #tpu.memory_space<vmem>> -> memref<1x128x64xf32, #tpu.memory_space<vmem>>
      %dma_start3A_110 = tpu.memref_squeeze %dma_start3A_109 : memref<1x128x64xf32, #tpu.memory_space<vmem>> -> memref<128x64xf32, #tpu.memory_space<vmem>>
      %dma_start3A_111 = arith.constant 0 : i32
      %dma_start3A_112 = tpu.memref_slice %arg7[%add3A_105, %dma_start3A_111] : memref<80x128xi32, #tpu.memory_space<vmem>> -> memref<1x128xi32, #tpu.memory_space<vmem>>
      %dma_start3A_113 = tpu.memref_squeeze %dma_start3A_112 : memref<1x128xi32, #tpu.memory_space<vmem>> -> memref<128xi32, #tpu.memory_space<vmem>>
      %dma_start3A_114 = arith.constant 0 : i32
      %dma_start3A_115 = arith.constant 0 : i32
      %dma_start3A_116 = tpu.memref_slice %arg2[%dma_start3A_114, %dma_start3A_115] : memref<10000x64xf32, #tpu.memory_space<hbm>> -> memref<10000x64xf32, #tpu.memory_space<hbm>>
      tpu.enqueue_indirect_dma source(%dma_start3A_116 : memref<10000x64xf32, #tpu.memory_space<hbm>>) target(%dma_start3A_110 : memref<128x64xf32, #tpu.memory_space<vmem>>) offsets(%dma_start3A_113 : memref<128xi32, #tpu.memory_space<vmem>>) semaphore(%arg11 : memref<!tpu.dma_semaphore, #tpu.memory_space<semaphore_mem>>)
    } else {
    }
    %add3A_75 = arith.constant 1 : i32
    %add3A_76 = arith.addi %mul3A_59, %add3A_75 : i32
    %dma_wait3A_77 = arith.constant 1 : i32
    %dma_wait3A_78 = arith.constant 0 : i32
    %dma_wait3A_79 = arith.constant 0 : i32
    %dma_wait3A_80 = tpu.memref_slice %arg9[%dma_wait3A_77, %dma_wait3A_78, %dma_wait3A_79] : memref<2x128x64xf32, #tpu.memory_space<vmem>> -> memref<1x128x64xf32, #tpu.memory_space<vmem>>
    %dma_wait3A_81 = tpu.memref_squeeze %dma_wait3A_80 : memref<1x128x64xf32, #tpu.memory_space<vmem>> -> memref<128x64xf32, #tpu.memory_space<vmem>>
    %dma_wait3A_82 = arith.constant 0 : i32
    %dma_wait3A_83 = tpu.memref_slice %arg7[%add3A_76, %dma_wait3A_82] : memref<80x128xi32, #tpu.memory_space<vmem>> -> memref<1x128xi32, #tpu.memory_space<vmem>>
    %dma_wait3A_84 = tpu.memref_squeeze %dma_wait3A_83 : memref<1x128xi32, #tpu.memory_space<vmem>> -> memref<128xi32, #tpu.memory_space<vmem>>
    %dma_wait3A_85 = arith.constant 0 : i32
    %dma_wait3A_86 = arith.constant 0 : i32
    %dma_wait3A_87 = tpu.memref_slice %arg2[%dma_wait3A_85, %dma_wait3A_86] : memref<10000x64xf32, #tpu.memory_space<hbm>> -> memref<10000x64xf32, #tpu.memory_space<hbm>>
    tpu.wait_indirect_dma semaphore(%arg12 : memref<!tpu.dma_semaphore, #tpu.memory_space<semaphore_mem>>) src(%dma_wait3A_87 : memref<10000x64xf32, #tpu.memory_space<hbm>>) dst(%dma_wait3A_81 : memref<128x64xf32, #tpu.memory_space<vmem>>)
    %add3A_88 = arith.constant 1 : i32
    %add3A_89 = arith.addi %mul3A_59, %add3A_88 : i32
    %run_scoped3A_90 = arith.constant 1 : i32
    "tpu.region"() ({
      %run_scoped3A_104 = tpu.sem_alloc : memref<!tpu.dma_semaphore, #tpu.memory_space<semaphore_mem>>
      %dma_start3A_105 = arith.constant 0 : i32
      %dma_start3A_106 = arith.constant 0 : i32
      %dma_start3A_107 = tpu.memref_slice %arg9[%run_scoped3A_90, %dma_start3A_105, %dma_start3A_106] : memref<2x128x64xf32, #tpu.memory_space<vmem>> -> memref<1x128x64xf32, #tpu.memory_space<vmem>>
      %dma_start3A_108 = tpu.memref_squeeze %dma_start3A_107 : memref<1x128x64xf32, #tpu.memory_space<vmem>> -> memref<128x64xf32, #tpu.memory_space<vmem>>
      %dma_start3A_109 = arith.constant 0 : i32
      %dma_start3A_110 = tpu.memref_slice %arg8[%add3A_89, %dma_start3A_109] : memref<80x128xi32, #tpu.memory_space<vmem>> -> memref<1x128xi32, #tpu.memory_space<vmem>>
      %dma_start3A_111 = tpu.memref_squeeze %dma_start3A_110 : memref<1x128xi32, #tpu.memory_space<vmem>> -> memref<128xi32, #tpu.memory_space<vmem>>
      %dma_start3A_112 = arith.constant 0 : i32
      %dma_start3A_113 = arith.constant 0 : i32
      %dma_start3A_114 = tpu.memref_slice %arg10[%dma_start3A_112, %dma_start3A_113] : memref<10240x64xf32, #tpu.memory_space<vmem_shared>> -> memref<10240x64xf32, #tpu.memory_space<vmem_shared>>
      tpu.enqueue_indirect_dma source(%dma_start3A_108 : memref<128x64xf32, #tpu.memory_space<vmem>>) target(%dma_start3A_114 : memref<10240x64xf32, #tpu.memory_space<vmem_shared>>) offsets(%dma_start3A_111 : memref<128xi32, #tpu.memory_space<vmem>>) semaphore(%run_scoped3A_104 : memref<!tpu.dma_semaphore, #tpu.memory_space<semaphore_mem>>) {add = true}
      %dma_wait3A_115 = arith.constant 0 : i32
      %dma_wait3A_116 = arith.constant 0 : i32
      %dma_wait3A_117 = tpu.memref_slice %arg9[%run_scoped3A_90, %dma_wait3A_115, %dma_wait3A_116] : memref<2x128x64xf32, #tpu.memory_space<vmem>> -> memref<1x128x64xf32, #tpu.memory_space<vmem>>
      %dma_wait3A_118 = tpu.memref_squeeze %dma_wait3A_117 : memref<1x128x64xf32, #tpu.memory_space<vmem>> -> memref<128x64xf32, #tpu.memory_space<vmem>>
      %dma_wait3A_119 = arith.constant 0 : i32
      %dma_wait3A_120 = tpu.memref_slice %arg8[%add3A_89, %dma_wait3A_119] : memref<80x128xi32, #tpu.memory_space<vmem>> -> memref<1x128xi32, #tpu.memory_space<vmem>>
      %dma_wait3A_121 = tpu.memref_squeeze %dma_wait3A_120 : memref<1x128xi32, #tpu.memory_space<vmem>> -> memref<128xi32, #tpu.memory_space<vmem>>
      %dma_wait3A_122 = arith.constant 0 : i32
      %dma_wait3A_123 = arith.constant 0 : i32
      %dma_wait3A_124 = tpu.memref_slice %arg10[%dma_wait3A_122, %dma_wait3A_123] : memref<10240x64xf32, #tpu.memory_space<vmem_shared>> -> memref<10240x64xf32, #tpu.memory_space<vmem_shared>>
      tpu.wait_indirect_dma semaphore(%run_scoped3A_104 : memref<!tpu.dma_semaphore, #tpu.memory_space<semaphore_mem>>) src(%dma_wait3A_118 : memref<128x64xf32, #tpu.memory_space<vmem>>) dst(%dma_wait3A_124 : memref<10240x64xf32, #tpu.memory_space<vmem_shared>>)
      tpu.yield
    }) : () -> ()
    %add3A_91 = arith.constant 3 : i32
    %add3A_92 = arith.addi %mul3A_59, %add3A_91 : i32
    %lt3A_93 = arith.constant 2 : i32
    %lt3A_94 = arith.cmpi slt, %add3A_92, %lt3A_93 : i32
    %convert_element_type3A_95 = arith.extui %lt3A_94 : i1 to i32
    %cond3A_96 = arith.constant 0 : i32
    %cond3A_97 = arith.cmpi ne, %convert_element_type3A_95, %cond3A_96 : i32
    scf.if %cond3A_97 {
      %add3A_104 = arith.constant 3 : i32
      %add3A_105 = arith.addi %mul3A_59, %add3A_104 : i32
      %dma_start3A_106 = arith.constant 1 : i32
      %dma_start3A_107 = arith.constant 0 : i32
      %dma_start3A_108 = arith.constant 0 : i32
      %dma_start3A_109 = tpu.memref_slice %arg9[%dma_start3A_106, %dma_start3A_107, %dma_start3A_108] : memref<2x128x64xf32, #tpu.memory_space<vmem>> -> memref<1x128x64xf32, #tpu.memory_space<vmem>>
      %dma_start3A_110 = tpu.memref_squeeze %dma_start3A_109 : memref<1x128x64xf32, #tpu.memory_space<vmem>> -> memref<128x64xf32, #tpu.memory_space<vmem>>
      %dma_start3A_111 = arith.constant 0 : i32
      %dma_start3A_112 = tpu.memref_slice %arg7[%add3A_105, %dma_start3A_111] : memref<80x128xi32, #tpu.memory_space<vmem>> -> memref<1x128xi32, #tpu.memory_space<vmem>>
      %dma_start3A_113 = tpu.memref_squeeze %dma_start3A_112 : memref<1x128xi32, #tpu.memory_space<vmem>> -> memref<128xi32, #tpu.memory_space<vmem>>
      %dma_start3A_114 = arith.constant 0 : i32
      %dma_start3A_115 = arith.constant 0 : i32
      %dma_start3A_116 = tpu.memref_slice %arg2[%dma_start3A_114, %dma_start3A_115] : memref<10000x64xf32, #tpu.memory_space<hbm>> -> memref<10000x64xf32, #tpu.memory_space<hbm>>
      tpu.enqueue_indirect_dma source(%dma_start3A_116 : memref<10000x64xf32, #tpu.memory_space<hbm>>) target(%dma_start3A_110 : memref<128x64xf32, #tpu.memory_space<vmem>>) offsets(%dma_start3A_113 : memref<128xi32, #tpu.memory_space<vmem>>) semaphore(%arg12 : memref<!tpu.dma_semaphore, #tpu.memory_space<semaphore_mem>>)
    } else {
    }
    %scan3A_98 = arith.constant 1 : i32
    %barrier3A_99 = arith.constant 0 : index
    tpu.barrier barrier_id(%barrier3A_99)
    %mul3A_100 = arith.constant 640 : i32
    %mul3A_101 = arith.muli %arg1, %mul3A_100 : i32
    %mul3A_102 = arith.constant 640 : i32
    %mul3A_103 = arith.muli %arg1, %mul3A_102 : i32
    "tpu.region"() ({
      %run_scoped3A_104 = tpu.sem_alloc : memref<!tpu.dma_semaphore, #tpu.memory_space<semaphore_mem>>
      %dma_start3A_105 = arith.constant 0 : i32
      %dma_start3A_106 = tpu.memref_slice %arg6[%arg0, %mul3A_103, %dma_start3A_105] : memref<2x10240x64xf32, #tpu.memory_space<hbm>> -> memref<1x640x64xf32, #tpu.memory_space<hbm>>
      %dma_start3A_107 = tpu.memref_squeeze %dma_start3A_106 : memref<1x640x64xf32, #tpu.memory_space<hbm>> -> memref<640x64xf32, #tpu.memory_space<hbm>>
      %dma_start3A_108 = arith.constant 0 : i32
      %dma_start3A_109 = tpu.memref_slice %arg10[%mul3A_101, %dma_start3A_108] : memref<10240x64xf32, #tpu.memory_space<vmem_shared>> -> memref<640x64xf32, #tpu.memory_space<vmem_shared>>
      tpu.enqueue_dma source(%dma_start3A_109 : memref<640x64xf32, #tpu.memory_space<vmem_shared>>) target(%dma_start3A_107 : memref<640x64xf32, #tpu.memory_space<hbm>>) target_semaphore(%run_scoped3A_104 : memref<!tpu.dma_semaphore, #tpu.memory_space<semaphore_mem>>)
      %dma_wait3A_110 = arith.constant 0 : i32
      %dma_wait3A_111 = tpu.memref_slice %arg6[%arg0, %mul3A_103, %dma_wait3A_110] : memref<2x10240x64xf32, #tpu.memory_space<hbm>> -> memref<1x640x64xf32, #tpu.memory_space<hbm>>
      %dma_wait3A_112 = tpu.memref_squeeze %dma_wait3A_111 : memref<1x640x64xf32, #tpu.memory_space<hbm>> -> memref<640x64xf32, #tpu.memory_space<hbm>>
      %dma_wait3A_113 = arith.constant 0 : i32
      %dma_wait3A_114 = tpu.memref_slice %arg10[%mul3A_101, %dma_wait3A_113] : memref<10240x64xf32, #tpu.memory_space<vmem_shared>> -> memref<640x64xf32, #tpu.memory_space<vmem_shared>>
      tpu.wait_dma2 semaphore(%run_scoped3A_104 : memref<!tpu.dma_semaphore, #tpu.memory_space<semaphore_mem>>) src(%dma_wait3A_114 : memref<640x64xf32, #tpu.memory_space<vmem_shared>>) dst(%dma_wait3A_112 : memref<640x64xf32, #tpu.memory_space<hbm>>)
      tpu.yield
    }) : () -> ()
    return
  }
}

#map = affine_map<(d0, d1) -> (0, 0)>
#map1 = affine_map<(d0, d1) -> (0, 0, 0)>
module attributes {stable_mosaic.version = 14 : i64} {
  func.func @scatter_kernel(%arg0: i32, %arg1: i32, %arg2: memref<10000x64xf32, #tpu.memory_space<hbm>>, %arg3: memref<32x80x128xi32, #tpu.memory_space<hbm>>, %arg4: memref<32x80x128xi32, #tpu.memory_space<hbm>>, %arg5: memref<640x64xf32, #tpu.memory_space<hbm>>, %arg6: memref<2x10240x64xf32, #tpu.memory_space<hbm>>, %arg7: memref<80x128xi32, #tpu.memory_space<vmem>>, %arg8: memref<80x128xi32, #tpu.memory_space<vmem>>, %arg9: memref<2x128x64xf32, #tpu.memory_space<vmem>>, %arg10: memref<10240x64xf32, #tpu.memory_space<vmem_shared>>, %arg11: memref<!tpu.dma_semaphore, #tpu.memory_space<semaphore_mem>>, %arg12: memref<!tpu.dma_semaphore, #tpu.memory_space<semaphore_mem>>, %arg13: memref<!tpu.dma_semaphore, #tpu.memory_space<semaphore_mem>>) attributes {dimension_semantics = [#tpu.dimension_semantics<core_parallel>, #tpu.dimension_semantics<subcore_parallel>], iteration_bounds = array<i64: 2, 16>, scalar_prefetch = 0 : i64, scratch_operands = 7 : i64, tpu.core_type = #tpu.core_type<sc_vector_subcore>, window_params = [{transform_indices = #map}, {transform_indices = #map1}, {transform_indices = #map1}, {transform_indices = #map}, {transform_indices = #map1}]} {
    %mul3A = arith.constant 2 : i32
    %mul3A_0 = arith.muli %arg1, %mul3A : i32
    %add3A = arith.addi %mul3A_0, %arg0 : i32
    %dma_start3A = arith.constant 0 : i32
    %dma_start3A_1 = arith.constant 0 : i32
    %dma_start3A_2 = tpu.memref_slice %arg3[%add3A, %dma_start3A, %dma_start3A_1] : memref<32x80x128xi32, #tpu.memory_space<hbm>> -> memref<1x80x128xi32, #tpu.memory_space<hbm>>
    %dma_start3A_3 = tpu.memref_squeeze %dma_start3A_2 : memref<1x80x128xi32, #tpu.memory_space<hbm>> -> memref<80x128xi32, #tpu.memory_space<hbm>>
    %dma_start3A_4 = arith.constant 0 : i32
    %dma_start3A_5 = arith.constant 0 : i32
    %dma_start3A_6 = tpu.memref_slice %arg3[%add3A, %dma_start3A_4, %dma_start3A_5] : memref<32x80x128xi32, #tpu.memory_space<hbm>> -> memref<1x80x128xi32, #tpu.memory_space<hbm>>
    %dma_start3A_7 = tpu.memref_squeeze %dma_start3A_6 : memref<1x80x128xi32, #tpu.memory_space<hbm>> -> memref<80x128xi32, #tpu.memory_space<hbm>>
    tpu.enqueue_dma source(%dma_start3A_7 : memref<80x128xi32, #tpu.memory_space<hbm>>) target(%arg7 : memref<80x128xi32, #tpu.memory_space<vmem>>) target_semaphore(%arg13 : memref<!tpu.dma_semaphore, #tpu.memory_space<semaphore_mem>>)
    %dma_start3A_8 = arith.constant 0 : i32
    %dma_start3A_9 = arith.constant 0 : i32
    %dma_start3A_10 = tpu.memref_slice %arg4[%add3A, %dma_start3A_8, %dma_start3A_9] : memref<32x80x128xi32, #tpu.memory_space<hbm>> -> memref<1x80x128xi32, #tpu.memory_space<hbm>>
    %dma_start3A_11 = tpu.memref_squeeze %dma_start3A_10 : memref<1x80x128xi32, #tpu.memory_space<hbm>> -> memref<80x128xi32, #tpu.memory_space<hbm>>
    %dma_start3A_12 = arith.constant 0 : i32
    %dma_start3A_13 = arith.constant 0 : i32
    %dma_start3A_14 = tpu.memref_slice %arg4[%add3A, %dma_start3A_12, %dma_start3A_13] : memref<32x80x128xi32, #tpu.memory_space<hbm>> -> memref<1x80x128xi32, #tpu.memory_space<hbm>>
    %dma_start3A_15 = tpu.memref_squeeze %dma_start3A_14 : memref<1x80x128xi32, #tpu.memory_space<hbm>> -> memref<80x128xi32, #tpu.memory_space<hbm>>
    tpu.enqueue_dma source(%dma_start3A_15 : memref<80x128xi32, #tpu.memory_space<hbm>>) target(%arg8 : memref<80x128xi32, #tpu.memory_space<vmem>>) target_semaphore(%arg13 : memref<!tpu.dma_semaphore, #tpu.memory_space<semaphore_mem>>)
    %mul3A_16 = arith.constant 640 : i32
    %mul3A_17 = arith.muli %arg1, %mul3A_16 : i32
    "tpu.region"() ({
      %run_scoped3A_104 = tpu.sem_alloc : memref<!tpu.dma_semaphore, #tpu.memory_space<semaphore_mem>>
      %dma_start3A_105 = arith.constant 0 : i32
      %dma_start3A_106 = tpu.memref_slice %arg10[%mul3A_17, %dma_start3A_105] : memref<10240x64xf32, #tpu.memory_space<vmem_shared>> -> memref<640x64xf32, #tpu.memory_space<vmem_shared>>
      tpu.enqueue_dma source(%arg5 : memref<640x64xf32, #tpu.memory_space<hbm>>) target(%dma_start3A_106 : memref<640x64xf32, #tpu.memory_space<vmem_shared>>) target_semaphore(%run_scoped3A_104 : memref<!tpu.dma_semaphore, #tpu.memory_space<semaphore_mem>>)
      %dma_wait3A_107 = arith.constant 0 : i32
      %dma_wait3A_108 = tpu.memref_slice %arg10[%mul3A_17, %dma_wait3A_107] : memref<10240x64xf32, #tpu.memory_space<vmem_shared>> -> memref<640x64xf32, #tpu.memory_space<vmem_shared>>
      tpu.wait_dma2 semaphore(%run_scoped3A_104 : memref<!tpu.dma_semaphore, #tpu.memory_space<semaphore_mem>>) src(%arg5 : memref<640x64xf32, #tpu.memory_space<hbm>>) dst(%dma_wait3A_108 : memref<640x64xf32, #tpu.memory_space<vmem_shared>>)
      tpu.yield
    }) : () -> ()
    %dma_wait3A = arith.constant 0 : i32
    %dma_wait3A_18 = arith.constant 0 : i32
    %dma_wait3A_19 = tpu.memref_slice %arg3[%add3A, %dma_wait3A, %dma_wait3A_18] : memref<32x80x128xi32, #tpu.memory_space<hbm>> -> memref<1x80x128xi32, #tpu.memory_space<hbm>>
    %dma_wait3A_20 = tpu.memref_squeeze %dma_wait3A_19 : memref<1x80x128xi32, #tpu.memory_space<hbm>> -> memref<80x128xi32, #tpu.memory_space<hbm>>
    %dma_wait3A_21 = arith.constant 0 : i32
    %dma_wait3A_22 = arith.constant 0 : i32
    %dma_wait3A_23 = tpu.memref_slice %arg3[%add3A, %dma_wait3A_21, %dma_wait3A_22] : memref<32x80x128xi32, #tpu.memory_space<hbm>> -> memref<1x80x128xi32, #tpu.memory_space<hbm>>
    %dma_wait3A_24 = tpu.memref_squeeze %dma_wait3A_23 : memref<1x80x128xi32, #tpu.memory_space<hbm>> -> memref<80x128xi32, #tpu.memory_space<hbm>>
    tpu.wait_dma2 semaphore(%arg13 : memref<!tpu.dma_semaphore, #tpu.memory_space<semaphore_mem>>) src(%dma_wait3A_24 : memref<80x128xi32, #tpu.memory_space<hbm>>) dst(%arg7 : memref<80x128xi32, #tpu.memory_space<vmem>>)
    %dma_wait3A_25 = arith.constant 0 : i32
    %dma_wait3A_26 = arith.constant 0 : i32
    %dma_wait3A_27 = tpu.memref_slice %arg4[%add3A, %dma_wait3A_25, %dma_wait3A_26] : memref<32x80x128xi32, #tpu.memory_space<hbm>> -> memref<1x80x128xi32, #tpu.memory_space<hbm>>
    %dma_wait3A_28 = tpu.memref_squeeze %dma_wait3A_27 : memref<1x80x128xi32, #tpu.memory_space<hbm>> -> memref<80x128xi32, #tpu.memory_space<hbm>>
    %dma_wait3A_29 = arith.constant 0 : i32
    %dma_wait3A_30 = arith.constant 0 : i32
    %dma_wait3A_31 = tpu.memref_slice %arg4[%add3A, %dma_wait3A_29, %dma_wait3A_30] : memref<32x80x128xi32, #tpu.memory_space<hbm>> -> memref<1x80x128xi32, #tpu.memory_space<hbm>>
    %dma_wait3A_32 = tpu.memref_squeeze %dma_wait3A_31 : memref<1x80x128xi32, #tpu.memory_space<hbm>> -> memref<80x128xi32, #tpu.memory_space<hbm>>
    tpu.wait_dma2 semaphore(%arg13 : memref<!tpu.dma_semaphore, #tpu.memory_space<semaphore_mem>>) src(%dma_wait3A_32 : memref<80x128xi32, #tpu.memory_space<hbm>>) dst(%arg8 : memref<80x128xi32, #tpu.memory_space<vmem>>)
    %dma_start3A_33 = arith.constant 0 : i32
    %dma_start3A_34 = arith.constant 0 : i32
    %dma_start3A_35 = arith.constant 0 : i32
    %dma_start3A_36 = arith.constant 0 : i32
    %dma_start3A_37 = tpu.memref_slice %arg9[%dma_start3A_34, %dma_start3A_35, %dma_start3A_36] : memref<2x128x64xf32, #tpu.memory_space<vmem>> -> memref<1x128x64xf32, #tpu.memory_space<vmem>>
    %dma_start3A_38 = tpu.memref_squeeze %dma_start3A_37 : memref<1x128x64xf32, #tpu.memory_space<vmem>> -> memref<128x64xf32, #tpu.memory_space<vmem>>
    %dma_start3A_39 = arith.constant 0 : i32
    %dma_start3A_40 = tpu.memref_slice %arg7[%dma_start3A_33, %dma_start3A_39] : memref<80x128xi32, #tpu.memory_space<vmem>> -> memref<1x128xi32, #tpu.memory_space<vmem>>
    %dma_start3A_41 = tpu.memref_squeeze %dma_start3A_40 : memref<1x128xi32, #tpu.memory_space<vmem>> -> memref<128xi32, #tpu.memory_space<vmem>>
    %dma_start3A_42 = arith.constant 0 : i32
    %dma_start3A_43 = arith.constant 0 : i32
    %dma_start3A_44 = tpu.memref_slice %arg2[%dma_start3A_42, %dma_start3A_43] : memref<10000x64xf32, #tpu.memory_space<hbm>> -> memref<10000x64xf32, #tpu.memory_space<hbm>>
    tpu.enqueue_indirect_dma source(%dma_start3A_44 : memref<10000x64xf32, #tpu.memory_space<hbm>>) target(%dma_start3A_38 : memref<128x64xf32, #tpu.memory_space<vmem>>) offsets(%dma_start3A_41 : memref<128xi32, #tpu.memory_space<vmem>>) semaphore(%arg11 : memref<!tpu.dma_semaphore, #tpu.memory_space<semaphore_mem>>)
    %dma_start3A_45 = arith.constant 1 : i32
    %dma_start3A_46 = arith.constant 1 : i32
    %dma_start3A_47 = arith.constant 0 : i32
    %dma_start3A_48 = arith.constant 0 : i32
    %dma_start3A_49 = tpu.memref_slice %arg9[%dma_start3A_46, %dma_start3A_47, %dma_start3A_48] : memref<2x128x64xf32, #tpu.memory_space<vmem>> -> memref<1x128x64xf32, #tpu.memory_space<vmem>>
    %dma_start3A_50 = tpu.memref_squeeze %dma_start3A_49 : memref<1x128x64xf32, #tpu.memory_space<vmem>> -> memref<128x64xf32, #tpu.memory_space<vmem>>
    %dma_start3A_51 = arith.constant 0 : i32
    %dma_start3A_52 = tpu.memref_slice %arg7[%dma_start3A_45, %dma_start3A_51] : memref<80x128xi32, #tpu.memory_space<vmem>> -> memref<1x128xi32, #tpu.memory_space<vmem>>
    %dma_start3A_53 = tpu.memref_squeeze %dma_start3A_52 : memref<1x128xi32, #tpu.memory_space<vmem>> -> memref<128xi32, #tpu.memory_space<vmem>>
    %dma_start3A_54 = arith.constant 0 : i32
    %dma_start3A_55 = arith.constant 0 : i32
    %dma_start3A_56 = tpu.memref_slice %arg2[%dma_start3A_54, %dma_start3A_55] : memref<10000x64xf32, #tpu.memory_space<hbm>> -> memref<10000x64xf32, #tpu.memory_space<hbm>>
    tpu.enqueue_indirect_dma source(%dma_start3A_56 : memref<10000x64xf32, #tpu.memory_space<hbm>>) target(%dma_start3A_50 : memref<128x64xf32, #tpu.memory_space<vmem>>) offsets(%dma_start3A_53 : memref<128xi32, #tpu.memory_space<vmem>>) semaphore(%arg12 : memref<!tpu.dma_semaphore, #tpu.memory_space<semaphore_mem>>)
    %barrier3A = arith.constant 0 : index
    tpu.barrier barrier_id(%barrier3A)
    %scan3A = arith.constant 0 : i32
    %scan3A_57 = arith.constant 0 : i32
    %mul3A_58 = arith.constant 2 : i32
    %mul3A_59 = arith.muli %mul3A_58, %scan3A_57 : i32
    %dma_wait3A_60 = arith.constant 0 : i32
    %dma_wait3A_61 = arith.constant 0 : i32
    %dma_wait3A_62 = arith.constant 0 : i32
    %dma_wait3A_63 = tpu.memref_slice %arg9[%dma_wait3A_60, %dma_wait3A_61, %dma_wait3A_62] : memref<2x128x64xf32, #tpu.memory_space<vmem>> -> memref<1x128x64xf32, #tpu.memory_space<vmem>>
    %dma_wait3A_64 = tpu.memref_squeeze %dma_wait3A_63 : memref<1x128x64xf32, #tpu.memory_space<vmem>> -> memref<128x64xf32, #tpu.memory_space<vmem>>
    %dma_wait3A_65 = arith.constant 0 : i32
    %dma_wait3A_66 = tpu.memref_slice %arg7[%mul3A_59, %dma_wait3A_65] : memref<80x128xi32, #tpu.memory_space<vmem>> -> memref<1x128xi32, #tpu.memory_space<vmem>>
    %dma_wait3A_67 = tpu.memref_squeeze %dma_wait3A_66 : memref<1x128xi32, #tpu.memory_space<vmem>> -> memref<128xi32, #tpu.memory_space<vmem>>
    %dma_wait3A_68 = arith.constant 0 : i32
    %dma_wait3A_69 = arith.constant 0 : i32
    %dma_wait3A_70 = tpu.memref_slice %arg2[%dma_wait3A_68, %dma_wait3A_69] : memref<10000x64xf32, #tpu.memory_space<hbm>> -> memref<10000x64xf32, #tpu.memory_space<hbm>>
    tpu.wait_indirect_dma semaphore(%arg11 : memref<!tpu.dma_semaphore, #tpu.memory_space<semaphore_mem>>) src(%dma_wait3A_70 : memref<10000x64xf32, #tpu.memory_space<hbm>>) dst(%dma_wait3A_64 : memref<128x64xf32, #tpu.memory_space<vmem>>)
    %run_scoped3A = arith.constant 0 : i32
    "tpu.region"() ({
      %run_scoped3A_104 = tpu.sem_alloc : memref<!tpu.dma_semaphore, #tpu.memory_space<semaphore_mem>>
      %dma_start3A_105 = arith.constant 0 : i32
      %dma_start3A_106 = arith.constant 0 : i32
      %dma_start3A_107 = tpu.memref_slice %arg9[%run_scoped3A, %dma_start3A_105, %dma_start3A_106] : memref<2x128x64xf32, #tpu.memory_space<vmem>> -> memref<1x128x64xf32, #tpu.memory_space<vmem>>
      %dma_start3A_108 = tpu.memref_squeeze %dma_start3A_107 : memref<1x128x64xf32, #tpu.memory_space<vmem>> -> memref<128x64xf32, #tpu.memory_space<vmem>>
      %dma_start3A_109 = arith.constant 0 : i32
      %dma_start3A_110 = tpu.memref_slice %arg8[%mul3A_59, %dma_start3A_109] : memref<80x128xi32, #tpu.memory_space<vmem>> -> memref<1x128xi32, #tpu.memory_space<vmem>>
      %dma_start3A_111 = tpu.memref_squeeze %dma_start3A_110 : memref<1x128xi32, #tpu.memory_space<vmem>> -> memref<128xi32, #tpu.memory_space<vmem>>
      %dma_start3A_112 = arith.constant 0 : i32
      %dma_start3A_113 = arith.constant 0 : i32
      %dma_start3A_114 = tpu.memref_slice %arg10[%dma_start3A_112, %dma_start3A_113] : memref<10240x64xf32, #tpu.memory_space<vmem_shared>> -> memref<10240x64xf32, #tpu.memory_space<vmem_shared>>
      tpu.enqueue_indirect_dma source(%dma_start3A_108 : memref<128x64xf32, #tpu.memory_space<vmem>>) target(%dma_start3A_114 : memref<10240x64xf32, #tpu.memory_space<vmem_shared>>) offsets(%dma_start3A_111 : memref<128xi32, #tpu.memory_space<vmem>>) semaphore(%run_scoped3A_104 : memref<!tpu.dma_semaphore, #tpu.memory_space<semaphore_mem>>) {add = true}
      %dma_wait3A_115 = arith.constant 0 : i32
      %dma_wait3A_116 = arith.constant 0 : i32
      %dma_wait3A_117 = tpu.memref_slice %arg9[%run_scoped3A, %dma_wait3A_115, %dma_wait3A_116] : memref<2x128x64xf32, #tpu.memory_space<vmem>> -> memref<1x128x64xf32, #tpu.memory_space<vmem>>
      %dma_wait3A_118 = tpu.memref_squeeze %dma_wait3A_117 : memref<1x128x64xf32, #tpu.memory_space<vmem>> -> memref<128x64xf32, #tpu.memory_space<vmem>>
      %dma_wait3A_119 = arith.constant 0 : i32
      %dma_wait3A_120 = tpu.memref_slice %arg8[%mul3A_59, %dma_wait3A_119] : memref<80x128xi32, #tpu.memory_space<vmem>> -> memref<1x128xi32, #tpu.memory_space<vmem>>
      %dma_wait3A_121 = tpu.memref_squeeze %dma_wait3A_120 : memref<1x128xi32, #tpu.memory_space<vmem>> -> memref<128xi32, #tpu.memory_space<vmem>>
      %dma_wait3A_122 = arith.constant 0 : i32
      %dma_wait3A_123 = arith.constant 0 : i32
      %dma_wait3A_124 = tpu.memref_slice %arg10[%dma_wait3A_122, %dma_wait3A_123] : memref<10240x64xf32, #tpu.memory_space<vmem_shared>> -> memref<10240x64xf32, #tpu.memory_space<vmem_shared>>
      tpu.wait_indirect_dma semaphore(%run_scoped3A_104 : memref<!tpu.dma_semaphore, #tpu.memory_space<semaphore_mem>>) src(%dma_wait3A_118 : memref<128x64xf32, #tpu.memory_space<vmem>>) dst(%dma_wait3A_124 : memref<10240x64xf32, #tpu.memory_space<vmem_shared>>)
      tpu.yield
    }) : () -> ()
    %add3A_71 = arith.constant 2 : i32
    %add3A_72 = arith.addi %mul3A_59, %add3A_71 : i32
    %lt3A = arith.constant 2 : i32
    %lt3A_73 = arith.cmpi slt, %add3A_72, %lt3A : i32
    %convert_element_type3A = arith.extui %lt3A_73 : i1 to i32
    %cond3A = arith.constant 0 : i32
    %cond3A_74 = arith.cmpi ne, %convert_element_type3A, %cond3A : i32
    scf.if %cond3A_74 {
      %add3A_104 = arith.constant 2 : i32
      %add3A_105 = arith.addi %mul3A_59, %add3A_104 : i32
      %dma_start3A_106 = arith.constant 0 : i32
      %dma_start3A_107 = arith.constant 0 : i32
      %dma_start3A_108 = arith.constant 0 : i32
      %dma_start3A_109 = tpu.memref_slice %arg9[%dma_start3A_106, %dma_start3A_107, %dma_start3A_108] : memref<2x128x64xf32, #tpu.memory_space<vmem>> -> memref<1x128x64xf32, #tpu.memory_space<vmem>>
      %dma_start3A_110 = tpu.memref_squeeze %dma_start3A_109 : memref<1x128x64xf32, #tpu.memory_space<vmem>> -> memref<128x64xf32, #tpu.memory_space<vmem>>
      %dma_start3A_111 = arith.constant 0 : i32
      %dma_start3A_112 = tpu.memref_slice %arg7[%add3A_105, %dma_start3A_111] : memref<80x128xi32, #tpu.memory_space<vmem>> -> memref<1x128xi32, #tpu.memory_space<vmem>>
      %dma_start3A_113 = tpu.memref_squeeze %dma_start3A_112 : memref<1x128xi32, #tpu.memory_space<vmem>> -> memref<128xi32, #tpu.memory_space<vmem>>
      %dma_start3A_114 = arith.constant 0 : i32
      %dma_start3A_115 = arith.constant 0 : i32
      %dma_start3A_116 = tpu.memref_slice %arg2[%dma_start3A_114, %dma_start3A_115] : memref<10000x64xf32, #tpu.memory_space<hbm>> -> memref<10000x64xf32, #tpu.memory_space<hbm>>
      tpu.enqueue_indirect_dma source(%dma_start3A_116 : memref<10000x64xf32, #tpu.memory_space<hbm>>) target(%dma_start3A_110 : memref<128x64xf32, #tpu.memory_space<vmem>>) offsets(%dma_start3A_113 : memref<128xi32, #tpu.memory_space<vmem>>) semaphore(%arg11 : memref<!tpu.dma_semaphore, #tpu.memory_space<semaphore_mem>>)
    } else {
    }
    %add3A_75 = arith.constant 1 : i32
    %add3A_76 = arith.addi %mul3A_59, %add3A_75 : i32
    %dma_wait3A_77 = arith.constant 1 : i32
    %dma_wait3A_78 = arith.constant 0 : i32
    %dma_wait3A_79 = arith.constant 0 : i32
    %dma_wait3A_80 = tpu.memref_slice %arg9[%dma_wait3A_77, %dma_wait3A_78, %dma_wait3A_79] : memref<2x128x64xf32, #tpu.memory_space<vmem>> -> memref<1x128x64xf32, #tpu.memory_space<vmem>>
    %dma_wait3A_81 = tpu.memref_squeeze %dma_wait3A_80 : memref<1x128x64xf32, #tpu.memory_space<vmem>> -> memref<128x64xf32, #tpu.memory_space<vmem>>
    %dma_wait3A_82 = arith.constant 0 : i32
    %dma_wait3A_83 = tpu.memref_slice %arg7[%add3A_76, %dma_wait3A_82] : memref<80x128xi32, #tpu.memory_space<vmem>> -> memref<1x128xi32, #tpu.memory_space<vmem>>
    %dma_wait3A_84 = tpu.memref_squeeze %dma_wait3A_83 : memref<1x128xi32, #tpu.memory_space<vmem>> -> memref<128xi32, #tpu.memory_space<vmem>>
    %dma_wait3A_85 = arith.constant 0 : i32
    %dma_wait3A_86 = arith.constant 0 : i32
    %dma_wait3A_87 = tpu.memref_slice %arg2[%dma_wait3A_85, %dma_wait3A_86] : memref<10000x64xf32, #tpu.memory_space<hbm>> -> memref<10000x64xf32, #tpu.memory_space<hbm>>
    tpu.wait_indirect_dma semaphore(%arg12 : memref<!tpu.dma_semaphore, #tpu.memory_space<semaphore_mem>>) src(%dma_wait3A_87 : memref<10000x64xf32, #tpu.memory_space<hbm>>) dst(%dma_wait3A_81 : memref<128x64xf32, #tpu.memory_space<vmem>>)
    %add3A_88 = arith.constant 1 : i32
    %add3A_89 = arith.addi %mul3A_59, %add3A_88 : i32
    %run_scoped3A_90 = arith.constant 1 : i32
    "tpu.region"() ({
      %run_scoped3A_104 = tpu.sem_alloc : memref<!tpu.dma_semaphore, #tpu.memory_space<semaphore_mem>>
      %dma_start3A_105 = arith.constant 0 : i32
      %dma_start3A_106 = arith.constant 0 : i32
      %dma_start3A_107 = tpu.memref_slice %arg9[%run_scoped3A_90, %dma_start3A_105, %dma_start3A_106] : memref<2x128x64xf32, #tpu.memory_space<vmem>> -> memref<1x128x64xf32, #tpu.memory_space<vmem>>
      %dma_start3A_108 = tpu.memref_squeeze %dma_start3A_107 : memref<1x128x64xf32, #tpu.memory_space<vmem>> -> memref<128x64xf32, #tpu.memory_space<vmem>>
      %dma_start3A_109 = arith.constant 0 : i32
      %dma_start3A_110 = tpu.memref_slice %arg8[%add3A_89, %dma_start3A_109] : memref<80x128xi32, #tpu.memory_space<vmem>> -> memref<1x128xi32, #tpu.memory_space<vmem>>
      %dma_start3A_111 = tpu.memref_squeeze %dma_start3A_110 : memref<1x128xi32, #tpu.memory_space<vmem>> -> memref<128xi32, #tpu.memory_space<vmem>>
      %dma_start3A_112 = arith.constant 0 : i32
      %dma_start3A_113 = arith.constant 0 : i32
      %dma_start3A_114 = tpu.memref_slice %arg10[%dma_start3A_112, %dma_start3A_113] : memref<10240x64xf32, #tpu.memory_space<vmem_shared>> -> memref<10240x64xf32, #tpu.memory_space<vmem_shared>>
      tpu.enqueue_indirect_dma source(%dma_start3A_108 : memref<128x64xf32, #tpu.memory_space<vmem>>) target(%dma_start3A_114 : memref<10240x64xf32, #tpu.memory_space<vmem_shared>>) offsets(%dma_start3A_111 : memref<128xi32, #tpu.memory_space<vmem>>) semaphore(%run_scoped3A_104 : memref<!tpu.dma_semaphore, #tpu.memory_space<semaphore_mem>>) {add = true}
      %dma_wait3A_115 = arith.constant 0 : i32
      %dma_wait3A_116 = arith.constant 0 : i32
      %dma_wait3A_117 = tpu.memref_slice %arg9[%run_scoped3A_90, %dma_wait3A_115, %dma_wait3A_116] : memref<2x128x64xf32, #tpu.memory_space<vmem>> -> memref<1x128x64xf32, #tpu.memory_space<vmem>>
      %dma_wait3A_118 = tpu.memref_squeeze %dma_wait3A_117 : memref<1x128x64xf32, #tpu.memory_space<vmem>> -> memref<128x64xf32, #tpu.memory_space<vmem>>
      %dma_wait3A_119 = arith.constant 0 : i32
      %dma_wait3A_120 = tpu.memref_slice %arg8[%add3A_89, %dma_wait3A_119] : memref<80x128xi32, #tpu.memory_space<vmem>> -> memref<1x128xi32, #tpu.memory_space<vmem>>
      %dma_wait3A_121 = tpu.memref_squeeze %dma_wait3A_120 : memref<1x128xi32, #tpu.memory_space<vmem>> -> memref<128xi32, #tpu.memory_space<vmem>>
      %dma_wait3A_122 = arith.constant 0 : i32
      %dma_wait3A_123 = arith.constant 0 : i32
      %dma_wait3A_124 = tpu.memref_slice %arg10[%dma_wait3A_122, %dma_wait3A_123] : memref<10240x64xf32, #tpu.memory_space<vmem_shared>> -> memref<10240x64xf32, #tpu.memory_space<vmem_shared>>
      tpu.wait_indirect_dma semaphore(%run_scoped3A_104 : memref<!tpu.dma_semaphore, #tpu.memory_space<semaphore_mem>>) src(%dma_wait3A_118 : memref<128x64xf32, #tpu.memory_space<vmem>>) dst(%dma_wait3A_124 : memref<10240x64xf32, #tpu.memory_space<vmem_shared>>)
      tpu.yield
    }) : () -> ()
    %add3A_91 = arith.constant 3 : i32
    %add3A_92 = arith.addi %mul3A_59, %add3A_91 : i32
    %lt3A_93 = arith.constant 2 : i32
    %lt3A_94 = arith.cmpi slt, %add3A_92, %lt3A_93 : i32
    %convert_element_type3A_95 = arith.extui %lt3A_94 : i1 to i32
    %cond3A_96 = arith.constant 0 : i32
    %cond3A_97 = arith.cmpi ne, %convert_element_type3A_95, %cond3A_96 : i32
    scf.if %cond3A_97 {
      %add3A_104 = arith.constant 3 : i32
      %add3A_105 = arith.addi %mul3A_59, %add3A_104 : i32
      %dma_start3A_106 = arith.constant 1 : i32
      %dma_start3A_107 = arith.constant 0 : i32
      %dma_start3A_108 = arith.constant 0 : i32
      %dma_start3A_109 = tpu.memref_slice %arg9[%dma_start3A_106, %dma_start3A_107, %dma_start3A_108] : memref<2x128x64xf32, #tpu.memory_space<vmem>> -> memref<1x128x64xf32, #tpu.memory_space<vmem>>
      %dma_start3A_110 = tpu.memref_squeeze %dma_start3A_109 : memref<1x128x64xf32, #tpu.memory_space<vmem>> -> memref<128x64xf32, #tpu.memory_space<vmem>>
      %dma_start3A_111 = arith.constant 0 : i32
      %dma_start3A_112 = tpu.memref_slice %arg7[%add3A_105, %dma_start3A_111] : memref<80x128xi32, #tpu.memory_space<vmem>> -> memref<1x128xi32, #tpu.memory_space<vmem>>
      %dma_start3A_113 = tpu.memref_squeeze %dma_start3A_112 : memref<1x128xi32, #tpu.memory_space<vmem>> -> memref<128xi32, #tpu.memory_space<vmem>>
      %dma_start3A_114 = arith.constant 0 : i32
      %dma_start3A_115 = arith.constant 0 : i32
      %dma_start3A_116 = tpu.memref_slice %arg2[%dma_start3A_114, %dma_start3A_115] : memref<10000x64xf32, #tpu.memory_space<hbm>> -> memref<10000x64xf32, #tpu.memory_space<hbm>>
      tpu.enqueue_indirect_dma source(%dma_start3A_116 : memref<10000x64xf32, #tpu.memory_space<hbm>>) target(%dma_start3A_110 : memref<128x64xf32, #tpu.memory_space<vmem>>) offsets(%dma_start3A_113 : memref<128xi32, #tpu.memory_space<vmem>>) semaphore(%arg12 : memref<!tpu.dma_semaphore, #tpu.memory_space<semaphore_mem>>)
    } else {
    }
    %scan3A_98 = arith.constant 1 : i32
    %barrier3A_99 = arith.constant 0 : index
    tpu.barrier barrier_id(%barrier3A_99)
    %mul3A_100 = arith.constant 640 : i32
    %mul3A_101 = arith.muli %arg1, %mul3A_100 : i32
    %mul3A_102 = arith.constant 640 : i32
    %mul3A_103 = arith.muli %arg1, %mul3A_102 : i32
    "tpu.region"() ({
      %run_scoped3A_104 = tpu.sem_alloc : memref<!tpu.dma_semaphore, #tpu.memory_space<semaphore_mem>>
      %dma_start3A_105 = arith.constant 0 : i32
      %dma_start3A_106 = tpu.memref_slice %arg6[%arg0, %mul3A_103, %dma_start3A_105] : memref<2x10240x64xf32, #tpu.memory_space<hbm>> -> memref<1x640x64xf32, #tpu.memory_space<hbm>>
      %dma_start3A_107 = tpu.memref_squeeze %dma_start3A_106 : memref<1x640x64xf32, #tpu.memory_space<hbm>> -> memref<640x64xf32, #tpu.memory_space<hbm>>
      %dma_start3A_108 = arith.constant 0 : i32
      %dma_start3A_109 = tpu.memref_slice %arg10[%mul3A_101, %dma_start3A_108] : memref<10240x64xf32, #tpu.memory_space<vmem_shared>> -> memref<640x64xf32, #tpu.memory_space<vmem_shared>>
      tpu.enqueue_dma source(%dma_start3A_109 : memref<640x64xf32, #tpu.memory_space<vmem_shared>>) target(%dma_start3A_107 : memref<640x64xf32, #tpu.memory_space<hbm>>) target_semaphore(%run_scoped3A_104 : memref<!tpu.dma_semaphore, #tpu.memory_space<semaphore_mem>>)
      %dma_wait3A_110 = arith.constant 0 : i32
      %dma_wait3A_111 = tpu.memref_slice %arg6[%arg0, %mul3A_103, %dma_wait3A_110] : memref<2x10240x64xf32, #tpu.memory_space<hbm>> -> memref<1x640x64xf32, #tpu.memory_space<hbm>>
      %dma_wait3A_112 = tpu.memref_squeeze %dma_wait3A_111 : memref<1x640x64xf32, #tpu.memory_space<hbm>> -> memref<640x64xf32, #tpu.memory_space<hbm>>
      %dma_wait3A_113 = arith.constant 0 : i32
      %dma_wait3A_114 = tpu.memref_slice %arg10[%mul3A_101, %dma_wait3A_113] : memref<10240x64xf32, #tpu.memory_space<vmem_shared>> -> memref<640x64xf32, #tpu.memory_space<vmem_shared>>
      tpu.wait_dma2 semaphore(%run_scoped3A_104 : memref<!tpu.dma_semaphore, #tpu.memory_space<semaphore_mem>>) src(%dma_wait3A_114 : memref<640x64xf32, #tpu.memory_space<vmem_shared>>) dst(%dma_wait3A_112 : memref<640x64xf32, #tpu.memory_space<hbm>>)
      tpu.yield
    }) : () -> ()
    return
  }
}

#map = affine_map<(d0, d1) -> (0, 0)>
#map1 = affine_map<(d0, d1) -> (0, 0, 0)>
module attributes {stable_mosaic.version = 14 : i64} {
  func.func @scatter_kernel(%arg0: i32, %arg1: i32, %arg2: memref<10000x64xf32, #tpu.memory_space<hbm>>, %arg3: memref<32x80x128xi32, #tpu.memory_space<hbm>>, %arg4: memref<32x80x128xi32, #tpu.memory_space<hbm>>, %arg5: memref<640x64xf32, #tpu.memory_space<hbm>>, %arg6: memref<2x10240x64xf32, #tpu.memory_space<hbm>>, %arg7: memref<80x128xi32, #tpu.memory_space<vmem>>, %arg8: memref<80x128xi32, #tpu.memory_space<vmem>>, %arg9: memref<2x128x64xf32, #tpu.memory_space<vmem>>, %arg10: memref<10240x64xf32, #tpu.memory_space<vmem_shared>>, %arg11: memref<!tpu.dma_semaphore, #tpu.memory_space<semaphore_mem>>, %arg12: memref<!tpu.dma_semaphore, #tpu.memory_space<semaphore_mem>>, %arg13: memref<!tpu.dma_semaphore, #tpu.memory_space<semaphore_mem>>) attributes {dimension_semantics = [#tpu.dimension_semantics<core_parallel>, #tpu.dimension_semantics<subcore_parallel>], iteration_bounds = array<i64: 2, 16>, scalar_prefetch = 0 : i64, scratch_operands = 7 : i64, tpu.core_type = #tpu.core_type<sc_vector_subcore>, window_params = [{transform_indices = #map}, {transform_indices = #map1}, {transform_indices = #map1}, {transform_indices = #map}, {transform_indices = #map1}]} {
    %mul3A = arith.constant 2 : i32
    %mul3A_0 = arith.muli %arg1, %mul3A : i32
    %add3A = arith.addi %mul3A_0, %arg0 : i32
    %dma_start3A = arith.constant 0 : i32
    %dma_start3A_1 = arith.constant 0 : i32
    %dma_start3A_2 = tpu.memref_slice %arg3[%add3A, %dma_start3A, %dma_start3A_1] : memref<32x80x128xi32, #tpu.memory_space<hbm>> -> memref<1x80x128xi32, #tpu.memory_space<hbm>>
    %dma_start3A_3 = tpu.memref_squeeze %dma_start3A_2 : memref<1x80x128xi32, #tpu.memory_space<hbm>> -> memref<80x128xi32, #tpu.memory_space<hbm>>
    %dma_start3A_4 = arith.constant 0 : i32
    %dma_start3A_5 = arith.constant 0 : i32
    %dma_start3A_6 = tpu.memref_slice %arg3[%add3A, %dma_start3A_4, %dma_start3A_5] : memref<32x80x128xi32, #tpu.memory_space<hbm>> -> memref<1x80x128xi32, #tpu.memory_space<hbm>>
    %dma_start3A_7 = tpu.memref_squeeze %dma_start3A_6 : memref<1x80x128xi32, #tpu.memory_space<hbm>> -> memref<80x128xi32, #tpu.memory_space<hbm>>
    tpu.enqueue_dma source(%dma_start3A_7 : memref<80x128xi32, #tpu.memory_space<hbm>>) target(%arg7 : memref<80x128xi32, #tpu.memory_space<vmem>>) target_semaphore(%arg13 : memref<!tpu.dma_semaphore, #tpu.memory_space<semaphore_mem>>)
    %dma_start3A_8 = arith.constant 0 : i32
    %dma_start3A_9 = arith.constant 0 : i32
    %dma_start3A_10 = tpu.memref_slice %arg4[%add3A, %dma_start3A_8, %dma_start3A_9] : memref<32x80x128xi32, #tpu.memory_space<hbm>> -> memref<1x80x128xi32, #tpu.memory_space<hbm>>
    %dma_start3A_11 = tpu.memref_squeeze %dma_start3A_10 : memref<1x80x128xi32, #tpu.memory_space<hbm>> -> memref<80x128xi32, #tpu.memory_space<hbm>>
    %dma_start3A_12 = arith.constant 0 : i32
    %dma_start3A_13 = arith.constant 0 : i32
    %dma_start3A_14 = tpu.memref_slice %arg4[%add3A, %dma_start3A_12, %dma_start3A_13] : memref<32x80x128xi32, #tpu.memory_space<hbm>> -> memref<1x80x128xi32, #tpu.memory_space<hbm>>
    %dma_start3A_15 = tpu.memref_squeeze %dma_start3A_14 : memref<1x80x128xi32, #tpu.memory_space<hbm>> -> memref<80x128xi32, #tpu.memory_space<hbm>>
    tpu.enqueue_dma source(%dma_start3A_15 : memref<80x128xi32, #tpu.memory_space<hbm>>) target(%arg8 : memref<80x128xi32, #tpu.memory_space<vmem>>) target_semaphore(%arg13 : memref<!tpu.dma_semaphore, #tpu.memory_space<semaphore_mem>>)
    %mul3A_16 = arith.constant 640 : i32
    %mul3A_17 = arith.muli %arg1, %mul3A_16 : i32
    "tpu.region"() ({
      %run_scoped3A_104 = tpu.sem_alloc : memref<!tpu.dma_semaphore, #tpu.memory_space<semaphore_mem>>
      %dma_start3A_105 = arith.constant 0 : i32
      %dma_start3A_106 = tpu.memref_slice %arg10[%mul3A_17, %dma_start3A_105] : memref<10240x64xf32, #tpu.memory_space<vmem_shared>> -> memref<640x64xf32, #tpu.memory_space<vmem_shared>>
      tpu.enqueue_dma source(%arg5 : memref<640x64xf32, #tpu.memory_space<hbm>>) target(%dma_start3A_106 : memref<640x64xf32, #tpu.memory_space<vmem_shared>>) target_semaphore(%run_scoped3A_104 : memref<!tpu.dma_semaphore, #tpu.memory_space<semaphore_mem>>)
      %dma_wait3A_107 = arith.constant 0 : i32
      %dma_wait3A_108 = tpu.memref_slice %arg10[%mul3A_17, %dma_wait3A_107] : memref<10240x64xf32, #tpu.memory_space<vmem_shared>> -> memref<640x64xf32, #tpu.memory_space<vmem_shared>>
      tpu.wait_dma2 semaphore(%run_scoped3A_104 : memref<!tpu.dma_semaphore, #tpu.memory_space<semaphore_mem>>) src(%arg5 : memref<640x64xf32, #tpu.memory_space<hbm>>) dst(%dma_wait3A_108 : memref<640x64xf32, #tpu.memory_space<vmem_shared>>)
      tpu.yield
    }) : () -> ()
    %dma_wait3A = arith.constant 0 : i32
    %dma_wait3A_18 = arith.constant 0 : i32
    %dma_wait3A_19 = tpu.memref_slice %arg3[%add3A, %dma_wait3A, %dma_wait3A_18] : memref<32x80x128xi32, #tpu.memory_space<hbm>> -> memref<1x80x128xi32, #tpu.memory_space<hbm>>
    %dma_wait3A_20 = tpu.memref_squeeze %dma_wait3A_19 : memref<1x80x128xi32, #tpu.memory_space<hbm>> -> memref<80x128xi32, #tpu.memory_space<hbm>>
    %dma_wait3A_21 = arith.constant 0 : i32
    %dma_wait3A_22 = arith.constant 0 : i32
    %dma_wait3A_23 = tpu.memref_slice %arg3[%add3A, %dma_wait3A_21, %dma_wait3A_22] : memref<32x80x128xi32, #tpu.memory_space<hbm>> -> memref<1x80x128xi32, #tpu.memory_space<hbm>>
    %dma_wait3A_24 = tpu.memref_squeeze %dma_wait3A_23 : memref<1x80x128xi32, #tpu.memory_space<hbm>> -> memref<80x128xi32, #tpu.memory_space<hbm>>
    tpu.wait_dma2 semaphore(%arg13 : memref<!tpu.dma_semaphore, #tpu.memory_space<semaphore_mem>>) src(%dma_wait3A_24 : memref<80x128xi32, #tpu.memory_space<hbm>>) dst(%arg7 : memref<80x128xi32, #tpu.memory_space<vmem>>)
    %dma_wait3A_25 = arith.constant 0 : i32
    %dma_wait3A_26 = arith.constant 0 : i32
    %dma_wait3A_27 = tpu.memref_slice %arg4[%add3A, %dma_wait3A_25, %dma_wait3A_26] : memref<32x80x128xi32, #tpu.memory_space<hbm>> -> memref<1x80x128xi32, #tpu.memory_space<hbm>>
    %dma_wait3A_28 = tpu.memref_squeeze %dma_wait3A_27 : memref<1x80x128xi32, #tpu.memory_space<hbm>> -> memref<80x128xi32, #tpu.memory_space<hbm>>
    %dma_wait3A_29 = arith.constant 0 : i32
    %dma_wait3A_30 = arith.constant 0 : i32
    %dma_wait3A_31 = tpu.memref_slice %arg4[%add3A, %dma_wait3A_29, %dma_wait3A_30] : memref<32x80x128xi32, #tpu.memory_space<hbm>> -> memref<1x80x128xi32, #tpu.memory_space<hbm>>
    %dma_wait3A_32 = tpu.memref_squeeze %dma_wait3A_31 : memref<1x80x128xi32, #tpu.memory_space<hbm>> -> memref<80x128xi32, #tpu.memory_space<hbm>>
    tpu.wait_dma2 semaphore(%arg13 : memref<!tpu.dma_semaphore, #tpu.memory_space<semaphore_mem>>) src(%dma_wait3A_32 : memref<80x128xi32, #tpu.memory_space<hbm>>) dst(%arg8 : memref<80x128xi32, #tpu.memory_space<vmem>>)
    %dma_start3A_33 = arith.constant 0 : i32
    %dma_start3A_34 = arith.constant 0 : i32
    %dma_start3A_35 = arith.constant 0 : i32
    %dma_start3A_36 = arith.constant 0 : i32
    %dma_start3A_37 = tpu.memref_slice %arg9[%dma_start3A_34, %dma_start3A_35, %dma_start3A_36] : memref<2x128x64xf32, #tpu.memory_space<vmem>> -> memref<1x128x64xf32, #tpu.memory_space<vmem>>
    %dma_start3A_38 = tpu.memref_squeeze %dma_start3A_37 : memref<1x128x64xf32, #tpu.memory_space<vmem>> -> memref<128x64xf32, #tpu.memory_space<vmem>>
    %dma_start3A_39 = arith.constant 0 : i32
    %dma_start3A_40 = tpu.memref_slice %arg7[%dma_start3A_33, %dma_start3A_39] : memref<80x128xi32, #tpu.memory_space<vmem>> -> memref<1x128xi32, #tpu.memory_space<vmem>>
    %dma_start3A_41 = tpu.memref_squeeze %dma_start3A_40 : memref<1x128xi32, #tpu.memory_space<vmem>> -> memref<128xi32, #tpu.memory_space<vmem>>
    %dma_start3A_42 = arith.constant 0 : i32
    %dma_start3A_43 = arith.constant 0 : i32
    %dma_start3A_44 = tpu.memref_slice %arg2[%dma_start3A_42, %dma_start3A_43] : memref<10000x64xf32, #tpu.memory_space<hbm>> -> memref<10000x64xf32, #tpu.memory_space<hbm>>
    tpu.enqueue_indirect_dma source(%dma_start3A_44 : memref<10000x64xf32, #tpu.memory_space<hbm>>) target(%dma_start3A_38 : memref<128x64xf32, #tpu.memory_space<vmem>>) offsets(%dma_start3A_41 : memref<128xi32, #tpu.memory_space<vmem>>) semaphore(%arg11 : memref<!tpu.dma_semaphore, #tpu.memory_space<semaphore_mem>>)
    %dma_start3A_45 = arith.constant 1 : i32
    %dma_start3A_46 = arith.constant 1 : i32
    %dma_start3A_47 = arith.constant 0 : i32
    %dma_start3A_48 = arith.constant 0 : i32
    %dma_start3A_49 = tpu.memref_slice %arg9[%dma_start3A_46, %dma_start3A_47, %dma_start3A_48] : memref<2x128x64xf32, #tpu.memory_space<vmem>> -> memref<1x128x64xf32, #tpu.memory_space<vmem>>
    %dma_start3A_50 = tpu.memref_squeeze %dma_start3A_49 : memref<1x128x64xf32, #tpu.memory_space<vmem>> -> memref<128x64xf32, #tpu.memory_space<vmem>>
    %dma_start3A_51 = arith.constant 0 : i32
    %dma_start3A_52 = tpu.memref_slice %arg7[%dma_start3A_45, %dma_start3A_51] : memref<80x128xi32, #tpu.memory_space<vmem>> -> memref<1x128xi32, #tpu.memory_space<vmem>>
    %dma_start3A_53 = tpu.memref_squeeze %dma_start3A_52 : memref<1x128xi32, #tpu.memory_space<vmem>> -> memref<128xi32, #tpu.memory_space<vmem>>
    %dma_start3A_54 = arith.constant 0 : i32
    %dma_start3A_55 = arith.constant 0 : i32
    %dma_start3A_56 = tpu.memref_slice %arg2[%dma_start3A_54, %dma_start3A_55] : memref<10000x64xf32, #tpu.memory_space<hbm>> -> memref<10000x64xf32, #tpu.memory_space<hbm>>
    tpu.enqueue_indirect_dma source(%dma_start3A_56 : memref<10000x64xf32, #tpu.memory_space<hbm>>) target(%dma_start3A_50 : memref<128x64xf32, #tpu.memory_space<vmem>>) offsets(%dma_start3A_53 : memref<128xi32, #tpu.memory_space<vmem>>) semaphore(%arg12 : memref<!tpu.dma_semaphore, #tpu.memory_space<semaphore_mem>>)
    %barrier3A = arith.constant 0 : index
    tpu.barrier barrier_id(%barrier3A)
    %scan3A = arith.constant 0 : i32
    %scan3A_57 = arith.constant 0 : i32
    %mul3A_58 = arith.constant 2 : i32
    %mul3A_59 = arith.muli %mul3A_58, %scan3A_57 : i32
    %dma_wait3A_60 = arith.constant 0 : i32
    %dma_wait3A_61 = arith.constant 0 : i32
    %dma_wait3A_62 = arith.constant 0 : i32
    %dma_wait3A_63 = tpu.memref_slice %arg9[%dma_wait3A_60, %dma_wait3A_61, %dma_wait3A_62] : memref<2x128x64xf32, #tpu.memory_space<vmem>> -> memref<1x128x64xf32, #tpu.memory_space<vmem>>
    %dma_wait3A_64 = tpu.memref_squeeze %dma_wait3A_63 : memref<1x128x64xf32, #tpu.memory_space<vmem>> -> memref<128x64xf32, #tpu.memory_space<vmem>>
    %dma_wait3A_65 = arith.constant 0 : i32
    %dma_wait3A_66 = tpu.memref_slice %arg7[%mul3A_59, %dma_wait3A_65] : memref<80x128xi32, #tpu.memory_space<vmem>> -> memref<1x128xi32, #tpu.memory_space<vmem>>
    %dma_wait3A_67 = tpu.memref_squeeze %dma_wait3A_66 : memref<1x128xi32, #tpu.memory_space<vmem>> -> memref<128xi32, #tpu.memory_space<vmem>>
    %dma_wait3A_68 = arith.constant 0 : i32
    %dma_wait3A_69 = arith.constant 0 : i32
    %dma_wait3A_70 = tpu.memref_slice %arg2[%dma_wait3A_68, %dma_wait3A_69] : memref<10000x64xf32, #tpu.memory_space<hbm>> -> memref<10000x64xf32, #tpu.memory_space<hbm>>
    tpu.wait_indirect_dma semaphore(%arg11 : memref<!tpu.dma_semaphore, #tpu.memory_space<semaphore_mem>>) src(%dma_wait3A_70 : memref<10000x64xf32, #tpu.memory_space<hbm>>) dst(%dma_wait3A_64 : memref<128x64xf32, #tpu.memory_space<vmem>>)
    %run_scoped3A = arith.constant 0 : i32
    "tpu.region"() ({
      %run_scoped3A_104 = tpu.sem_alloc : memref<!tpu.dma_semaphore, #tpu.memory_space<semaphore_mem>>
      %dma_start3A_105 = arith.constant 0 : i32
      %dma_start3A_106 = arith.constant 0 : i32
      %dma_start3A_107 = tpu.memref_slice %arg9[%run_scoped3A, %dma_start3A_105, %dma_start3A_106] : memref<2x128x64xf32, #tpu.memory_space<vmem>> -> memref<1x128x64xf32, #tpu.memory_space<vmem>>
      %dma_start3A_108 = tpu.memref_squeeze %dma_start3A_107 : memref<1x128x64xf32, #tpu.memory_space<vmem>> -> memref<128x64xf32, #tpu.memory_space<vmem>>
      %dma_start3A_109 = arith.constant 0 : i32
      %dma_start3A_110 = tpu.memref_slice %arg8[%mul3A_59, %dma_start3A_109] : memref<80x128xi32, #tpu.memory_space<vmem>> -> memref<1x128xi32, #tpu.memory_space<vmem>>
      %dma_start3A_111 = tpu.memref_squeeze %dma_start3A_110 : memref<1x128xi32, #tpu.memory_space<vmem>> -> memref<128xi32, #tpu.memory_space<vmem>>
      %dma_start3A_112 = arith.constant 0 : i32
      %dma_start3A_113 = arith.constant 0 : i32
      %dma_start3A_114 = tpu.memref_slice %arg10[%dma_start3A_112, %dma_start3A_113] : memref<10240x64xf32, #tpu.memory_space<vmem_shared>> -> memref<10240x64xf32, #tpu.memory_space<vmem_shared>>
      tpu.enqueue_indirect_dma source(%dma_start3A_108 : memref<128x64xf32, #tpu.memory_space<vmem>>) target(%dma_start3A_114 : memref<10240x64xf32, #tpu.memory_space<vmem_shared>>) offsets(%dma_start3A_111 : memref<128xi32, #tpu.memory_space<vmem>>) semaphore(%run_scoped3A_104 : memref<!tpu.dma_semaphore, #tpu.memory_space<semaphore_mem>>) {add = true}
      %dma_wait3A_115 = arith.constant 0 : i32
      %dma_wait3A_116 = arith.constant 0 : i32
      %dma_wait3A_117 = tpu.memref_slice %arg9[%run_scoped3A, %dma_wait3A_115, %dma_wait3A_116] : memref<2x128x64xf32, #tpu.memory_space<vmem>> -> memref<1x128x64xf32, #tpu.memory_space<vmem>>
      %dma_wait3A_118 = tpu.memref_squeeze %dma_wait3A_117 : memref<1x128x64xf32, #tpu.memory_space<vmem>> -> memref<128x64xf32, #tpu.memory_space<vmem>>
      %dma_wait3A_119 = arith.constant 0 : i32
      %dma_wait3A_120 = tpu.memref_slice %arg8[%mul3A_59, %dma_wait3A_119] : memref<80x128xi32, #tpu.memory_space<vmem>> -> memref<1x128xi32, #tpu.memory_space<vmem>>
      %dma_wait3A_121 = tpu.memref_squeeze %dma_wait3A_120 : memref<1x128xi32, #tpu.memory_space<vmem>> -> memref<128xi32, #tpu.memory_space<vmem>>
      %dma_wait3A_122 = arith.constant 0 : i32
      %dma_wait3A_123 = arith.constant 0 : i32
      %dma_wait3A_124 = tpu.memref_slice %arg10[%dma_wait3A_122, %dma_wait3A_123] : memref<10240x64xf32, #tpu.memory_space<vmem_shared>> -> memref<10240x64xf32, #tpu.memory_space<vmem_shared>>
      tpu.wait_indirect_dma semaphore(%run_scoped3A_104 : memref<!tpu.dma_semaphore, #tpu.memory_space<semaphore_mem>>) src(%dma_wait3A_118 : memref<128x64xf32, #tpu.memory_space<vmem>>) dst(%dma_wait3A_124 : memref<10240x64xf32, #tpu.memory_space<vmem_shared>>)
      tpu.yield
    }) : () -> ()
    %add3A_71 = arith.constant 2 : i32
    %add3A_72 = arith.addi %mul3A_59, %add3A_71 : i32
    %lt3A = arith.constant 2 : i32
    %lt3A_73 = arith.cmpi slt, %add3A_72, %lt3A : i32
    %convert_element_type3A = arith.extui %lt3A_73 : i1 to i32
    %cond3A = arith.constant 0 : i32
    %cond3A_74 = arith.cmpi ne, %convert_element_type3A, %cond3A : i32
    scf.if %cond3A_74 {
      %add3A_104 = arith.constant 2 : i32
      %add3A_105 = arith.addi %mul3A_59, %add3A_104 : i32
      %dma_start3A_106 = arith.constant 0 : i32
      %dma_start3A_107 = arith.constant 0 : i32
      %dma_start3A_108 = arith.constant 0 : i32
      %dma_start3A_109 = tpu.memref_slice %arg9[%dma_start3A_106, %dma_start3A_107, %dma_start3A_108] : memref<2x128x64xf32, #tpu.memory_space<vmem>> -> memref<1x128x64xf32, #tpu.memory_space<vmem>>
      %dma_start3A_110 = tpu.memref_squeeze %dma_start3A_109 : memref<1x128x64xf32, #tpu.memory_space<vmem>> -> memref<128x64xf32, #tpu.memory_space<vmem>>
      %dma_start3A_111 = arith.constant 0 : i32
      %dma_start3A_112 = tpu.memref_slice %arg7[%add3A_105, %dma_start3A_111] : memref<80x128xi32, #tpu.memory_space<vmem>> -> memref<1x128xi32, #tpu.memory_space<vmem>>
      %dma_start3A_113 = tpu.memref_squeeze %dma_start3A_112 : memref<1x128xi32, #tpu.memory_space<vmem>> -> memref<128xi32, #tpu.memory_space<vmem>>
      %dma_start3A_114 = arith.constant 0 : i32
      %dma_start3A_115 = arith.constant 0 : i32
      %dma_start3A_116 = tpu.memref_slice %arg2[%dma_start3A_114, %dma_start3A_115] : memref<10000x64xf32, #tpu.memory_space<hbm>> -> memref<10000x64xf32, #tpu.memory_space<hbm>>
      tpu.enqueue_indirect_dma source(%dma_start3A_116 : memref<10000x64xf32, #tpu.memory_space<hbm>>) target(%dma_start3A_110 : memref<128x64xf32, #tpu.memory_space<vmem>>) offsets(%dma_start3A_113 : memref<128xi32, #tpu.memory_space<vmem>>) semaphore(%arg11 : memref<!tpu.dma_semaphore, #tpu.memory_space<semaphore_mem>>)
    } else {
    }
    %add3A_75 = arith.constant 1 : i32
    %add3A_76 = arith.addi %mul3A_59, %add3A_75 : i32
    %dma_wait3A_77 = arith.constant 1 : i32
    %dma_wait3A_78 = arith.constant 0 : i32
    %dma_wait3A_79 = arith.constant 0 : i32
    %dma_wait3A_80 = tpu.memref_slice %arg9[%dma_wait3A_77, %dma_wait3A_78, %dma_wait3A_79] : memref<2x128x64xf32, #tpu.memory_space<vmem>> -> memref<1x128x64xf32, #tpu.memory_space<vmem>>
    %dma_wait3A_81 = tpu.memref_squeeze %dma_wait3A_80 : memref<1x128x64xf32, #tpu.memory_space<vmem>> -> memref<128x64xf32, #tpu.memory_space<vmem>>
    %dma_wait3A_82 = arith.constant 0 : i32
    %dma_wait3A_83 = tpu.memref_slice %arg7[%add3A_76, %dma_wait3A_82] : memref<80x128xi32, #tpu.memory_space<vmem>> -> memref<1x128xi32, #tpu.memory_space<vmem>>
    %dma_wait3A_84 = tpu.memref_squeeze %dma_wait3A_83 : memref<1x128xi32, #tpu.memory_space<vmem>> -> memref<128xi32, #tpu.memory_space<vmem>>
    %dma_wait3A_85 = arith.constant 0 : i32
    %dma_wait3A_86 = arith.constant 0 : i32
    %dma_wait3A_87 = tpu.memref_slice %arg2[%dma_wait3A_85, %dma_wait3A_86] : memref<10000x64xf32, #tpu.memory_space<hbm>> -> memref<10000x64xf32, #tpu.memory_space<hbm>>
    tpu.wait_indirect_dma semaphore(%arg12 : memref<!tpu.dma_semaphore, #tpu.memory_space<semaphore_mem>>) src(%dma_wait3A_87 : memref<10000x64xf32, #tpu.memory_space<hbm>>) dst(%dma_wait3A_81 : memref<128x64xf32, #tpu.memory_space<vmem>>)
    %add3A_88 = arith.constant 1 : i32
    %add3A_89 = arith.addi %mul3A_59, %add3A_88 : i32
    %run_scoped3A_90 = arith.constant 1 : i32
    "tpu.region"() ({
      %run_scoped3A_104 = tpu.sem_alloc : memref<!tpu.dma_semaphore, #tpu.memory_space<semaphore_mem>>
      %dma_start3A_105 = arith.constant 0 : i32
      %dma_start3A_106 = arith.constant 0 : i32
      %dma_start3A_107 = tpu.memref_slice %arg9[%run_scoped3A_90, %dma_start3A_105, %dma_start3A_106] : memref<2x128x64xf32, #tpu.memory_space<vmem>> -> memref<1x128x64xf32, #tpu.memory_space<vmem>>
      %dma_start3A_108 = tpu.memref_squeeze %dma_start3A_107 : memref<1x128x64xf32, #tpu.memory_space<vmem>> -> memref<128x64xf32, #tpu.memory_space<vmem>>
      %dma_start3A_109 = arith.constant 0 : i32
      %dma_start3A_110 = tpu.memref_slice %arg8[%add3A_89, %dma_start3A_109] : memref<80x128xi32, #tpu.memory_space<vmem>> -> memref<1x128xi32, #tpu.memory_space<vmem>>
      %dma_start3A_111 = tpu.memref_squeeze %dma_start3A_110 : memref<1x128xi32, #tpu.memory_space<vmem>> -> memref<128xi32, #tpu.memory_space<vmem>>
      %dma_start3A_112 = arith.constant 0 : i32
      %dma_start3A_113 = arith.constant 0 : i32
      %dma_start3A_114 = tpu.memref_slice %arg10[%dma_start3A_112, %dma_start3A_113] : memref<10240x64xf32, #tpu.memory_space<vmem_shared>> -> memref<10240x64xf32, #tpu.memory_space<vmem_shared>>
      tpu.enqueue_indirect_dma source(%dma_start3A_108 : memref<128x64xf32, #tpu.memory_space<vmem>>) target(%dma_start3A_114 : memref<10240x64xf32, #tpu.memory_space<vmem_shared>>) offsets(%dma_start3A_111 : memref<128xi32, #tpu.memory_space<vmem>>) semaphore(%run_scoped3A_104 : memref<!tpu.dma_semaphore, #tpu.memory_space<semaphore_mem>>) {add = true}
      %dma_wait3A_115 = arith.constant 0 : i32
      %dma_wait3A_116 = arith.constant 0 : i32
      %dma_wait3A_117 = tpu.memref_slice %arg9[%run_scoped3A_90, %dma_wait3A_115, %dma_wait3A_116] : memref<2x128x64xf32, #tpu.memory_space<vmem>> -> memref<1x128x64xf32, #tpu.memory_space<vmem>>
      %dma_wait3A_118 = tpu.memref_squeeze %dma_wait3A_117 : memref<1x128x64xf32, #tpu.memory_space<vmem>> -> memref<128x64xf32, #tpu.memory_space<vmem>>
      %dma_wait3A_119 = arith.constant 0 : i32
      %dma_wait3A_120 = tpu.memref_slice %arg8[%add3A_89, %dma_wait3A_119] : memref<80x128xi32, #tpu.memory_space<vmem>> -> memref<1x128xi32, #tpu.memory_space<vmem>>
      %dma_wait3A_121 = tpu.memref_squeeze %dma_wait3A_120 : memref<1x128xi32, #tpu.memory_space<vmem>> -> memref<128xi32, #tpu.memory_space<vmem>>
      %dma_wait3A_122 = arith.constant 0 : i32
      %dma_wait3A_123 = arith.constant 0 : i32
      %dma_wait3A_124 = tpu.memref_slice %arg10[%dma_wait3A_122, %dma_wait3A_123] : memref<10240x64xf32, #tpu.memory_space<vmem_shared>> -> memref<10240x64xf32, #tpu.memory_space<vmem_shared>>
      tpu.wait_indirect_dma semaphore(%run_scoped3A_104 : memref<!tpu.dma_semaphore, #tpu.memory_space<semaphore_mem>>) src(%dma_wait3A_118 : memref<128x64xf32, #tpu.memory_space<vmem>>) dst(%dma_wait3A_124 : memref<10240x64xf32, #tpu.memory_space<vmem_shared>>)
      tpu.yield
    }) : () -> ()
    %add3A_91 = arith.constant 3 : i32
    %add3A_92 = arith.addi %mul3A_59, %add3A_91 : i32
    %lt3A_93 = arith.constant 2 : i32
    %lt3A_94 = arith.cmpi slt, %add3A_92, %lt3A_93 : i32
    %convert_element_type3A_95 = arith.extui %lt3A_94 : i1 to i32
    %cond3A_96 = arith.constant 0 : i32
    %cond3A_97 = arith.cmpi ne, %convert_element_type3A_95, %cond3A_96 : i32
    scf.if %cond3A_97 {
      %add3A_104 = arith.constant 3 : i32
      %add3A_105 = arith.addi %mul3A_59, %add3A_104 : i32
      %dma_start3A_106 = arith.constant 1 : i32
      %dma_start3A_107 = arith.constant 0 : i32
      %dma_start3A_108 = arith.constant 0 : i32
      %dma_start3A_109 = tpu.memref_slice %arg9[%dma_start3A_106, %dma_start3A_107, %dma_start3A_108] : memref<2x128x64xf32, #tpu.memory_space<vmem>> -> memref<1x128x64xf32, #tpu.memory_space<vmem>>
      %dma_start3A_110 = tpu.memref_squeeze %dma_start3A_109 : memref<1x128x64xf32, #tpu.memory_space<vmem>> -> memref<128x64xf32, #tpu.memory_space<vmem>>
      %dma_start3A_111 = arith.constant 0 : i32
      %dma_start3A_112 = tpu.memref_slice %arg7[%add3A_105, %dma_start3A_111] : memref<80x128xi32, #tpu.memory_space<vmem>> -> memref<1x128xi32, #tpu.memory_space<vmem>>
      %dma_start3A_113 = tpu.memref_squeeze %dma_start3A_112 : memref<1x128xi32, #tpu.memory_space<vmem>> -> memref<128xi32, #tpu.memory_space<vmem>>
      %dma_start3A_114 = arith.constant 0 : i32
      %dma_start3A_115 = arith.constant 0 : i32
      %dma_start3A_116 = tpu.memref_slice %arg2[%dma_start3A_114, %dma_start3A_115] : memref<10000x64xf32, #tpu.memory_space<hbm>> -> memref<10000x64xf32, #tpu.memory_space<hbm>>
      tpu.enqueue_indirect_dma source(%dma_start3A_116 : memref<10000x64xf32, #tpu.memory_space<hbm>>) target(%dma_start3A_110 : memref<128x64xf32, #tpu.memory_space<vmem>>) offsets(%dma_start3A_113 : memref<128xi32, #tpu.memory_space<vmem>>) semaphore(%arg12 : memref<!tpu.dma_semaphore, #tpu.memory_space<semaphore_mem>>)
    } else {
    }
    %scan3A_98 = arith.constant 1 : i32
    %barrier3A_99 = arith.constant 0 : index
    tpu.barrier barrier_id(%barrier3A_99)
    %mul3A_100 = arith.constant 640 : i32
    %mul3A_101 = arith.muli %arg1, %mul3A_100 : i32
    %mul3A_102 = arith.constant 640 : i32
    %mul3A_103 = arith.muli %arg1, %mul3A_102 : i32
    "tpu.region"() ({
      %run_scoped3A_104 = tpu.sem_alloc : memref<!tpu.dma_semaphore, #tpu.memory_space<semaphore_mem>>
      %dma_start3A_105 = arith.constant 0 : i32
      %dma_start3A_106 = tpu.memref_slice %arg6[%arg0, %mul3A_103, %dma_start3A_105] : memref<2x10240x64xf32, #tpu.memory_space<hbm>> -> memref<1x640x64xf32, #tpu.memory_space<hbm>>
      %dma_start3A_107 = tpu.memref_squeeze %dma_start3A_106 : memref<1x640x64xf32, #tpu.memory_space<hbm>> -> memref<640x64xf32, #tpu.memory_space<hbm>>
      %dma_start3A_108 = arith.constant 0 : i32
      %dma_start3A_109 = tpu.memref_slice %arg10[%mul3A_101, %dma_start3A_108] : memref<10240x64xf32, #tpu.memory_space<vmem_shared>> -> memref<640x64xf32, #tpu.memory_space<vmem_shared>>
      tpu.enqueue_dma source(%dma_start3A_109 : memref<640x64xf32, #tpu.memory_space<vmem_shared>>) target(%dma_start3A_107 : memref<640x64xf32, #tpu.memory_space<hbm>>) target_semaphore(%run_scoped3A_104 : memref<!tpu.dma_semaphore, #tpu.memory_space<semaphore_mem>>)
      %dma_wait3A_110 = arith.constant 0 : i32
      %dma_wait3A_111 = tpu.memref_slice %arg6[%arg0, %mul3A_103, %dma_wait3A_110] : memref<2x10240x64xf32, #tpu.memory_space<hbm>> -> memref<1x640x64xf32, #tpu.memory_space<hbm>>
      %dma_wait3A_112 = tpu.memref_squeeze %dma_wait3A_111 : memref<1x640x64xf32, #tpu.memory_space<hbm>> -> memref<640x64xf32, #tpu.memory_space<hbm>>
      %dma_wait3A_113 = arith.constant 0 : i32
      %dma_wait3A_114 = tpu.memref_slice %arg10[%mul3A_101, %dma_wait3A_113] : memref<10240x64xf32, #tpu.memory_space<vmem_shared>> -> memref<640x64xf32, #tpu.memory_space<vmem_shared>>
      tpu.wait_dma2 semaphore(%run_scoped3A_104 : memref<!tpu.dma_semaphore, #tpu.memory_space<semaphore_mem>>) src(%dma_wait3A_114 : memref<640x64xf32, #tpu.memory_space<vmem_shared>>) dst(%dma_wait3A_112 : memref<640x64xf32, #tpu.memory_space<hbm>>)
      tpu.yield
    }) : () -> ()
    return
  }
}

#map = affine_map<(d0, d1) -> (0, 0)>
#map1 = affine_map<(d0, d1) -> (0, 0, 0)>
module attributes {stable_mosaic.version = 14 : i64} {
  func.func @scatter_kernel(%arg0: i32, %arg1: i32, %arg2: memref<10000x64xf32, #tpu.memory_space<hbm>>, %arg3: memref<32x80x128xi32, #tpu.memory_space<hbm>>, %arg4: memref<32x80x128xi32, #tpu.memory_space<hbm>>, %arg5: memref<640x64xf32, #tpu.memory_space<hbm>>, %arg6: memref<2x10240x64xf32, #tpu.memory_space<hbm>>, %arg7: memref<80x128xi32, #tpu.memory_space<vmem>>, %arg8: memref<80x128xi32, #tpu.memory_space<vmem>>, %arg9: memref<2x128x64xf32, #tpu.memory_space<vmem>>, %arg10: memref<10240x64xf32, #tpu.memory_space<vmem_shared>>, %arg11: memref<!tpu.dma_semaphore, #tpu.memory_space<semaphore_mem>>, %arg12: memref<!tpu.dma_semaphore, #tpu.memory_space<semaphore_mem>>, %arg13: memref<!tpu.dma_semaphore, #tpu.memory_space<semaphore_mem>>) attributes {dimension_semantics = [#tpu.dimension_semantics<core_parallel>, #tpu.dimension_semantics<subcore_parallel>], iteration_bounds = array<i64: 2, 16>, scalar_prefetch = 0 : i64, scratch_operands = 7 : i64, tpu.core_type = #tpu.core_type<sc_vector_subcore>, window_params = [{transform_indices = #map}, {transform_indices = #map1}, {transform_indices = #map1}, {transform_indices = #map}, {transform_indices = #map1}]} {
    %mul3A = arith.constant 2 : i32
    %mul3A_0 = arith.muli %arg1, %mul3A : i32
    %add3A = arith.addi %mul3A_0, %arg0 : i32
    %dma_start3A = arith.constant 0 : i32
    %dma_start3A_1 = arith.constant 0 : i32
    %dma_start3A_2 = tpu.memref_slice %arg3[%add3A, %dma_start3A, %dma_start3A_1] : memref<32x80x128xi32, #tpu.memory_space<hbm>> -> memref<1x80x128xi32, #tpu.memory_space<hbm>>
    %dma_start3A_3 = tpu.memref_squeeze %dma_start3A_2 : memref<1x80x128xi32, #tpu.memory_space<hbm>> -> memref<80x128xi32, #tpu.memory_space<hbm>>
    %dma_start3A_4 = arith.constant 0 : i32
    %dma_start3A_5 = arith.constant 0 : i32
    %dma_start3A_6 = tpu.memref_slice %arg3[%add3A, %dma_start3A_4, %dma_start3A_5] : memref<32x80x128xi32, #tpu.memory_space<hbm>> -> memref<1x80x128xi32, #tpu.memory_space<hbm>>
    %dma_start3A_7 = tpu.memref_squeeze %dma_start3A_6 : memref<1x80x128xi32, #tpu.memory_space<hbm>> -> memref<80x128xi32, #tpu.memory_space<hbm>>
    tpu.enqueue_dma source(%dma_start3A_7 : memref<80x128xi32, #tpu.memory_space<hbm>>) target(%arg7 : memref<80x128xi32, #tpu.memory_space<vmem>>) target_semaphore(%arg13 : memref<!tpu.dma_semaphore, #tpu.memory_space<semaphore_mem>>)
    %dma_start3A_8 = arith.constant 0 : i32
    %dma_start3A_9 = arith.constant 0 : i32
    %dma_start3A_10 = tpu.memref_slice %arg4[%add3A, %dma_start3A_8, %dma_start3A_9] : memref<32x80x128xi32, #tpu.memory_space<hbm>> -> memref<1x80x128xi32, #tpu.memory_space<hbm>>
    %dma_start3A_11 = tpu.memref_squeeze %dma_start3A_10 : memref<1x80x128xi32, #tpu.memory_space<hbm>> -> memref<80x128xi32, #tpu.memory_space<hbm>>
    %dma_start3A_12 = arith.constant 0 : i32
    %dma_start3A_13 = arith.constant 0 : i32
    %dma_start3A_14 = tpu.memref_slice %arg4[%add3A, %dma_start3A_12, %dma_start3A_13] : memref<32x80x128xi32, #tpu.memory_space<hbm>> -> memref<1x80x128xi32, #tpu.memory_space<hbm>>
    %dma_start3A_15 = tpu.memref_squeeze %dma_start3A_14 : memref<1x80x128xi32, #tpu.memory_space<hbm>> -> memref<80x128xi32, #tpu.memory_space<hbm>>
    tpu.enqueue_dma source(%dma_start3A_15 : memref<80x128xi32, #tpu.memory_space<hbm>>) target(%arg8 : memref<80x128xi32, #tpu.memory_space<vmem>>) target_semaphore(%arg13 : memref<!tpu.dma_semaphore, #tpu.memory_space<semaphore_mem>>)
    %mul3A_16 = arith.constant 640 : i32
    %mul3A_17 = arith.muli %arg1, %mul3A_16 : i32
    "tpu.region"() ({
      %run_scoped3A_104 = tpu.sem_alloc : memref<!tpu.dma_semaphore, #tpu.memory_space<semaphore_mem>>
      %dma_start3A_105 = arith.constant 0 : i32
      %dma_start3A_106 = tpu.memref_slice %arg10[%mul3A_17, %dma_start3A_105] : memref<10240x64xf32, #tpu.memory_space<vmem_shared>> -> memref<640x64xf32, #tpu.memory_space<vmem_shared>>
      tpu.enqueue_dma source(%arg5 : memref<640x64xf32, #tpu.memory_space<hbm>>) target(%dma_start3A_106 : memref<640x64xf32, #tpu.memory_space<vmem_shared>>) target_semaphore(%run_scoped3A_104 : memref<!tpu.dma_semaphore, #tpu.memory_space<semaphore_mem>>)
      %dma_wait3A_107 = arith.constant 0 : i32
      %dma_wait3A_108 = tpu.memref_slice %arg10[%mul3A_17, %dma_wait3A_107] : memref<10240x64xf32, #tpu.memory_space<vmem_shared>> -> memref<640x64xf32, #tpu.memory_space<vmem_shared>>
      tpu.wait_dma2 semaphore(%run_scoped3A_104 : memref<!tpu.dma_semaphore, #tpu.memory_space<semaphore_mem>>) src(%arg5 : memref<640x64xf32, #tpu.memory_space<hbm>>) dst(%dma_wait3A_108 : memref<640x64xf32, #tpu.memory_space<vmem_shared>>)
      tpu.yield
    }) : () -> ()
    %dma_wait3A = arith.constant 0 : i32
    %dma_wait3A_18 = arith.constant 0 : i32
    %dma_wait3A_19 = tpu.memref_slice %arg3[%add3A, %dma_wait3A, %dma_wait3A_18] : memref<32x80x128xi32, #tpu.memory_space<hbm>> -> memref<1x80x128xi32, #tpu.memory_space<hbm>>
    %dma_wait3A_20 = tpu.memref_squeeze %dma_wait3A_19 : memref<1x80x128xi32, #tpu.memory_space<hbm>> -> memref<80x128xi32, #tpu.memory_space<hbm>>
    %dma_wait3A_21 = arith.constant 0 : i32
    %dma_wait3A_22 = arith.constant 0 : i32
    %dma_wait3A_23 = tpu.memref_slice %arg3[%add3A, %dma_wait3A_21, %dma_wait3A_22] : memref<32x80x128xi32, #tpu.memory_space<hbm>> -> memref<1x80x128xi32, #tpu.memory_space<hbm>>
    %dma_wait3A_24 = tpu.memref_squeeze %dma_wait3A_23 : memref<1x80x128xi32, #tpu.memory_space<hbm>> -> memref<80x128xi32, #tpu.memory_space<hbm>>
    tpu.wait_dma2 semaphore(%arg13 : memref<!tpu.dma_semaphore, #tpu.memory_space<semaphore_mem>>) src(%dma_wait3A_24 : memref<80x128xi32, #tpu.memory_space<hbm>>) dst(%arg7 : memref<80x128xi32, #tpu.memory_space<vmem>>)
    %dma_wait3A_25 = arith.constant 0 : i32
    %dma_wait3A_26 = arith.constant 0 : i32
    %dma_wait3A_27 = tpu.memref_slice %arg4[%add3A, %dma_wait3A_25, %dma_wait3A_26] : memref<32x80x128xi32, #tpu.memory_space<hbm>> -> memref<1x80x128xi32, #tpu.memory_space<hbm>>
    %dma_wait3A_28 = tpu.memref_squeeze %dma_wait3A_27 : memref<1x80x128xi32, #tpu.memory_space<hbm>> -> memref<80x128xi32, #tpu.memory_space<hbm>>
    %dma_wait3A_29 = arith.constant 0 : i32
    %dma_wait3A_30 = arith.constant 0 : i32
    %dma_wait3A_31 = tpu.memref_slice %arg4[%add3A, %dma_wait3A_29, %dma_wait3A_30] : memref<32x80x128xi32, #tpu.memory_space<hbm>> -> memref<1x80x128xi32, #tpu.memory_space<hbm>>
    %dma_wait3A_32 = tpu.memref_squeeze %dma_wait3A_31 : memref<1x80x128xi32, #tpu.memory_space<hbm>> -> memref<80x128xi32, #tpu.memory_space<hbm>>
    tpu.wait_dma2 semaphore(%arg13 : memref<!tpu.dma_semaphore, #tpu.memory_space<semaphore_mem>>) src(%dma_wait3A_32 : memref<80x128xi32, #tpu.memory_space<hbm>>) dst(%arg8 : memref<80x128xi32, #tpu.memory_space<vmem>>)
    %dma_start3A_33 = arith.constant 0 : i32
    %dma_start3A_34 = arith.constant 0 : i32
    %dma_start3A_35 = arith.constant 0 : i32
    %dma_start3A_36 = arith.constant 0 : i32
    %dma_start3A_37 = tpu.memref_slice %arg9[%dma_start3A_34, %dma_start3A_35, %dma_start3A_36] : memref<2x128x64xf32, #tpu.memory_space<vmem>> -> memref<1x128x64xf32, #tpu.memory_space<vmem>>
    %dma_start3A_38 = tpu.memref_squeeze %dma_start3A_37 : memref<1x128x64xf32, #tpu.memory_space<vmem>> -> memref<128x64xf32, #tpu.memory_space<vmem>>
    %dma_start3A_39 = arith.constant 0 : i32
    %dma_start3A_40 = tpu.memref_slice %arg7[%dma_start3A_33, %dma_start3A_39] : memref<80x128xi32, #tpu.memory_space<vmem>> -> memref<1x128xi32, #tpu.memory_space<vmem>>
    %dma_start3A_41 = tpu.memref_squeeze %dma_start3A_40 : memref<1x128xi32, #tpu.memory_space<vmem>> -> memref<128xi32, #tpu.memory_space<vmem>>
    %dma_start3A_42 = arith.constant 0 : i32
    %dma_start3A_43 = arith.constant 0 : i32
    %dma_start3A_44 = tpu.memref_slice %arg2[%dma_start3A_42, %dma_start3A_43] : memref<10000x64xf32, #tpu.memory_space<hbm>> -> memref<10000x64xf32, #tpu.memory_space<hbm>>
    tpu.enqueue_indirect_dma source(%dma_start3A_44 : memref<10000x64xf32, #tpu.memory_space<hbm>>) target(%dma_start3A_38 : memref<128x64xf32, #tpu.memory_space<vmem>>) offsets(%dma_start3A_41 : memref<128xi32, #tpu.memory_space<vmem>>) semaphore(%arg11 : memref<!tpu.dma_semaphore, #tpu.memory_space<semaphore_mem>>)
    %dma_start3A_45 = arith.constant 1 : i32
    %dma_start3A_46 = arith.constant 1 : i32
    %dma_start3A_47 = arith.constant 0 : i32
    %dma_start3A_48 = arith.constant 0 : i32
    %dma_start3A_49 = tpu.memref_slice %arg9[%dma_start3A_46, %dma_start3A_47, %dma_start3A_48] : memref<2x128x64xf32, #tpu.memory_space<vmem>> -> memref<1x128x64xf32, #tpu.memory_space<vmem>>
    %dma_start3A_50 = tpu.memref_squeeze %dma_start3A_49 : memref<1x128x64xf32, #tpu.memory_space<vmem>> -> memref<128x64xf32, #tpu.memory_space<vmem>>
    %dma_start3A_51 = arith.constant 0 : i32
    %dma_start3A_52 = tpu.memref_slice %arg7[%dma_start3A_45, %dma_start3A_51] : memref<80x128xi32, #tpu.memory_space<vmem>> -> memref<1x128xi32, #tpu.memory_space<vmem>>
    %dma_start3A_53 = tpu.memref_squeeze %dma_start3A_52 : memref<1x128xi32, #tpu.memory_space<vmem>> -> memref<128xi32, #tpu.memory_space<vmem>>
    %dma_start3A_54 = arith.constant 0 : i32
    %dma_start3A_55 = arith.constant 0 : i32
    %dma_start3A_56 = tpu.memref_slice %arg2[%dma_start3A_54, %dma_start3A_55] : memref<10000x64xf32, #tpu.memory_space<hbm>> -> memref<10000x64xf32, #tpu.memory_space<hbm>>
    tpu.enqueue_indirect_dma source(%dma_start3A_56 : memref<10000x64xf32, #tpu.memory_space<hbm>>) target(%dma_start3A_50 : memref<128x64xf32, #tpu.memory_space<vmem>>) offsets(%dma_start3A_53 : memref<128xi32, #tpu.memory_space<vmem>>) semaphore(%arg12 : memref<!tpu.dma_semaphore, #tpu.memory_space<semaphore_mem>>)
    %barrier3A = arith.constant 0 : index
    tpu.barrier barrier_id(%barrier3A)
    %scan3A = arith.constant 0 : i32
    %scan3A_57 = arith.constant 0 : i32
    %mul3A_58 = arith.constant 2 : i32
    %mul3A_59 = arith.muli %mul3A_58, %scan3A_57 : i32
    %dma_wait3A_60 = arith.constant 0 : i32
    %dma_wait3A_61 = arith.constant 0 : i32
    %dma_wait3A_62 = arith.constant 0 : i32
    %dma_wait3A_63 = tpu.memref_slice %arg9[%dma_wait3A_60, %dma_wait3A_61, %dma_wait3A_62] : memref<2x128x64xf32, #tpu.memory_space<vmem>> -> memref<1x128x64xf32, #tpu.memory_space<vmem>>
    %dma_wait3A_64 = tpu.memref_squeeze %dma_wait3A_63 : memref<1x128x64xf32, #tpu.memory_space<vmem>> -> memref<128x64xf32, #tpu.memory_space<vmem>>
    %dma_wait3A_65 = arith.constant 0 : i32
    %dma_wait3A_66 = tpu.memref_slice %arg7[%mul3A_59, %dma_wait3A_65] : memref<80x128xi32, #tpu.memory_space<vmem>> -> memref<1x128xi32, #tpu.memory_space<vmem>>
    %dma_wait3A_67 = tpu.memref_squeeze %dma_wait3A_66 : memref<1x128xi32, #tpu.memory_space<vmem>> -> memref<128xi32, #tpu.memory_space<vmem>>
    %dma_wait3A_68 = arith.constant 0 : i32
    %dma_wait3A_69 = arith.constant 0 : i32
    %dma_wait3A_70 = tpu.memref_slice %arg2[%dma_wait3A_68, %dma_wait3A_69] : memref<10000x64xf32, #tpu.memory_space<hbm>> -> memref<10000x64xf32, #tpu.memory_space<hbm>>
    tpu.wait_indirect_dma semaphore(%arg11 : memref<!tpu.dma_semaphore, #tpu.memory_space<semaphore_mem>>) src(%dma_wait3A_70 : memref<10000x64xf32, #tpu.memory_space<hbm>>) dst(%dma_wait3A_64 : memref<128x64xf32, #tpu.memory_space<vmem>>)
    %run_scoped3A = arith.constant 0 : i32
    "tpu.region"() ({
      %run_scoped3A_104 = tpu.sem_alloc : memref<!tpu.dma_semaphore, #tpu.memory_space<semaphore_mem>>
      %dma_start3A_105 = arith.constant 0 : i32
      %dma_start3A_106 = arith.constant 0 : i32
      %dma_start3A_107 = tpu.memref_slice %arg9[%run_scoped3A, %dma_start3A_105, %dma_start3A_106] : memref<2x128x64xf32, #tpu.memory_space<vmem>> -> memref<1x128x64xf32, #tpu.memory_space<vmem>>
      %dma_start3A_108 = tpu.memref_squeeze %dma_start3A_107 : memref<1x128x64xf32, #tpu.memory_space<vmem>> -> memref<128x64xf32, #tpu.memory_space<vmem>>
      %dma_start3A_109 = arith.constant 0 : i32
      %dma_start3A_110 = tpu.memref_slice %arg8[%mul3A_59, %dma_start3A_109] : memref<80x128xi32, #tpu.memory_space<vmem>> -> memref<1x128xi32, #tpu.memory_space<vmem>>
      %dma_start3A_111 = tpu.memref_squeeze %dma_start3A_110 : memref<1x128xi32, #tpu.memory_space<vmem>> -> memref<128xi32, #tpu.memory_space<vmem>>
      %dma_start3A_112 = arith.constant 0 : i32
      %dma_start3A_113 = arith.constant 0 : i32
      %dma_start3A_114 = tpu.memref_slice %arg10[%dma_start3A_112, %dma_start3A_113] : memref<10240x64xf32, #tpu.memory_space<vmem_shared>> -> memref<10240x64xf32, #tpu.memory_space<vmem_shared>>
      tpu.enqueue_indirect_dma source(%dma_start3A_108 : memref<128x64xf32, #tpu.memory_space<vmem>>) target(%dma_start3A_114 : memref<10240x64xf32, #tpu.memory_space<vmem_shared>>) offsets(%dma_start3A_111 : memref<128xi32, #tpu.memory_space<vmem>>) semaphore(%run_scoped3A_104 : memref<!tpu.dma_semaphore, #tpu.memory_space<semaphore_mem>>) {add = true}
      %dma_wait3A_115 = arith.constant 0 : i32
      %dma_wait3A_116 = arith.constant 0 : i32
      %dma_wait3A_117 = tpu.memref_slice %arg9[%run_scoped3A, %dma_wait3A_115, %dma_wait3A_116] : memref<2x128x64xf32, #tpu.memory_space<vmem>> -> memref<1x128x64xf32, #tpu.memory_space<vmem>>
      %dma_wait3A_118 = tpu.memref_squeeze %dma_wait3A_117 : memref<1x128x64xf32, #tpu.memory_space<vmem>> -> memref<128x64xf32, #tpu.memory_space<vmem>>
      %dma_wait3A_119 = arith.constant 0 : i32
      %dma_wait3A_120 = tpu.memref_slice %arg8[%mul3A_59, %dma_wait3A_119] : memref<80x128xi32, #tpu.memory_space<vmem>> -> memref<1x128xi32, #tpu.memory_space<vmem>>
      %dma_wait3A_121 = tpu.memref_squeeze %dma_wait3A_120 : memref<1x128xi32, #tpu.memory_space<vmem>> -> memref<128xi32, #tpu.memory_space<vmem>>
      %dma_wait3A_122 = arith.constant 0 : i32
      %dma_wait3A_123 = arith.constant 0 : i32
      %dma_wait3A_124 = tpu.memref_slice %arg10[%dma_wait3A_122, %dma_wait3A_123] : memref<10240x64xf32, #tpu.memory_space<vmem_shared>> -> memref<10240x64xf32, #tpu.memory_space<vmem_shared>>
      tpu.wait_indirect_dma semaphore(%run_scoped3A_104 : memref<!tpu.dma_semaphore, #tpu.memory_space<semaphore_mem>>) src(%dma_wait3A_118 : memref<128x64xf32, #tpu.memory_space<vmem>>) dst(%dma_wait3A_124 : memref<10240x64xf32, #tpu.memory_space<vmem_shared>>)
      tpu.yield
    }) : () -> ()
    %add3A_71 = arith.constant 2 : i32
    %add3A_72 = arith.addi %mul3A_59, %add3A_71 : i32
    %lt3A = arith.constant 2 : i32
    %lt3A_73 = arith.cmpi slt, %add3A_72, %lt3A : i32
    %convert_element_type3A = arith.extui %lt3A_73 : i1 to i32
    %cond3A = arith.constant 0 : i32
    %cond3A_74 = arith.cmpi ne, %convert_element_type3A, %cond3A : i32
    scf.if %cond3A_74 {
      %add3A_104 = arith.constant 2 : i32
      %add3A_105 = arith.addi %mul3A_59, %add3A_104 : i32
      %dma_start3A_106 = arith.constant 0 : i32
      %dma_start3A_107 = arith.constant 0 : i32
      %dma_start3A_108 = arith.constant 0 : i32
      %dma_start3A_109 = tpu.memref_slice %arg9[%dma_start3A_106, %dma_start3A_107, %dma_start3A_108] : memref<2x128x64xf32, #tpu.memory_space<vmem>> -> memref<1x128x64xf32, #tpu.memory_space<vmem>>
      %dma_start3A_110 = tpu.memref_squeeze %dma_start3A_109 : memref<1x128x64xf32, #tpu.memory_space<vmem>> -> memref<128x64xf32, #tpu.memory_space<vmem>>
      %dma_start3A_111 = arith.constant 0 : i32
      %dma_start3A_112 = tpu.memref_slice %arg7[%add3A_105, %dma_start3A_111] : memref<80x128xi32, #tpu.memory_space<vmem>> -> memref<1x128xi32, #tpu.memory_space<vmem>>
      %dma_start3A_113 = tpu.memref_squeeze %dma_start3A_112 : memref<1x128xi32, #tpu.memory_space<vmem>> -> memref<128xi32, #tpu.memory_space<vmem>>
      %dma_start3A_114 = arith.constant 0 : i32
      %dma_start3A_115 = arith.constant 0 : i32
      %dma_start3A_116 = tpu.memref_slice %arg2[%dma_start3A_114, %dma_start3A_115] : memref<10000x64xf32, #tpu.memory_space<hbm>> -> memref<10000x64xf32, #tpu.memory_space<hbm>>
      tpu.enqueue_indirect_dma source(%dma_start3A_116 : memref<10000x64xf32, #tpu.memory_space<hbm>>) target(%dma_start3A_110 : memref<128x64xf32, #tpu.memory_space<vmem>>) offsets(%dma_start3A_113 : memref<128xi32, #tpu.memory_space<vmem>>) semaphore(%arg11 : memref<!tpu.dma_semaphore, #tpu.memory_space<semaphore_mem>>)
    } else {
    }
    %add3A_75 = arith.constant 1 : i32
    %add3A_76 = arith.addi %mul3A_59, %add3A_75 : i32
    %dma_wait3A_77 = arith.constant 1 : i32
    %dma_wait3A_78 = arith.constant 0 : i32
    %dma_wait3A_79 = arith.constant 0 : i32
    %dma_wait3A_80 = tpu.memref_slice %arg9[%dma_wait3A_77, %dma_wait3A_78, %dma_wait3A_79] : memref<2x128x64xf32, #tpu.memory_space<vmem>> -> memref<1x128x64xf32, #tpu.memory_space<vmem>>
    %dma_wait3A_81 = tpu.memref_squeeze %dma_wait3A_80 : memref<1x128x64xf32, #tpu.memory_space<vmem>> -> memref<128x64xf32, #tpu.memory_space<vmem>>
    %dma_wait3A_82 = arith.constant 0 : i32
    %dma_wait3A_83 = tpu.memref_slice %arg7[%add3A_76, %dma_wait3A_82] : memref<80x128xi32, #tpu.memory_space<vmem>> -> memref<1x128xi32, #tpu.memory_space<vmem>>
    %dma_wait3A_84 = tpu.memref_squeeze %dma_wait3A_83 : memref<1x128xi32, #tpu.memory_space<vmem>> -> memref<128xi32, #tpu.memory_space<vmem>>
    %dma_wait3A_85 = arith.constant 0 : i32
    %dma_wait3A_86 = arith.constant 0 : i32
    %dma_wait3A_87 = tpu.memref_slice %arg2[%dma_wait3A_85, %dma_wait3A_86] : memref<10000x64xf32, #tpu.memory_space<hbm>> -> memref<10000x64xf32, #tpu.memory_space<hbm>>
    tpu.wait_indirect_dma semaphore(%arg12 : memref<!tpu.dma_semaphore, #tpu.memory_space<semaphore_mem>>) src(%dma_wait3A_87 : memref<10000x64xf32, #tpu.memory_space<hbm>>) dst(%dma_wait3A_81 : memref<128x64xf32, #tpu.memory_space<vmem>>)
    %add3A_88 = arith.constant 1 : i32
    %add3A_89 = arith.addi %mul3A_59, %add3A_88 : i32
    %run_scoped3A_90 = arith.constant 1 : i32
    "tpu.region"() ({
      %run_scoped3A_104 = tpu.sem_alloc : memref<!tpu.dma_semaphore, #tpu.memory_space<semaphore_mem>>
      %dma_start3A_105 = arith.constant 0 : i32
      %dma_start3A_106 = arith.constant 0 : i32
      %dma_start3A_107 = tpu.memref_slice %arg9[%run_scoped3A_90, %dma_start3A_105, %dma_start3A_106] : memref<2x128x64xf32, #tpu.memory_space<vmem>> -> memref<1x128x64xf32, #tpu.memory_space<vmem>>
      %dma_start3A_108 = tpu.memref_squeeze %dma_start3A_107 : memref<1x128x64xf32, #tpu.memory_space<vmem>> -> memref<128x64xf32, #tpu.memory_space<vmem>>
      %dma_start3A_109 = arith.constant 0 : i32
      %dma_start3A_110 = tpu.memref_slice %arg8[%add3A_89, %dma_start3A_109] : memref<80x128xi32, #tpu.memory_space<vmem>> -> memref<1x128xi32, #tpu.memory_space<vmem>>
      %dma_start3A_111 = tpu.memref_squeeze %dma_start3A_110 : memref<1x128xi32, #tpu.memory_space<vmem>> -> memref<128xi32, #tpu.memory_space<vmem>>
      %dma_start3A_112 = arith.constant 0 : i32
      %dma_start3A_113 = arith.constant 0 : i32
      %dma_start3A_114 = tpu.memref_slice %arg10[%dma_start3A_112, %dma_start3A_113] : memref<10240x64xf32, #tpu.memory_space<vmem_shared>> -> memref<10240x64xf32, #tpu.memory_space<vmem_shared>>
      tpu.enqueue_indirect_dma source(%dma_start3A_108 : memref<128x64xf32, #tpu.memory_space<vmem>>) target(%dma_start3A_114 : memref<10240x64xf32, #tpu.memory_space<vmem_shared>>) offsets(%dma_start3A_111 : memref<128xi32, #tpu.memory_space<vmem>>) semaphore(%run_scoped3A_104 : memref<!tpu.dma_semaphore, #tpu.memory_space<semaphore_mem>>) {add = true}
      %dma_wait3A_115 = arith.constant 0 : i32
      %dma_wait3A_116 = arith.constant 0 : i32
      %dma_wait3A_117 = tpu.memref_slice %arg9[%run_scoped3A_90, %dma_wait3A_115, %dma_wait3A_116] : memref<2x128x64xf32, #tpu.memory_space<vmem>> -> memref<1x128x64xf32, #tpu.memory_space<vmem>>
      %dma_wait3A_118 = tpu.memref_squeeze %dma_wait3A_117 : memref<1x128x64xf32, #tpu.memory_space<vmem>> -> memref<128x64xf32, #tpu.memory_space<vmem>>
      %dma_wait3A_119 = arith.constant 0 : i32
      %dma_wait3A_120 = tpu.memref_slice %arg8[%add3A_89, %dma_wait3A_119] : memref<80x128xi32, #tpu.memory_space<vmem>> -> memref<1x128xi32, #tpu.memory_space<vmem>>
      %dma_wait3A_121 = tpu.memref_squeeze %dma_wait3A_120 : memref<1x128xi32, #tpu.memory_space<vmem>> -> memref<128xi32, #tpu.memory_space<vmem>>
      %dma_wait3A_122 = arith.constant 0 : i32
      %dma_wait3A_123 = arith.constant 0 : i32
      %dma_wait3A_124 = tpu.memref_slice %arg10[%dma_wait3A_122, %dma_wait3A_123] : memref<10240x64xf32, #tpu.memory_space<vmem_shared>> -> memref<10240x64xf32, #tpu.memory_space<vmem_shared>>
      tpu.wait_indirect_dma semaphore(%run_scoped3A_104 : memref<!tpu.dma_semaphore, #tpu.memory_space<semaphore_mem>>) src(%dma_wait3A_118 : memref<128x64xf32, #tpu.memory_space<vmem>>) dst(%dma_wait3A_124 : memref<10240x64xf32, #tpu.memory_space<vmem_shared>>)
      tpu.yield
    }) : () -> ()
    %add3A_91 = arith.constant 3 : i32
    %add3A_92 = arith.addi %mul3A_59, %add3A_91 : i32
    %lt3A_93 = arith.constant 2 : i32
    %lt3A_94 = arith.cmpi slt, %add3A_92, %lt3A_93 : i32
    %convert_element_type3A_95 = arith.extui %lt3A_94 : i1 to i32
    %cond3A_96 = arith.constant 0 : i32
    %cond3A_97 = arith.cmpi ne, %convert_element_type3A_95, %cond3A_96 : i32
    scf.if %cond3A_97 {
      %add3A_104 = arith.constant 3 : i32
      %add3A_105 = arith.addi %mul3A_59, %add3A_104 : i32
      %dma_start3A_106 = arith.constant 1 : i32
      %dma_start3A_107 = arith.constant 0 : i32
      %dma_start3A_108 = arith.constant 0 : i32
      %dma_start3A_109 = tpu.memref_slice %arg9[%dma_start3A_106, %dma_start3A_107, %dma_start3A_108] : memref<2x128x64xf32, #tpu.memory_space<vmem>> -> memref<1x128x64xf32, #tpu.memory_space<vmem>>
      %dma_start3A_110 = tpu.memref_squeeze %dma_start3A_109 : memref<1x128x64xf32, #tpu.memory_space<vmem>> -> memref<128x64xf32, #tpu.memory_space<vmem>>
      %dma_start3A_111 = arith.constant 0 : i32
      %dma_start3A_112 = tpu.memref_slice %arg7[%add3A_105, %dma_start3A_111] : memref<80x128xi32, #tpu.memory_space<vmem>> -> memref<1x128xi32, #tpu.memory_space<vmem>>
      %dma_start3A_113 = tpu.memref_squeeze %dma_start3A_112 : memref<1x128xi32, #tpu.memory_space<vmem>> -> memref<128xi32, #tpu.memory_space<vmem>>
      %dma_start3A_114 = arith.constant 0 : i32
      %dma_start3A_115 = arith.constant 0 : i32
      %dma_start3A_116 = tpu.memref_slice %arg2[%dma_start3A_114, %dma_start3A_115] : memref<10000x64xf32, #tpu.memory_space<hbm>> -> memref<10000x64xf32, #tpu.memory_space<hbm>>
      tpu.enqueue_indirect_dma source(%dma_start3A_116 : memref<10000x64xf32, #tpu.memory_space<hbm>>) target(%dma_start3A_110 : memref<128x64xf32, #tpu.memory_space<vmem>>) offsets(%dma_start3A_113 : memref<128xi32, #tpu.memory_space<vmem>>) semaphore(%arg12 : memref<!tpu.dma_semaphore, #tpu.memory_space<semaphore_mem>>)
    } else {
    }
    %scan3A_98 = arith.constant 1 : i32
    %barrier3A_99 = arith.constant 0 : index
    tpu.barrier barrier_id(%barrier3A_99)
    %mul3A_100 = arith.constant 640 : i32
    %mul3A_101 = arith.muli %arg1, %mul3A_100 : i32
    %mul3A_102 = arith.constant 640 : i32
    %mul3A_103 = arith.muli %arg1, %mul3A_102 : i32
    "tpu.region"() ({
      %run_scoped3A_104 = tpu.sem_alloc : memref<!tpu.dma_semaphore, #tpu.memory_space<semaphore_mem>>
      %dma_start3A_105 = arith.constant 0 : i32
      %dma_start3A_106 = tpu.memref_slice %arg6[%arg0, %mul3A_103, %dma_start3A_105] : memref<2x10240x64xf32, #tpu.memory_space<hbm>> -> memref<1x640x64xf32, #tpu.memory_space<hbm>>
      %dma_start3A_107 = tpu.memref_squeeze %dma_start3A_106 : memref<1x640x64xf32, #tpu.memory_space<hbm>> -> memref<640x64xf32, #tpu.memory_space<hbm>>
      %dma_start3A_108 = arith.constant 0 : i32
      %dma_start3A_109 = tpu.memref_slice %arg10[%mul3A_101, %dma_start3A_108] : memref<10240x64xf32, #tpu.memory_space<vmem_shared>> -> memref<640x64xf32, #tpu.memory_space<vmem_shared>>
      tpu.enqueue_dma source(%dma_start3A_109 : memref<640x64xf32, #tpu.memory_space<vmem_shared>>) target(%dma_start3A_107 : memref<640x64xf32, #tpu.memory_space<hbm>>) target_semaphore(%run_scoped3A_104 : memref<!tpu.dma_semaphore, #tpu.memory_space<semaphore_mem>>)
      %dma_wait3A_110 = arith.constant 0 : i32
      %dma_wait3A_111 = tpu.memref_slice %arg6[%arg0, %mul3A_103, %dma_wait3A_110] : memref<2x10240x64xf32, #tpu.memory_space<hbm>> -> memref<1x640x64xf32, #tpu.memory_space<hbm>>
      %dma_wait3A_112 = tpu.memref_squeeze %dma_wait3A_111 : memref<1x640x64xf32, #tpu.memory_space<hbm>> -> memref<640x64xf32, #tpu.memory_space<hbm>>
      %dma_wait3A_113 = arith.constant 0 : i32
      %dma_wait3A_114 = tpu.memref_slice %arg10[%mul3A_101, %dma_wait3A_113] : memref<10240x64xf32, #tpu.memory_space<vmem_shared>> -> memref<640x64xf32, #tpu.memory_space<vmem_shared>>
      tpu.wait_dma2 semaphore(%run_scoped3A_104 : memref<!tpu.dma_semaphore, #tpu.memory_space<semaphore_mem>>) src(%dma_wait3A_114 : memref<640x64xf32, #tpu.memory_space<vmem_shared>>) dst(%dma_wait3A_112 : memref<640x64xf32, #tpu.memory_space<hbm>>)
      tpu.yield
    }) : () -> ()
    return
  }
}

#map = affine_map<(d0, d1) -> (0, 0)>
#map1 = affine_map<(d0, d1) -> (0, 0, 0)>
module attributes {stable_mosaic.version = 14 : i64} {
  func.func @scatter_kernel(%arg0: i32, %arg1: i32, %arg2: memref<10000x16xf32, #tpu.memory_space<hbm>>, %arg3: memref<32x80x128xi32, #tpu.memory_space<hbm>>, %arg4: memref<32x80x128xi32, #tpu.memory_space<hbm>>, %arg5: memref<640x16xf32, #tpu.memory_space<hbm>>, %arg6: memref<2x10240x16xf32, #tpu.memory_space<hbm>>, %arg7: memref<80x128xi32, #tpu.memory_space<vmem>>, %arg8: memref<80x128xi32, #tpu.memory_space<vmem>>, %arg9: memref<2x128x16xf32, #tpu.memory_space<vmem>>, %arg10: memref<10240x16xf32, #tpu.memory_space<vmem_shared>>, %arg11: memref<!tpu.dma_semaphore, #tpu.memory_space<semaphore_mem>>, %arg12: memref<!tpu.dma_semaphore, #tpu.memory_space<semaphore_mem>>, %arg13: memref<!tpu.dma_semaphore, #tpu.memory_space<semaphore_mem>>) attributes {dimension_semantics = [#tpu.dimension_semantics<core_parallel>, #tpu.dimension_semantics<subcore_parallel>], iteration_bounds = array<i64: 2, 16>, scalar_prefetch = 0 : i64, scratch_operands = 7 : i64, tpu.core_type = #tpu.core_type<sc_vector_subcore>, window_params = [{transform_indices = #map}, {transform_indices = #map1}, {transform_indices = #map1}, {transform_indices = #map}, {transform_indices = #map1}]} {
    %mul3A = arith.constant 2 : i32
    %mul3A_0 = arith.muli %arg1, %mul3A : i32
    %add3A = arith.addi %mul3A_0, %arg0 : i32
    %dma_start3A = arith.constant 0 : i32
    %dma_start3A_1 = arith.constant 0 : i32
    %dma_start3A_2 = tpu.memref_slice %arg3[%add3A, %dma_start3A, %dma_start3A_1] : memref<32x80x128xi32, #tpu.memory_space<hbm>> -> memref<1x80x128xi32, #tpu.memory_space<hbm>>
    %dma_start3A_3 = tpu.memref_squeeze %dma_start3A_2 : memref<1x80x128xi32, #tpu.memory_space<hbm>> -> memref<80x128xi32, #tpu.memory_space<hbm>>
    %dma_start3A_4 = arith.constant 0 : i32
    %dma_start3A_5 = arith.constant 0 : i32
    %dma_start3A_6 = tpu.memref_slice %arg3[%add3A, %dma_start3A_4, %dma_start3A_5] : memref<32x80x128xi32, #tpu.memory_space<hbm>> -> memref<1x80x128xi32, #tpu.memory_space<hbm>>
    %dma_start3A_7 = tpu.memref_squeeze %dma_start3A_6 : memref<1x80x128xi32, #tpu.memory_space<hbm>> -> memref<80x128xi32, #tpu.memory_space<hbm>>
    tpu.enqueue_dma source(%dma_start3A_7 : memref<80x128xi32, #tpu.memory_space<hbm>>) target(%arg7 : memref<80x128xi32, #tpu.memory_space<vmem>>) target_semaphore(%arg13 : memref<!tpu.dma_semaphore, #tpu.memory_space<semaphore_mem>>)
    %dma_start3A_8 = arith.constant 0 : i32
    %dma_start3A_9 = arith.constant 0 : i32
    %dma_start3A_10 = tpu.memref_slice %arg4[%add3A, %dma_start3A_8, %dma_start3A_9] : memref<32x80x128xi32, #tpu.memory_space<hbm>> -> memref<1x80x128xi32, #tpu.memory_space<hbm>>
    %dma_start3A_11 = tpu.memref_squeeze %dma_start3A_10 : memref<1x80x128xi32, #tpu.memory_space<hbm>> -> memref<80x128xi32, #tpu.memory_space<hbm>>
    %dma_start3A_12 = arith.constant 0 : i32
    %dma_start3A_13 = arith.constant 0 : i32
    %dma_start3A_14 = tpu.memref_slice %arg4[%add3A, %dma_start3A_12, %dma_start3A_13] : memref<32x80x128xi32, #tpu.memory_space<hbm>> -> memref<1x80x128xi32, #tpu.memory_space<hbm>>
    %dma_start3A_15 = tpu.memref_squeeze %dma_start3A_14 : memref<1x80x128xi32, #tpu.memory_space<hbm>> -> memref<80x128xi32, #tpu.memory_space<hbm>>
    tpu.enqueue_dma source(%dma_start3A_15 : memref<80x128xi32, #tpu.memory_space<hbm>>) target(%arg8 : memref<80x128xi32, #tpu.memory_space<vmem>>) target_semaphore(%arg13 : memref<!tpu.dma_semaphore, #tpu.memory_space<semaphore_mem>>)
    %mul3A_16 = arith.constant 640 : i32
    %mul3A_17 = arith.muli %arg1, %mul3A_16 : i32
    "tpu.region"() ({
      %run_scoped3A_104 = tpu.sem_alloc : memref<!tpu.dma_semaphore, #tpu.memory_space<semaphore_mem>>
      %dma_start3A_105 = arith.constant 0 : i32
      %dma_start3A_106 = tpu.memref_slice %arg10[%mul3A_17, %dma_start3A_105] : memref<10240x16xf32, #tpu.memory_space<vmem_shared>> -> memref<640x16xf32, #tpu.memory_space<vmem_shared>>
      tpu.enqueue_dma source(%arg5 : memref<640x16xf32, #tpu.memory_space<hbm>>) target(%dma_start3A_106 : memref<640x16xf32, #tpu.memory_space<vmem_shared>>) target_semaphore(%run_scoped3A_104 : memref<!tpu.dma_semaphore, #tpu.memory_space<semaphore_mem>>)
      %dma_wait3A_107 = arith.constant 0 : i32
      %dma_wait3A_108 = tpu.memref_slice %arg10[%mul3A_17, %dma_wait3A_107] : memref<10240x16xf32, #tpu.memory_space<vmem_shared>> -> memref<640x16xf32, #tpu.memory_space<vmem_shared>>
      tpu.wait_dma2 semaphore(%run_scoped3A_104 : memref<!tpu.dma_semaphore, #tpu.memory_space<semaphore_mem>>) src(%arg5 : memref<640x16xf32, #tpu.memory_space<hbm>>) dst(%dma_wait3A_108 : memref<640x16xf32, #tpu.memory_space<vmem_shared>>)
      tpu.yield
    }) : () -> ()
    %dma_wait3A = arith.constant 0 : i32
    %dma_wait3A_18 = arith.constant 0 : i32
    %dma_wait3A_19 = tpu.memref_slice %arg3[%add3A, %dma_wait3A, %dma_wait3A_18] : memref<32x80x128xi32, #tpu.memory_space<hbm>> -> memref<1x80x128xi32, #tpu.memory_space<hbm>>
    %dma_wait3A_20 = tpu.memref_squeeze %dma_wait3A_19 : memref<1x80x128xi32, #tpu.memory_space<hbm>> -> memref<80x128xi32, #tpu.memory_space<hbm>>
    %dma_wait3A_21 = arith.constant 0 : i32
    %dma_wait3A_22 = arith.constant 0 : i32
    %dma_wait3A_23 = tpu.memref_slice %arg3[%add3A, %dma_wait3A_21, %dma_wait3A_22] : memref<32x80x128xi32, #tpu.memory_space<hbm>> -> memref<1x80x128xi32, #tpu.memory_space<hbm>>
    %dma_wait3A_24 = tpu.memref_squeeze %dma_wait3A_23 : memref<1x80x128xi32, #tpu.memory_space<hbm>> -> memref<80x128xi32, #tpu.memory_space<hbm>>
    tpu.wait_dma2 semaphore(%arg13 : memref<!tpu.dma_semaphore, #tpu.memory_space<semaphore_mem>>) src(%dma_wait3A_24 : memref<80x128xi32, #tpu.memory_space<hbm>>) dst(%arg7 : memref<80x128xi32, #tpu.memory_space<vmem>>)
    %dma_wait3A_25 = arith.constant 0 : i32
    %dma_wait3A_26 = arith.constant 0 : i32
    %dma_wait3A_27 = tpu.memref_slice %arg4[%add3A, %dma_wait3A_25, %dma_wait3A_26] : memref<32x80x128xi32, #tpu.memory_space<hbm>> -> memref<1x80x128xi32, #tpu.memory_space<hbm>>
    %dma_wait3A_28 = tpu.memref_squeeze %dma_wait3A_27 : memref<1x80x128xi32, #tpu.memory_space<hbm>> -> memref<80x128xi32, #tpu.memory_space<hbm>>
    %dma_wait3A_29 = arith.constant 0 : i32
    %dma_wait3A_30 = arith.constant 0 : i32
    %dma_wait3A_31 = tpu.memref_slice %arg4[%add3A, %dma_wait3A_29, %dma_wait3A_30] : memref<32x80x128xi32, #tpu.memory_space<hbm>> -> memref<1x80x128xi32, #tpu.memory_space<hbm>>
    %dma_wait3A_32 = tpu.memref_squeeze %dma_wait3A_31 : memref<1x80x128xi32, #tpu.memory_space<hbm>> -> memref<80x128xi32, #tpu.memory_space<hbm>>
    tpu.wait_dma2 semaphore(%arg13 : memref<!tpu.dma_semaphore, #tpu.memory_space<semaphore_mem>>) src(%dma_wait3A_32 : memref<80x128xi32, #tpu.memory_space<hbm>>) dst(%arg8 : memref<80x128xi32, #tpu.memory_space<vmem>>)
    %dma_start3A_33 = arith.constant 0 : i32
    %dma_start3A_34 = arith.constant 0 : i32
    %dma_start3A_35 = arith.constant 0 : i32
    %dma_start3A_36 = arith.constant 0 : i32
    %dma_start3A_37 = tpu.memref_slice %arg9[%dma_start3A_34, %dma_start3A_35, %dma_start3A_36] : memref<2x128x16xf32, #tpu.memory_space<vmem>> -> memref<1x128x16xf32, #tpu.memory_space<vmem>>
    %dma_start3A_38 = tpu.memref_squeeze %dma_start3A_37 : memref<1x128x16xf32, #tpu.memory_space<vmem>> -> memref<128x16xf32, #tpu.memory_space<vmem>>
    %dma_start3A_39 = arith.constant 0 : i32
    %dma_start3A_40 = tpu.memref_slice %arg7[%dma_start3A_33, %dma_start3A_39] : memref<80x128xi32, #tpu.memory_space<vmem>> -> memref<1x128xi32, #tpu.memory_space<vmem>>
    %dma_start3A_41 = tpu.memref_squeeze %dma_start3A_40 : memref<1x128xi32, #tpu.memory_space<vmem>> -> memref<128xi32, #tpu.memory_space<vmem>>
    %dma_start3A_42 = arith.constant 0 : i32
    %dma_start3A_43 = arith.constant 0 : i32
    %dma_start3A_44 = tpu.memref_slice %arg2[%dma_start3A_42, %dma_start3A_43] : memref<10000x16xf32, #tpu.memory_space<hbm>> -> memref<10000x16xf32, #tpu.memory_space<hbm>>
    tpu.enqueue_indirect_dma source(%dma_start3A_44 : memref<10000x16xf32, #tpu.memory_space<hbm>>) target(%dma_start3A_38 : memref<128x16xf32, #tpu.memory_space<vmem>>) offsets(%dma_start3A_41 : memref<128xi32, #tpu.memory_space<vmem>>) semaphore(%arg11 : memref<!tpu.dma_semaphore, #tpu.memory_space<semaphore_mem>>)
    %dma_start3A_45 = arith.constant 1 : i32
    %dma_start3A_46 = arith.constant 1 : i32
    %dma_start3A_47 = arith.constant 0 : i32
    %dma_start3A_48 = arith.constant 0 : i32
    %dma_start3A_49 = tpu.memref_slice %arg9[%dma_start3A_46, %dma_start3A_47, %dma_start3A_48] : memref<2x128x16xf32, #tpu.memory_space<vmem>> -> memref<1x128x16xf32, #tpu.memory_space<vmem>>
    %dma_start3A_50 = tpu.memref_squeeze %dma_start3A_49 : memref<1x128x16xf32, #tpu.memory_space<vmem>> -> memref<128x16xf32, #tpu.memory_space<vmem>>
    %dma_start3A_51 = arith.constant 0 : i32
    %dma_start3A_52 = tpu.memref_slice %arg7[%dma_start3A_45, %dma_start3A_51] : memref<80x128xi32, #tpu.memory_space<vmem>> -> memref<1x128xi32, #tpu.memory_space<vmem>>
    %dma_start3A_53 = tpu.memref_squeeze %dma_start3A_52 : memref<1x128xi32, #tpu.memory_space<vmem>> -> memref<128xi32, #tpu.memory_space<vmem>>
    %dma_start3A_54 = arith.constant 0 : i32
    %dma_start3A_55 = arith.constant 0 : i32
    %dma_start3A_56 = tpu.memref_slice %arg2[%dma_start3A_54, %dma_start3A_55] : memref<10000x16xf32, #tpu.memory_space<hbm>> -> memref<10000x16xf32, #tpu.memory_space<hbm>>
    tpu.enqueue_indirect_dma source(%dma_start3A_56 : memref<10000x16xf32, #tpu.memory_space<hbm>>) target(%dma_start3A_50 : memref<128x16xf32, #tpu.memory_space<vmem>>) offsets(%dma_start3A_53 : memref<128xi32, #tpu.memory_space<vmem>>) semaphore(%arg12 : memref<!tpu.dma_semaphore, #tpu.memory_space<semaphore_mem>>)
    %barrier3A = arith.constant 0 : index
    tpu.barrier barrier_id(%barrier3A)
    %scan3A = arith.constant 0 : i32
    %scan3A_57 = arith.constant 0 : i32
    %mul3A_58 = arith.constant 2 : i32
    %mul3A_59 = arith.muli %mul3A_58, %scan3A_57 : i32
    %dma_wait3A_60 = arith.constant 0 : i32
    %dma_wait3A_61 = arith.constant 0 : i32
    %dma_wait3A_62 = arith.constant 0 : i32
    %dma_wait3A_63 = tpu.memref_slice %arg9[%dma_wait3A_60, %dma_wait3A_61, %dma_wait3A_62] : memref<2x128x16xf32, #tpu.memory_space<vmem>> -> memref<1x128x16xf32, #tpu.memory_space<vmem>>
    %dma_wait3A_64 = tpu.memref_squeeze %dma_wait3A_63 : memref<1x128x16xf32, #tpu.memory_space<vmem>> -> memref<128x16xf32, #tpu.memory_space<vmem>>
    %dma_wait3A_65 = arith.constant 0 : i32
    %dma_wait3A_66 = tpu.memref_slice %arg7[%mul3A_59, %dma_wait3A_65] : memref<80x128xi32, #tpu.memory_space<vmem>> -> memref<1x128xi32, #tpu.memory_space<vmem>>
    %dma_wait3A_67 = tpu.memref_squeeze %dma_wait3A_66 : memref<1x128xi32, #tpu.memory_space<vmem>> -> memref<128xi32, #tpu.memory_space<vmem>>
    %dma_wait3A_68 = arith.constant 0 : i32
    %dma_wait3A_69 = arith.constant 0 : i32
    %dma_wait3A_70 = tpu.memref_slice %arg2[%dma_wait3A_68, %dma_wait3A_69] : memref<10000x16xf32, #tpu.memory_space<hbm>> -> memref<10000x16xf32, #tpu.memory_space<hbm>>
    tpu.wait_indirect_dma semaphore(%arg11 : memref<!tpu.dma_semaphore, #tpu.memory_space<semaphore_mem>>) src(%dma_wait3A_70 : memref<10000x16xf32, #tpu.memory_space<hbm>>) dst(%dma_wait3A_64 : memref<128x16xf32, #tpu.memory_space<vmem>>)
    %run_scoped3A = arith.constant 0 : i32
    "tpu.region"() ({
      %run_scoped3A_104 = tpu.sem_alloc : memref<!tpu.dma_semaphore, #tpu.memory_space<semaphore_mem>>
      %dma_start3A_105 = arith.constant 0 : i32
      %dma_start3A_106 = arith.constant 0 : i32
      %dma_start3A_107 = tpu.memref_slice %arg9[%run_scoped3A, %dma_start3A_105, %dma_start3A_106] : memref<2x128x16xf32, #tpu.memory_space<vmem>> -> memref<1x128x16xf32, #tpu.memory_space<vmem>>
      %dma_start3A_108 = tpu.memref_squeeze %dma_start3A_107 : memref<1x128x16xf32, #tpu.memory_space<vmem>> -> memref<128x16xf32, #tpu.memory_space<vmem>>
      %dma_start3A_109 = arith.constant 0 : i32
      %dma_start3A_110 = tpu.memref_slice %arg8[%mul3A_59, %dma_start3A_109] : memref<80x128xi32, #tpu.memory_space<vmem>> -> memref<1x128xi32, #tpu.memory_space<vmem>>
      %dma_start3A_111 = tpu.memref_squeeze %dma_start3A_110 : memref<1x128xi32, #tpu.memory_space<vmem>> -> memref<128xi32, #tpu.memory_space<vmem>>
      %dma_start3A_112 = arith.constant 0 : i32
      %dma_start3A_113 = arith.constant 0 : i32
      %dma_start3A_114 = tpu.memref_slice %arg10[%dma_start3A_112, %dma_start3A_113] : memref<10240x16xf32, #tpu.memory_space<vmem_shared>> -> memref<10240x16xf32, #tpu.memory_space<vmem_shared>>
      tpu.enqueue_indirect_dma source(%dma_start3A_108 : memref<128x16xf32, #tpu.memory_space<vmem>>) target(%dma_start3A_114 : memref<10240x16xf32, #tpu.memory_space<vmem_shared>>) offsets(%dma_start3A_111 : memref<128xi32, #tpu.memory_space<vmem>>) semaphore(%run_scoped3A_104 : memref<!tpu.dma_semaphore, #tpu.memory_space<semaphore_mem>>) {add = true}
      %dma_wait3A_115 = arith.constant 0 : i32
      %dma_wait3A_116 = arith.constant 0 : i32
      %dma_wait3A_117 = tpu.memref_slice %arg9[%run_scoped3A, %dma_wait3A_115, %dma_wait3A_116] : memref<2x128x16xf32, #tpu.memory_space<vmem>> -> memref<1x128x16xf32, #tpu.memory_space<vmem>>
      %dma_wait3A_118 = tpu.memref_squeeze %dma_wait3A_117 : memref<1x128x16xf32, #tpu.memory_space<vmem>> -> memref<128x16xf32, #tpu.memory_space<vmem>>
      %dma_wait3A_119 = arith.constant 0 : i32
      %dma_wait3A_120 = tpu.memref_slice %arg8[%mul3A_59, %dma_wait3A_119] : memref<80x128xi32, #tpu.memory_space<vmem>> -> memref<1x128xi32, #tpu.memory_space<vmem>>
      %dma_wait3A_121 = tpu.memref_squeeze %dma_wait3A_120 : memref<1x128xi32, #tpu.memory_space<vmem>> -> memref<128xi32, #tpu.memory_space<vmem>>
      %dma_wait3A_122 = arith.constant 0 : i32
      %dma_wait3A_123 = arith.constant 0 : i32
      %dma_wait3A_124 = tpu.memref_slice %arg10[%dma_wait3A_122, %dma_wait3A_123] : memref<10240x16xf32, #tpu.memory_space<vmem_shared>> -> memref<10240x16xf32, #tpu.memory_space<vmem_shared>>
      tpu.wait_indirect_dma semaphore(%run_scoped3A_104 : memref<!tpu.dma_semaphore, #tpu.memory_space<semaphore_mem>>) src(%dma_wait3A_118 : memref<128x16xf32, #tpu.memory_space<vmem>>) dst(%dma_wait3A_124 : memref<10240x16xf32, #tpu.memory_space<vmem_shared>>)
      tpu.yield
    }) : () -> ()
    %add3A_71 = arith.constant 2 : i32
    %add3A_72 = arith.addi %mul3A_59, %add3A_71 : i32
    %lt3A = arith.constant 2 : i32
    %lt3A_73 = arith.cmpi slt, %add3A_72, %lt3A : i32
    %convert_element_type3A = arith.extui %lt3A_73 : i1 to i32
    %cond3A = arith.constant 0 : i32
    %cond3A_74 = arith.cmpi ne, %convert_element_type3A, %cond3A : i32
    scf.if %cond3A_74 {
      %add3A_104 = arith.constant 2 : i32
      %add3A_105 = arith.addi %mul3A_59, %add3A_104 : i32
      %dma_start3A_106 = arith.constant 0 : i32
      %dma_start3A_107 = arith.constant 0 : i32
      %dma_start3A_108 = arith.constant 0 : i32
      %dma_start3A_109 = tpu.memref_slice %arg9[%dma_start3A_106, %dma_start3A_107, %dma_start3A_108] : memref<2x128x16xf32, #tpu.memory_space<vmem>> -> memref<1x128x16xf32, #tpu.memory_space<vmem>>
      %dma_start3A_110 = tpu.memref_squeeze %dma_start3A_109 : memref<1x128x16xf32, #tpu.memory_space<vmem>> -> memref<128x16xf32, #tpu.memory_space<vmem>>
      %dma_start3A_111 = arith.constant 0 : i32
      %dma_start3A_112 = tpu.memref_slice %arg7[%add3A_105, %dma_start3A_111] : memref<80x128xi32, #tpu.memory_space<vmem>> -> memref<1x128xi32, #tpu.memory_space<vmem>>
      %dma_start3A_113 = tpu.memref_squeeze %dma_start3A_112 : memref<1x128xi32, #tpu.memory_space<vmem>> -> memref<128xi32, #tpu.memory_space<vmem>>
      %dma_start3A_114 = arith.constant 0 : i32
      %dma_start3A_115 = arith.constant 0 : i32
      %dma_start3A_116 = tpu.memref_slice %arg2[%dma_start3A_114, %dma_start3A_115] : memref<10000x16xf32, #tpu.memory_space<hbm>> -> memref<10000x16xf32, #tpu.memory_space<hbm>>
      tpu.enqueue_indirect_dma source(%dma_start3A_116 : memref<10000x16xf32, #tpu.memory_space<hbm>>) target(%dma_start3A_110 : memref<128x16xf32, #tpu.memory_space<vmem>>) offsets(%dma_start3A_113 : memref<128xi32, #tpu.memory_space<vmem>>) semaphore(%arg11 : memref<!tpu.dma_semaphore, #tpu.memory_space<semaphore_mem>>)
    } else {
    }
    %add3A_75 = arith.constant 1 : i32
    %add3A_76 = arith.addi %mul3A_59, %add3A_75 : i32
    %dma_wait3A_77 = arith.constant 1 : i32
    %dma_wait3A_78 = arith.constant 0 : i32
    %dma_wait3A_79 = arith.constant 0 : i32
    %dma_wait3A_80 = tpu.memref_slice %arg9[%dma_wait3A_77, %dma_wait3A_78, %dma_wait3A_79] : memref<2x128x16xf32, #tpu.memory_space<vmem>> -> memref<1x128x16xf32, #tpu.memory_space<vmem>>
    %dma_wait3A_81 = tpu.memref_squeeze %dma_wait3A_80 : memref<1x128x16xf32, #tpu.memory_space<vmem>> -> memref<128x16xf32, #tpu.memory_space<vmem>>
    %dma_wait3A_82 = arith.constant 0 : i32
    %dma_wait3A_83 = tpu.memref_slice %arg7[%add3A_76, %dma_wait3A_82] : memref<80x128xi32, #tpu.memory_space<vmem>> -> memref<1x128xi32, #tpu.memory_space<vmem>>
    %dma_wait3A_84 = tpu.memref_squeeze %dma_wait3A_83 : memref<1x128xi32, #tpu.memory_space<vmem>> -> memref<128xi32, #tpu.memory_space<vmem>>
    %dma_wait3A_85 = arith.constant 0 : i32
    %dma_wait3A_86 = arith.constant 0 : i32
    %dma_wait3A_87 = tpu.memref_slice %arg2[%dma_wait3A_85, %dma_wait3A_86] : memref<10000x16xf32, #tpu.memory_space<hbm>> -> memref<10000x16xf32, #tpu.memory_space<hbm>>
    tpu.wait_indirect_dma semaphore(%arg12 : memref<!tpu.dma_semaphore, #tpu.memory_space<semaphore_mem>>) src(%dma_wait3A_87 : memref<10000x16xf32, #tpu.memory_space<hbm>>) dst(%dma_wait3A_81 : memref<128x16xf32, #tpu.memory_space<vmem>>)
    %add3A_88 = arith.constant 1 : i32
    %add3A_89 = arith.addi %mul3A_59, %add3A_88 : i32
    %run_scoped3A_90 = arith.constant 1 : i32
    "tpu.region"() ({
      %run_scoped3A_104 = tpu.sem_alloc : memref<!tpu.dma_semaphore, #tpu.memory_space<semaphore_mem>>
      %dma_start3A_105 = arith.constant 0 : i32
      %dma_start3A_106 = arith.constant 0 : i32
      %dma_start3A_107 = tpu.memref_slice %arg9[%run_scoped3A_90, %dma_start3A_105, %dma_start3A_106] : memref<2x128x16xf32, #tpu.memory_space<vmem>> -> memref<1x128x16xf32, #tpu.memory_space<vmem>>
      %dma_start3A_108 = tpu.memref_squeeze %dma_start3A_107 : memref<1x128x16xf32, #tpu.memory_space<vmem>> -> memref<128x16xf32, #tpu.memory_space<vmem>>
      %dma_start3A_109 = arith.constant 0 : i32
      %dma_start3A_110 = tpu.memref_slice %arg8[%add3A_89, %dma_start3A_109] : memref<80x128xi32, #tpu.memory_space<vmem>> -> memref<1x128xi32, #tpu.memory_space<vmem>>
      %dma_start3A_111 = tpu.memref_squeeze %dma_start3A_110 : memref<1x128xi32, #tpu.memory_space<vmem>> -> memref<128xi32, #tpu.memory_space<vmem>>
      %dma_start3A_112 = arith.constant 0 : i32
      %dma_start3A_113 = arith.constant 0 : i32
      %dma_start3A_114 = tpu.memref_slice %arg10[%dma_start3A_112, %dma_start3A_113] : memref<10240x16xf32, #tpu.memory_space<vmem_shared>> -> memref<10240x16xf32, #tpu.memory_space<vmem_shared>>
      tpu.enqueue_indirect_dma source(%dma_start3A_108 : memref<128x16xf32, #tpu.memory_space<vmem>>) target(%dma_start3A_114 : memref<10240x16xf32, #tpu.memory_space<vmem_shared>>) offsets(%dma_start3A_111 : memref<128xi32, #tpu.memory_space<vmem>>) semaphore(%run_scoped3A_104 : memref<!tpu.dma_semaphore, #tpu.memory_space<semaphore_mem>>) {add = true}
      %dma_wait3A_115 = arith.constant 0 : i32
      %dma_wait3A_116 = arith.constant 0 : i32
      %dma_wait3A_117 = tpu.memref_slice %arg9[%run_scoped3A_90, %dma_wait3A_115, %dma_wait3A_116] : memref<2x128x16xf32, #tpu.memory_space<vmem>> -> memref<1x128x16xf32, #tpu.memory_space<vmem>>
      %dma_wait3A_118 = tpu.memref_squeeze %dma_wait3A_117 : memref<1x128x16xf32, #tpu.memory_space<vmem>> -> memref<128x16xf32, #tpu.memory_space<vmem>>
      %dma_wait3A_119 = arith.constant 0 : i32
      %dma_wait3A_120 = tpu.memref_slice %arg8[%add3A_89, %dma_wait3A_119] : memref<80x128xi32, #tpu.memory_space<vmem>> -> memref<1x128xi32, #tpu.memory_space<vmem>>
      %dma_wait3A_121 = tpu.memref_squeeze %dma_wait3A_120 : memref<1x128xi32, #tpu.memory_space<vmem>> -> memref<128xi32, #tpu.memory_space<vmem>>
      %dma_wait3A_122 = arith.constant 0 : i32
      %dma_wait3A_123 = arith.constant 0 : i32
      %dma_wait3A_124 = tpu.memref_slice %arg10[%dma_wait3A_122, %dma_wait3A_123] : memref<10240x16xf32, #tpu.memory_space<vmem_shared>> -> memref<10240x16xf32, #tpu.memory_space<vmem_shared>>
      tpu.wait_indirect_dma semaphore(%run_scoped3A_104 : memref<!tpu.dma_semaphore, #tpu.memory_space<semaphore_mem>>) src(%dma_wait3A_118 : memref<128x16xf32, #tpu.memory_space<vmem>>) dst(%dma_wait3A_124 : memref<10240x16xf32, #tpu.memory_space<vmem_shared>>)
      tpu.yield
    }) : () -> ()
    %add3A_91 = arith.constant 3 : i32
    %add3A_92 = arith.addi %mul3A_59, %add3A_91 : i32
    %lt3A_93 = arith.constant 2 : i32
    %lt3A_94 = arith.cmpi slt, %add3A_92, %lt3A_93 : i32
    %convert_element_type3A_95 = arith.extui %lt3A_94 : i1 to i32
    %cond3A_96 = arith.constant 0 : i32
    %cond3A_97 = arith.cmpi ne, %convert_element_type3A_95, %cond3A_96 : i32
    scf.if %cond3A_97 {
      %add3A_104 = arith.constant 3 : i32
      %add3A_105 = arith.addi %mul3A_59, %add3A_104 : i32
      %dma_start3A_106 = arith.constant 1 : i32
      %dma_start3A_107 = arith.constant 0 : i32
      %dma_start3A_108 = arith.constant 0 : i32
      %dma_start3A_109 = tpu.memref_slice %arg9[%dma_start3A_106, %dma_start3A_107, %dma_start3A_108] : memref<2x128x16xf32, #tpu.memory_space<vmem>> -> memref<1x128x16xf32, #tpu.memory_space<vmem>>
      %dma_start3A_110 = tpu.memref_squeeze %dma_start3A_109 : memref<1x128x16xf32, #tpu.memory_space<vmem>> -> memref<128x16xf32, #tpu.memory_space<vmem>>
      %dma_start3A_111 = arith.constant 0 : i32
      %dma_start3A_112 = tpu.memref_slice %arg7[%add3A_105, %dma_start3A_111] : memref<80x128xi32, #tpu.memory_space<vmem>> -> memref<1x128xi32, #tpu.memory_space<vmem>>
      %dma_start3A_113 = tpu.memref_squeeze %dma_start3A_112 : memref<1x128xi32, #tpu.memory_space<vmem>> -> memref<128xi32, #tpu.memory_space<vmem>>
      %dma_start3A_114 = arith.constant 0 : i32
      %dma_start3A_115 = arith.constant 0 : i32
      %dma_start3A_116 = tpu.memref_slice %arg2[%dma_start3A_114, %dma_start3A_115] : memref<10000x16xf32, #tpu.memory_space<hbm>> -> memref<10000x16xf32, #tpu.memory_space<hbm>>
      tpu.enqueue_indirect_dma source(%dma_start3A_116 : memref<10000x16xf32, #tpu.memory_space<hbm>>) target(%dma_start3A_110 : memref<128x16xf32, #tpu.memory_space<vmem>>) offsets(%dma_start3A_113 : memref<128xi32, #tpu.memory_space<vmem>>) semaphore(%arg12 : memref<!tpu.dma_semaphore, #tpu.memory_space<semaphore_mem>>)
    } else {
    }
    %scan3A_98 = arith.constant 1 : i32
    %barrier3A_99 = arith.constant 0 : index
    tpu.barrier barrier_id(%barrier3A_99)
    %mul3A_100 = arith.constant 640 : i32
    %mul3A_101 = arith.muli %arg1, %mul3A_100 : i32
    %mul3A_102 = arith.constant 640 : i32
    %mul3A_103 = arith.muli %arg1, %mul3A_102 : i32
    "tpu.region"() ({
      %run_scoped3A_104 = tpu.sem_alloc : memref<!tpu.dma_semaphore, #tpu.memory_space<semaphore_mem>>
      %dma_start3A_105 = arith.constant 0 : i32
      %dma_start3A_106 = tpu.memref_slice %arg6[%arg0, %mul3A_103, %dma_start3A_105] : memref<2x10240x16xf32, #tpu.memory_space<hbm>> -> memref<1x640x16xf32, #tpu.memory_space<hbm>>
      %dma_start3A_107 = tpu.memref_squeeze %dma_start3A_106 : memref<1x640x16xf32, #tpu.memory_space<hbm>> -> memref<640x16xf32, #tpu.memory_space<hbm>>
      %dma_start3A_108 = arith.constant 0 : i32
      %dma_start3A_109 = tpu.memref_slice %arg10[%mul3A_101, %dma_start3A_108] : memref<10240x16xf32, #tpu.memory_space<vmem_shared>> -> memref<640x16xf32, #tpu.memory_space<vmem_shared>>
      tpu.enqueue_dma source(%dma_start3A_109 : memref<640x16xf32, #tpu.memory_space<vmem_shared>>) target(%dma_start3A_107 : memref<640x16xf32, #tpu.memory_space<hbm>>) target_semaphore(%run_scoped3A_104 : memref<!tpu.dma_semaphore, #tpu.memory_space<semaphore_mem>>)
      %dma_wait3A_110 = arith.constant 0 : i32
      %dma_wait3A_111 = tpu.memref_slice %arg6[%arg0, %mul3A_103, %dma_wait3A_110] : memref<2x10240x16xf32, #tpu.memory_space<hbm>> -> memref<1x640x16xf32, #tpu.memory_space<hbm>>
      %dma_wait3A_112 = tpu.memref_squeeze %dma_wait3A_111 : memref<1x640x16xf32, #tpu.memory_space<hbm>> -> memref<640x16xf32, #tpu.memory_space<hbm>>
      %dma_wait3A_113 = arith.constant 0 : i32
      %dma_wait3A_114 = tpu.memref_slice %arg10[%mul3A_101, %dma_wait3A_113] : memref<10240x16xf32, #tpu.memory_space<vmem_shared>> -> memref<640x16xf32, #tpu.memory_space<vmem_shared>>
      tpu.wait_dma2 semaphore(%run_scoped3A_104 : memref<!tpu.dma_semaphore, #tpu.memory_space<semaphore_mem>>) src(%dma_wait3A_114 : memref<640x16xf32, #tpu.memory_space<vmem_shared>>) dst(%dma_wait3A_112 : memref<640x16xf32, #tpu.memory_space<hbm>>)
      tpu.yield
    }) : () -> ()
    return
  }
}

module attributes {stable_mosaic.version = 14 : i64} {
  func.func @_mm_body(%arg0: memref<10000x128xf32, #tpu.memory_space<vmem>>, %arg1: memref<128x64xf32, #tpu.memory_space<vmem>>, %arg2: memref<10000x64xf32, #tpu.memory_space<vmem>>) attributes {dimension_semantics = [], scalar_prefetch = 0 : i64, scratch_operands = 0 : i64, tpu.core_type = #tpu.core_type<tc>} {
    %get3A = arith.constant 0 : index
    %get3A_0 = arith.constant 0 : index
    %get3A_1 = vector.load %arg0[%get3A, %get3A_0] : memref<10000x128xf32, #tpu.memory_space<vmem>>, vector<10000x128xf32>
    %get3A_2 = arith.constant 0 : index
    %get3A_3 = arith.constant 0 : index
    %get3A_4 = vector.load %arg1[%get3A_2, %get3A_3] : memref<128x64xf32, #tpu.memory_space<vmem>>, vector<128x64xf32>
    %dot_general3A = arith.constant dense<0.000000e+00> : vector<10000x64xf32>
    %dot_general3A_5 = tpu.matmul %get3A_1, %get3A_4, %dot_general3A {dimension_numbers = #tpu.dot_dimension_numbers<[1], [0], [0], [1], [0, 0, 1, 1], [], []>, transpose_lhs_hint = false} : vector<10000x128xf32>, vector<128x64xf32>, vector<10000x64xf32> -> vector<10000x64xf32>
    %swap3A = arith.constant 0 : index
    %swap3A_6 = arith.constant 0 : index
    %swap3A_7 = vector.load %arg2[%swap3A, %swap3A_6] : memref<10000x64xf32, #tpu.memory_space<vmem>>, vector<10000x64xf32>
    tpu.vector_store %arg2[%swap3A, %swap3A_6], %dot_general3A_5 {strides = array<i32>} : memref<10000x64xf32, #tpu.memory_space<vmem>>, vector<10000x64xf32>,
    return
  }
}

module attributes {stable_mosaic.version = 14 : i64} {
  func.func @_layer_body(%arg0: memref<2x10240x64xf32, #tpu.memory_space<vmem>>, %arg1: memref<10000x64xf32, #tpu.memory_space<vmem>>, %arg2: memref<1x64xf32, #tpu.memory_space<vmem>>, %arg3: memref<64x64xf32, #tpu.memory_space<vmem>>, %arg4: memref<1x64xf32, #tpu.memory_space<vmem>>, %arg5: memref<64x64xf32, #tpu.memory_space<vmem>>, %arg6: memref<10000x64xf32, #tpu.memory_space<vmem>>) attributes {dimension_semantics = [], scalar_prefetch = 0 : i64, scratch_operands = 0 : i64, tpu.core_type = #tpu.core_type<tc>} {
    %get3A = arith.constant 0 : index
    %get3A_0 = arith.constant 0 : index
    %get3A_1 = arith.constant 0 : index
    %get3A_2 = vector.load %arg0[%get3A, %get3A_0, %get3A_1] : memref<2x10240x64xf32, #tpu.memory_space<vmem>>, vector<1x10000x64xf32>
    %get3A_3 = vector.shape_cast %get3A_2 : vector<1x10000x64xf32> to vector<10000x64xf32>
    %get3A_4 = arith.constant 1 : index
    %get3A_5 = arith.constant 0 : index
    %get3A_6 = arith.constant 0 : index
    %get3A_7 = vector.load %arg0[%get3A_4, %get3A_5, %get3A_6] : memref<2x10240x64xf32, #tpu.memory_space<vmem>>, vector<1x10000x64xf32>
    %get3A_8 = vector.shape_cast %get3A_7 : vector<1x10000x64xf32> to vector<10000x64xf32>
    %add3A = arith.addf %get3A_3, %get3A_8 : vector<10000x64xf32>
    %get3A_9 = arith.constant 0 : index
    %get3A_10 = arith.constant 0 : index
    %get3A_11 = vector.load %arg1[%get3A_9, %get3A_10] : memref<10000x64xf32, #tpu.memory_space<vmem>>, vector<10000x64xf32>
    %add3A_12 = arith.addf %add3A, %get3A_11 : vector<10000x64xf32>
    %get3A_13 = arith.constant 0 : index
    %get3A_14 = arith.constant 0 : index
    %get3A_15 = vector.load %arg2[%get3A_13, %get3A_14] : memref<1x64xf32, #tpu.memory_space<vmem>>, vector<1x64xf32>
    %add3A_16 = vector.broadcast %get3A_15 : vector<1x64xf32> to vector<10000x64xf32>
    %add3A_17 = arith.addf %add3A_12, %add3A_16 : vector<10000x64xf32>
    %max3A = arith.constant 0.000000e+00 : f32
    %max3A_18 = vector.broadcast %max3A : f32 to vector<10000x64xf32>
    %max3A_19 = arith.maximumf %add3A_17, %max3A_18 : vector<10000x64xf32>
    %get3A_20 = arith.constant 0 : index
    %get3A_21 = arith.constant 0 : index
    %get3A_22 = vector.load %arg3[%get3A_20, %get3A_21] : memref<64x64xf32, #tpu.memory_space<vmem>>, vector<64x64xf32>
    %dot_general3A = arith.constant dense<0.000000e+00> : vector<10000x64xf32>
    %dot_general3A_23 = tpu.matmul %max3A_19, %get3A_22, %dot_general3A {dimension_numbers = #tpu.dot_dimension_numbers<[1], [0], [0], [1], [0, 0, 1, 1], [], []>, transpose_lhs_hint = false} : vector<10000x64xf32>, vector<64x64xf32>, vector<10000x64xf32> -> vector<10000x64xf32>
    %get3A_24 = arith.constant 0 : index
    %get3A_25 = arith.constant 0 : index
    %get3A_26 = vector.load %arg4[%get3A_24, %get3A_25] : memref<1x64xf32, #tpu.memory_space<vmem>>, vector<1x64xf32>
    %add3A_27 = vector.broadcast %get3A_26 : vector<1x64xf32> to vector<10000x64xf32>
    %add3A_28 = arith.addf %dot_general3A_23, %add3A_27 : vector<10000x64xf32>
    %max3A_29 = arith.constant 0.000000e+00 : f32
    %max3A_30 = vector.broadcast %max3A_29 : f32 to vector<10000x64xf32>
    %max3A_31 = arith.maximumf %add3A_28, %max3A_30 : vector<10000x64xf32>
    %get3A_32 = arith.constant 0 : index
    %get3A_33 = arith.constant 0 : index
    %get3A_34 = vector.load %arg5[%get3A_32, %get3A_33] : memref<64x64xf32, #tpu.memory_space<vmem>>, vector<64x64xf32>
    %dot_general3A_35 = arith.constant dense<0.000000e+00> : vector<10000x64xf32>
    %dot_general3A_36 = tpu.matmul %max3A_31, %get3A_34, %dot_general3A_35 {dimension_numbers = #tpu.dot_dimension_numbers<[1], [0], [0], [1], [0, 0, 1, 1], [], []>, transpose_lhs_hint = false} : vector<10000x64xf32>, vector<64x64xf32>, vector<10000x64xf32> -> vector<10000x64xf32>
    %swap3A = arith.constant 0 : index
    %swap3A_37 = arith.constant 0 : index
    %swap3A_38 = vector.load %arg6[%swap3A, %swap3A_37] : memref<10000x64xf32, #tpu.memory_space<vmem>>, vector<10000x64xf32>
    tpu.vector_store %arg6[%swap3A, %swap3A_37], %dot_general3A_36 {strides = array<i32>} : memref<10000x64xf32, #tpu.memory_space<vmem>>, vector<10000x64xf32>,
    return
  }
}

module attributes {stable_mosaic.version = 14 : i64} {
  func.func @_layer_body(%arg0: memref<2x10240x64xf32, #tpu.memory_space<vmem>>, %arg1: memref<10000x64xf32, #tpu.memory_space<vmem>>, %arg2: memref<1x64xf32, #tpu.memory_space<vmem>>, %arg3: memref<64x64xf32, #tpu.memory_space<vmem>>, %arg4: memref<1x64xf32, #tpu.memory_space<vmem>>, %arg5: memref<64x16xf32, #tpu.memory_space<vmem>>, %arg6: memref<10000x16xf32, #tpu.memory_space<vmem>>) attributes {dimension_semantics = [], scalar_prefetch = 0 : i64, scratch_operands = 0 : i64, tpu.core_type = #tpu.core_type<tc>} {
    %get3A = arith.constant 0 : index
    %get3A_0 = arith.constant 0 : index
    %get3A_1 = arith.constant 0 : index
    %get3A_2 = vector.load %arg0[%get3A, %get3A_0, %get3A_1] : memref<2x10240x64xf32, #tpu.memory_space<vmem>>, vector<1x10000x64xf32>
    %get3A_3 = vector.shape_cast %get3A_2 : vector<1x10000x64xf32> to vector<10000x64xf32>
    %get3A_4 = arith.constant 1 : index
    %get3A_5 = arith.constant 0 : index
    %get3A_6 = arith.constant 0 : index
    %get3A_7 = vector.load %arg0[%get3A_4, %get3A_5, %get3A_6] : memref<2x10240x64xf32, #tpu.memory_space<vmem>>, vector<1x10000x64xf32>
    %get3A_8 = vector.shape_cast %get3A_7 : vector<1x10000x64xf32> to vector<10000x64xf32>
    %add3A = arith.addf %get3A_3, %get3A_8 : vector<10000x64xf32>
    %get3A_9 = arith.constant 0 : index
    %get3A_10 = arith.constant 0 : index
    %get3A_11 = vector.load %arg1[%get3A_9, %get3A_10] : memref<10000x64xf32, #tpu.memory_space<vmem>>, vector<10000x64xf32>
    %add3A_12 = arith.addf %add3A, %get3A_11 : vector<10000x64xf32>
    %get3A_13 = arith.constant 0 : index
    %get3A_14 = arith.constant 0 : index
    %get3A_15 = vector.load %arg2[%get3A_13, %get3A_14] : memref<1x64xf32, #tpu.memory_space<vmem>>, vector<1x64xf32>
    %add3A_16 = vector.broadcast %get3A_15 : vector<1x64xf32> to vector<10000x64xf32>
    %add3A_17 = arith.addf %add3A_12, %add3A_16 : vector<10000x64xf32>
    %max3A = arith.constant 0.000000e+00 : f32
    %max3A_18 = vector.broadcast %max3A : f32 to vector<10000x64xf32>
    %max3A_19 = arith.maximumf %add3A_17, %max3A_18 : vector<10000x64xf32>
    %get3A_20 = arith.constant 0 : index
    %get3A_21 = arith.constant 0 : index
    %get3A_22 = vector.load %arg3[%get3A_20, %get3A_21] : memref<64x64xf32, #tpu.memory_space<vmem>>, vector<64x64xf32>
    %dot_general3A = arith.constant dense<0.000000e+00> : vector<10000x64xf32>
    %dot_general3A_23 = tpu.matmul %max3A_19, %get3A_22, %dot_general3A {dimension_numbers = #tpu.dot_dimension_numbers<[1], [0], [0], [1], [0, 0, 1, 1], [], []>, transpose_lhs_hint = false} : vector<10000x64xf32>, vector<64x64xf32>, vector<10000x64xf32> -> vector<10000x64xf32>
    %get3A_24 = arith.constant 0 : index
    %get3A_25 = arith.constant 0 : index
    %get3A_26 = vector.load %arg4[%get3A_24, %get3A_25] : memref<1x64xf32, #tpu.memory_space<vmem>>, vector<1x64xf32>
    %add3A_27 = vector.broadcast %get3A_26 : vector<1x64xf32> to vector<10000x64xf32>
    %add3A_28 = arith.addf %dot_general3A_23, %add3A_27 : vector<10000x64xf32>
    %max3A_29 = arith.constant 0.000000e+00 : f32
    %max3A_30 = vector.broadcast %max3A_29 : f32 to vector<10000x64xf32>
    %max3A_31 = arith.maximumf %add3A_28, %max3A_30 : vector<10000x64xf32>
    %get3A_32 = arith.constant 0 : index
    %get3A_33 = arith.constant 0 : index
    %get3A_34 = vector.load %arg5[%get3A_32, %get3A_33] : memref<64x16xf32, #tpu.memory_space<vmem>>, vector<64x16xf32>
    %dot_general3A_35 = arith.constant dense<0.000000e+00> : vector<10000x16xf32>
    %dot_general3A_36 = tpu.matmul %max3A_31, %get3A_34, %dot_general3A_35 {dimension_numbers = #tpu.dot_dimension_numbers<[1], [0], [0], [1], [0, 0, 1, 1], [], []>, transpose_lhs_hint = false} : vector<10000x64xf32>, vector<64x16xf32>, vector<10000x16xf32> -> vector<10000x16xf32>
    %swap3A = arith.constant 0 : index
    %swap3A_37 = arith.constant 0 : index
    %swap3A_38 = vector.load %arg6[%swap3A, %swap3A_37] : memref<10000x16xf32, #tpu.memory_space<vmem>>, vector<10000x16xf32>
    tpu.vector_store %arg6[%swap3A, %swap3A_37], %dot_general3A_36 {strides = array<i32>} : memref<10000x16xf32, #tpu.memory_space<vmem>>, vector<10000x16xf32>,
    return
  }
}

module attributes {stable_mosaic.version = 14 : i64} {
  func.func @_final_body(%arg0: memref<2x10240x16xf32, #tpu.memory_space<vmem>>, %arg1: memref<10000x16xf32, #tpu.memory_space<vmem>>, %arg2: memref<1x16xf32, #tpu.memory_space<vmem>>, %arg3: memref<1x16xf32, #tpu.memory_space<vmem>>, %arg4: memref<1x1xf32, #tpu.memory_space<vmem>>, %arg5: memref<10000x1xi32, #tpu.memory_space<vmem>>, %arg6: memref<1x64xf32, #tpu.memory_space<vmem>>) attributes {dimension_semantics = [], scalar_prefetch = 0 : i64, scratch_operands = 0 : i64, tpu.core_type = #tpu.core_type<tc>} {
    %get3A = arith.constant 0 : index
    %get3A_0 = arith.constant 0 : index
    %get3A_1 = arith.constant 0 : index
    %get3A_2 = vector.load %arg0[%get3A, %get3A_0, %get3A_1] : memref<2x10240x16xf32, #tpu.memory_space<vmem>>, vector<1x10000x16xf32>
    %get3A_3 = vector.shape_cast %get3A_2 : vector<1x10000x16xf32> to vector<10000x16xf32>
    %get3A_4 = arith.constant 1 : index
    %get3A_5 = arith.constant 0 : index
    %get3A_6 = arith.constant 0 : index
    %get3A_7 = vector.load %arg0[%get3A_4, %get3A_5, %get3A_6] : memref<2x10240x16xf32, #tpu.memory_space<vmem>>, vector<1x10000x16xf32>
    %get3A_8 = vector.shape_cast %get3A_7 : vector<1x10000x16xf32> to vector<10000x16xf32>
    %add3A = arith.addf %get3A_3, %get3A_8 : vector<10000x16xf32>
    %get3A_9 = arith.constant 0 : index
    %get3A_10 = arith.constant 0 : index
    %get3A_11 = vector.load %arg1[%get3A_9, %get3A_10] : memref<10000x16xf32, #tpu.memory_space<vmem>>, vector<10000x16xf32>
    %add3A_12 = arith.addf %add3A, %get3A_11 : vector<10000x16xf32>
    %get3A_13 = arith.constant 0 : index
    %get3A_14 = arith.constant 0 : index
    %get3A_15 = vector.load %arg2[%get3A_13, %get3A_14] : memref<1x16xf32, #tpu.memory_space<vmem>>, vector<1x16xf32>
    %add3A_16 = vector.broadcast %get3A_15 : vector<1x16xf32> to vector<10000x16xf32>
    %add3A_17 = arith.addf %add3A_12, %add3A_16 : vector<10000x16xf32>
    %max3A = arith.constant 0.000000e+00 : f32
    %max3A_18 = vector.broadcast %max3A : f32 to vector<10000x16xf32>
    %max3A_19 = arith.maximumf %add3A_17, %max3A_18 : vector<10000x16xf32>
    %get3A_20 = arith.constant 0 : index
    %get3A_21 = arith.constant 0 : index
    %get3A_22 = vector.load %arg3[%get3A_20, %get3A_21] : memref<1x16xf32, #tpu.memory_space<vmem>>, vector<1x16xf32>
    %mul3A = vector.broadcast %get3A_22 : vector<1x16xf32> to vector<10000x16xf32>
    %mul3A_23 = arith.mulf %max3A_19, %mul3A : vector<10000x16xf32>
    %reduce_sum3A = arith.constant dense<0.000000e+00> : vector<10000xf32>
    %reduce_sum3A_24 = vector.multi_reduction <add>, %mul3A_23, %reduce_sum3A [1] : vector<10000x16xf32> to vector<10000xf32>
    %broadcast_in_dim3A = vector.shape_cast %reduce_sum3A_24 : vector<10000xf32> to vector<10000x1xf32>
    %get3A_25 = arith.constant 0 : index
    %get3A_26 = arith.constant 0 : index
    %get3A_27 = vector.load %arg4[%get3A_25, %get3A_26] : memref<1x1xf32, #tpu.memory_space<vmem>>, vector<1x1xf32>
    %add3A_28 = vector.broadcast %get3A_27 : vector<1x1xf32> to vector<10000x1xf32>
    %add3A_29 = arith.addf %broadcast_in_dim3A, %add3A_28 : vector<10000x1xf32>
    %iota3A = tpu.iota {dimensions = array<i32: 1>} : vector<10000x64xi32>
    %get3A_30 = arith.constant 0 : index
    %get3A_31 = arith.constant 0 : index
    %get3A_32 = vector.load %arg5[%get3A_30, %get3A_31] : memref<10000x1xi32, #tpu.memory_space<vmem>>, vector<10000x1xi32>
    %eq3A = vector.broadcast %get3A_32 : vector<10000x1xi32> to vector<10000x64xi32>
    %eq3A_33 = arith.cmpi eq, %eq3A, %iota3A : vector<10000x64xi32>
    %convert_element_type3A = arith.extui %eq3A_33 : vector<10000x64xi1> to vector<10000x64xi32>
    %convert_element_type3A_34 = arith.sitofp %convert_element_type3A : vector<10000x64xi32> to vector<10000x64xf32>
    %mul3A_35 = vector.broadcast %add3A_29 : vector<10000x1xf32> to vector<10000x64xf32>
    %mul3A_36 = arith.mulf %convert_element_type3A_34, %mul3A_35 : vector<10000x64xf32>
    %reduce_sum3A_37 = arith.constant dense<0.000000e+00> : vector<64xf32>
    %reduce_sum3A_38 = vector.multi_reduction <add>, %mul3A_36, %reduce_sum3A_37 [0] : vector<10000x64xf32> to vector<64xf32>
    %broadcast_in_dim3A_39 = vector.shape_cast %reduce_sum3A_38 : vector<64xf32> to vector<1x64xf32>
    %reduce_sum3A_40 = arith.constant dense<0.000000e+00> : vector<64xf32>
    %reduce_sum3A_41 = vector.multi_reduction <add>, %convert_element_type3A_34, %reduce_sum3A_40 [0] : vector<10000x64xf32> to vector<64xf32>
    %broadcast_in_dim3A_42 = vector.shape_cast %reduce_sum3A_41 : vector<64xf32> to vector<1x64xf32>
    %max3A_43 = arith.constant 1.000000e+00 : f32
    %max3A_44 = vector.broadcast %max3A_43 : f32 to vector<1x64xf32>
    %max3A_45 = arith.maximumf %broadcast_in_dim3A_42, %max3A_44 : vector<1x64xf32>
    %div3A = arith.divf %broadcast_in_dim3A_39, %max3A_45 : vector<1x64xf32>
    %swap3A = arith.constant 0 : index
    %swap3A_46 = arith.constant 0 : index
    %swap3A_47 = vector.load %arg6[%swap3A, %swap3A_46] : memref<1x64xf32, #tpu.memory_space<vmem>>, vector<1x64xf32>
    tpu.vector_store %arg6[%swap3A, %swap3A_46], %div3A {strides = array<i32>} : memref<1x64xf32, #tpu.memory_space<vmem>>, vector<1x64xf32>,
    return
  }
}

</mosaic_0001>

<sc_bundles>
// kernel: kernel.13.cloned.1.call-start
scs
__scs_entry_jumppad:
0x0: {  	(pc) =	sbr.rel $0x88, $3  }
0x1: {  	(tag) =	ssettag $0x0;
	lr =	simm.s32 $0x1  }
0x2: {  	[smem:$0x3F8A] =	sst lr;
	_ =	strace $0xD0000000  }
0x3: {  	_ = 	snop  }
0x4: {  	_ = 	snop  }
0x5: {  	_ = 	snop  }
0x6: {  	_ = 	snop  }
0x7: {  	_ = 	snop  }
__scs_overlays_trampoline_lowered:
0x8: {  	[smem:$0x3F99] =	sst s0  }
0x9: {  	[smem:$0x3F9A] =	sst s1  }
0xa: {  	[smem:$0x3F9B] =	sst s2  }
0xb: {  	[smem:$0x3F9C] =	sst s3  }
0xc: {  	[smem:$0x3F9D] =	sst s4  }
0xd: {  	[smem:$0x3F9E] =	sst s5  }
0xe: {  	[smem:$0x3F9F] =	sst s6  }
0xf: {  	[smem:$0x3FA0] =	sst s7  }
0x10: {  	[smem:$0x3FA1] =	sst s8  }
0x11: {  	[smem:$0x3FA2] =	sst s9;
	s0 =	simm.s32 @!p0 $0x0  }
0x12: {  	s1 =	sld [smem:$0x3F88];
	s0 =	simm.s32 @p0 $0x1  }
0x13: {  	[smem:$0x3FA3] =	sst s0;
	s0 =	simm.s32 @!p1 $0x0  }
0x14: {  	s2 =	sld [smem:$0x3F87];
	s0 =	simm.s32 @p1 $0x1  }
0x15: {  	[smem:$0x3FA4] =	sst s0;
	s0 =	simm.s32 @!p2 $0x0  }
0x16: {  	s3 =	sld [smem:$0x3FDB];
	s0 =	simm.s32 @p2 $0x1  }
0x17: {  	s4 =	simm.s32 $0x1BF5;
	[smem:$0x3FA6] =	sst s0  }
0x18: {  	s0 =	sld [smem:$0x3F89];
	_ =	swait.ge [sflag:s4], $0x0  }
0x19: {  	s7 =	sld [smem:$0x3F8A]  }
0x1a: {  	s8 =	sadd.s32 $0xFFFFE003, lr  }
0x1b: {  	s9 =	sadd.s32 $0xFFFFFEF7, lr;
	s5 =	simm.s32 $0xFFFFFFFF;
	p2 =	slt.u32 s8, $0xFFFFF086  }
0x1c: {  	p1 =	slt.u32 s9, $0xF7A;
	s5 =	simm.s32 @!p2 $0x0  }
0x1d: {  	s5 =	simm.s32 @p1 $0x1;
	p0 =	seq.s32 s7, s2  }
0x1e: {  	s7 =	smul.u32 @!p0 $0xF7A, s2;
	p2 =	seq.s32 @!p0 s5, $0x0  }
0x1f: {  	s9 =	smul.u32 $0xF7A, s1;
	s8 =	simm.s32 @!p0 $0x1BF5;
	p2 =	por !p2, p0  }
0x20: {  	[sflag:s8] =	ssyncset.s32 @!p0 $0xFFFFF086;
	s6 =	sadd.s32 @!p0 s3, s7;
	s7 =	simm.s32 @!p0 $0x108  }
0x21: {  	s3 =	sadd.s32 s3, s9;
	s6 =	sadd.s32 @!p0 $0x88, s6;
	s7 =	simm.s32 @p2 $0x1082  }
0x22: {  	[simem:s7], [sflag:s8] =	dma.local @!p0 [hbm:s6], $0xF7A  }
0x23: {  	s9 =	sor.u32 $0xD0000000, s2;
	s6 =	simm.s32 $0x108;
	_ =	swait.ge @!p0 [sflag:s8], $0x0  }
0x24: {  	s3 =	sadd.s32 $0x88, s3;
	s6 =	simm.s32 @!p1 $0x1082;
	[sflag:s4] =	ssyncset.s32 $0xFFFFF086  }
0x25: {  	[simem:s6], [sflag:s4] =	dma.local [hbm:s3], $0xF7A  }
0x26: {  	[smem:$0x3F8A] =	sst s1;
	(tag) =	ssettag s2;
	_ =	strace s9  }
0x27: {  	s1 =	sld [smem:$0x3F9A]  }
0x28: {  	s2 =	sld [smem:$0x3F9B]  }
0x29: {  	s4 =	sld [smem:$0x3F9D]  }
0x2a: {  	p0 =	seq.s32 s5, $0x0;
	s5 =	sld [smem:$0x3F9E]  }
0x2b: {  	s6 =	sld [smem:$0x3F9F]  }
0x2c: {  	s7 =	sld [smem:$0x3FA0]  }
0x2d: {  	s3 =	simm.s32 $0x108;
	s8 =	sld [smem:$0x3FA1]  }
0x2e: {  	s3 =	simm.s32 @!p0 $0x1082;
	s9 =	sld [smem:$0x3FA2]  }
0x2f: {  	lr =	sadd.s32 s0, s3;
	s0 =	sld [smem:$0x3F99]  }
0x30: {  	s3 =	sld [smem:$0x3F9C]  }
0x31: {  	[smem:$0x3FA5] =	sst s10  }
0x32: {  	s10 =	sld [smem:$0x3FA3];
	_ =	sdelay $0x3  }
0x33: {  	p0 =	seq.s32 s10, $0x1;
	s10 =	sld [smem:$0x3FA5];
	_ =	sdelay $0x3  }
0x34: {  	[smem:$0x3FA5] =	sst s10  }
0x35: {  	s10 =	sld [smem:$0x3FA4];
	_ =	sdelay $0x3  }
0x36: {  	p1 =	seq.s32 s10, $0x1;
	s10 =	sld [smem:$0x3FA5];
	_ =	sdelay $0x3  }
0x37: {  	[smem:$0x3FA5] =	sst s10  }
0x38: {  	s10 =	sld [smem:$0x3FA6]  }
0x39: {  	_ = 	snop;
	(pc) =	sbr.ind lr, $3  }
0x3a: {  	_ = 	snop  }
0x3b: {  	_ = 	snop  }
0x3c: {  	p2 =	seq.s32 s10, $0x1;
	s10 =	sld [smem:$0x3FA5]  }
0x3d: {  	_ =	shalt  }
0x3e: {  	_ =	shalt  }
0x3f: {  	_ =	shalt  }
0x40: {  	_ =	shalt  }
0x41: {  	_ =	shalt  }
0x42: {  	_ =	shalt  }
0x43: {  	_ =	shalt  }
0x44: {  	_ =	shalt  }
0x45: {  	_ =	shalt  }
0x46: {  	_ =	shalt  }
0x47: {  	_ =	shalt  }
0x48: {  	_ =	shalt  }
0x49: {  	_ =	shalt  }
0x4a: {  	_ =	shalt  }
0x4b: {  	_ =	shalt  }
0x4c: {  	_ =	shalt  }
0x4d: {  	_ =	shalt  }
0x4e: {  	_ =	shalt  }
0x4f: {  	_ =	shalt  }
0x50: {  	_ =	shalt  }
0x51: {  	_ =	shalt  }
0x52: {  	_ =	shalt  }
0x53: {  	_ =	shalt  }
0x54: {  	_ =	shalt  }
0x55: {  	_ =	shalt  }
0x56: {  	_ =	shalt  }
0x57: {  	_ =	shalt  }
0x58: {  	_ =	shalt  }
0x59: {  	_ =	shalt  }
0x5a: {  	_ =	shalt  }
0x5b: {  	_ =	shalt  }
0x5c: {  	_ =	shalt  }
0x5d: {  	_ =	shalt  }
0x5e: {  	_ =	shalt  }
0x5f: {  	_ =	shalt  }
0x60: {  	_ =	shalt  }
0x61: {  	_ =	shalt  }
0x62: {  	_ =	shalt  }
0x63: {  	_ =	shalt  }
0x64: {  	_ =	shalt  }
0x65: {  	_ =	shalt  }
0x66: {  	_ =	shalt  }
0x67: {  	_ =	shalt  }
0x68: {  	_ =	shalt  }
0x69: {  	_ =	shalt  }
0x6a: {  	_ =	shalt  }
0x6b: {  	_ =	shalt  }
0x6c: {  	_ =	shalt  }
0x6d: {  	_ =	shalt  }
0x6e: {  	_ =	shalt  }
0x6f: {  	_ =	shalt  }
0x70: {  	_ =	shalt  }
0x71: {  	_ =	shalt  }
0x72: {  	_ =	shalt  }
0x73: {  	_ =	shalt  }
0x74: {  	_ =	shalt  }
0x75: {  	_ =	shalt  }
0x76: {  	_ =	shalt  }
0x77: {  	_ =	shalt  }
0x78: {  	_ =	shalt  }
0x79: {  	_ =	shalt  }
0x7a: {  	_ =	shalt  }
0x7b: {  	_ =	shalt  }
0x7c: {  	_ =	shalt  }
0x7d: {  	_ =	shalt  }
0x7e: {  	_ =	shalt  }
0x7f: {  	_ =	shalt  }
0x80: {  	_ =	shalt  }
0x81: {  	_ =	shalt  }
0x82: {  	_ =	shalt  }
0x83: {  	_ =	shalt  }
0x84: {  	_ =	shalt  }
0x85: {  	_ =	shalt  }
0x86: {  	_ =	shalt  }
0x87: {  	_ =	shalt  }
.Lfunc_end0:
.L_simem_size_0:
called_computation_lowered:
.L_overlay_start_0:
0x88: {  	s2 =	sld [smem:$0x3FD9]  }
0x89: {  	s3 =	sld [smem:$0x3FFE];
	_ =	sdelay $0x1  }
0x8a: {  	s1 =	srdreg.scid  }
0x8b: {  	s0 =	sand.u32 $0x1, s1  }
0x8c: {  	s16 =	sshll.u32 s0, $0xA;
	s2 =	sadd.s32 s3, s2  }
0x8d: {  	s2 =	sadd.s32 s2, s16  }
0x8e: {  	[smem:$0x3FB1] =	sst s2  }
0x8f: {  	_ = 	snop  }
0x90: {  	(tm) =	ssettm $0x1  }
0x91: {  	s17 =	sld [smem:$0x3FFB];
	_ =	sdelay $0x3  }
0x92: {  	_ =	strace s17  }
0x93: {  	s2 =	sld [smem:$0x3FFC];
	_ =	sdelay $0x3  }
0x94: {  	_ =	strace s2  }
0x95: {  	s2 =	sld [smem:$0x3FFD];
	_ =	sdelay $0x3  }
0x96: {  	_ =	strace s2  }
0x97: {  	_ =	strace $0x8FFFFFFF  }
0x98: {  	s18 =	sld [smem:$0x3FDB];
	_ =	sdelay $0x1  }
0x99: {  	s19 =	simm.s32 $_scs_section_size  }
0x9a: {  	s4 =	simm.s32 $_size__tile_overlayer_lowered;
	s5 =	simm.s32 $_tile_overlayer_lowered  }
0x9b: {  	s22 =	simm.s32 $0x1BFF;
	s21 =	sshll.u32 s5, $0x1;
	s2 =	sadd.s32 s19, s18  }
0x9c: {  	s6 =	simm.s32 $0x0;
	s20 =	sshll.u32 s4, $0x1;
	s4 =	sadd.s32 s21, s2  }
0x9d: {  	[timem:s6], [sflag:s22] =	dma.local [hbm:s4], s20  }
0x9e: {  	_ =	swait.ge [sflag:s22], s20  }
0x9f: {  	s3 =	ssub.s32 $0x0, s20;
	[sflag:s22] =	ssyncset.done $0x0  }
0xa0: {  	[sflag:s22] =	ssyncadd.s32 s3;
	_ =	sdelay $0x1  }
0xa1: {  	s23 =	simm.s32 $0x1B8B  }
0xa2: {  	_ =	swait.ge [sflag:s23], $0x1  }
0xa3: {  	[sflag:s23] =	ssyncset.done $0x0  }
0xa4: {  	s25 =	simm.s32 $0x1B8E;
	s24 =	sld [smem:$0x3FFE];
	[sflag:s23] =	ssyncadd.s32 $0xFFFFFFFF  }
0xa5: {  	s26 =	simm.s32 $execute0_lowered;
	[smem:$0x3FD2] =	sst s25  }
0xa6: {  	s4 =	sshll.u32 s26, $0x1;
	_ =	strace $0x80000046;
	[dreg:$0x1] =	wrdreg $0xFFFFFFFF  }
0xa7: {  	s28 =	simm.s32 $_size_execute0_lowered;
	s2 =	sadd.s32 s2, s4;
	[dreg:$0x0] =	wrdreg $0x0  }
0xa8: {  	s4 =	sshll.u32 s28, $0x1;
	[dreg:$0x2] =	wrdreg s2  }
0xa9: {  	[dreg:$0x3] =	wrdreg s4  }
0xaa: {  	[dreg:$0x4] =	wrdreg $0xC0  }
0xab: {  	_ =	task [dreg:s6], $0x5FFFF  }
0xac: {  	[dreg:$0x1] =	wrdreg $0xFFFFFFFF  }
0xad: {  	[dreg:$0x0] =	wrdreg $0x60  }
0xae: {  	[dreg:$0x2] =	wrdreg s24  }
0xaf: {  	[dreg:$0x3] =	wrdreg $0x90000  }
0xb0: {  	[dreg:$0x4] =	wrdreg $0x9  }
0xb1: {  	_ =	task.clear_ibuf [dreg:s6], $0x5FFFF;
	_ =	strace $0x90000046  }
0xb2: {  	s29 =	simm.s32 $0x9;
	_ =	strace $0x80000048  }
0xb3: {  	_ =	swait.ge [sflag:s29], $0x1  }
0xb4: {  	[sflag:s29] =	ssyncadd.s32 $0xFFFFFFFF  }
0xb5: {  	_ =	strace $0x90000048  }
0xb6: {  	_ =	sfence  }
0xb7: {  	s30 =	sld [smem:$0x0];
	_ =	sdelay $0x2  }
0xb8: {  	s31 =	sshll.u32 s1, $0xD;
	s1 =	sshrl.u32 s1, $0x2  }
0xb9: {  	s3 =	sand.u32 $0x4000, s31;
	s1 =	sadd.s32 s1, s30  }
0xba: {  	s0 =	sor.u32 s3, s0;
	s1 =	sshll.u32 s1, $0x11  }
0xbb: {  	s0 =	sor.u32 s1, s0  }
0xbc: {  	s0 =	sadd.s32 $0x8F2B, s0  }
0xbd: {  	[sflag:s0] =	ssyncadd.remote.s32 $0x1  }
0xbe: {  	_ =	sfence.sel $0xFFFF  }
0xbf: {  	[dreg:$0x0] =	wrdreg $0xFFFFFFFF;
	(pc) =	sbr.abs _section_cstart, $3  }
0xc0: {  	[dreg:$0x1] =	wrdreg $0xFFFFFFFF  }
0xc1: {  	_ =	task.clear_ibuf [dreg:s6], $0x2FFFF;
	_ =	strace $0x9FFFFFFF  }
0xc2: {  	(tm) =	ssettm $0x7FFFFFFF  }
0xc3: {  	_ =	shalt  }
tec
execute0_lowered:
.L_overlay_start_1:
0x0: {  	(tag) =	ssettag $0x1  }
0x1: {  	s1 =	srdreg.scid;
	s0 =	stileid.u32  }
0x2: {  	s19 =	rddreg [dreg:$0x0];
	s20 =	sand.u32 $0x1, s1;
	s30 =	sshll.u32 s0, $0x1  }
0x3: {  	s2 =	rddreg [dreg:$0x1];
	s21 =	smul.u32 $0xA000, s0;
	s4 =	sor.u32 s20, s30  }
0x4: {  	s3 =	simm.s32 $0x0;
	s1 =	rddreg [dreg:$0x2];
	s4 =	smul.u32 $0x500, s4  }
0x5: {  	s8 =	simm.s32 $0x2800;
	[smem:$0x7FF] =	sst s3;
	s7 =	sshll.u32 s0, $0x6  }
0x6: {  	_ =	strace $0x80000047;
	s9 =	sadd.s32 s21, s2;
	s6 =	sadd.s32 s4, s19  }
0x7: {  	s7 =	sor.u32 $0x1C04, s7;
	s10 =	sshrl.u32 s9, $0x3;
	s5 =	sadd.s32 $0x16E00, s6  }
0x8: {  	[tilespmem:s3], [sflag:$0x3] =	stream.linear.gather [hbm4b:s5+s3], $0x2800, $0x38;
	[tilespmem:$0x13000] =	vst v63  }
0x9: {  	s9 =	simm.s32 $0x4;
	s4 =	sadd.s32 $0x2AE00, s19;
	s6 =	sadd.s32 $0x20E00, s6  }
0xa: {  	[tilespmem:s8], [sflag:$0x3] =	stream.linear.gather [hbm4b:s6+s3], $0x2800, $0x38;
	[tilespmem:$0x13000] =	vst v63  }
0xb: {  	[spmem:s10], [sflag:s7] =	dma.local [hbm:s4], $0x1400  }
0xc: {  	_ =	swait.ge [sflag:s9], $0x1400  }
0xd: {  	[sflag:s9] =	ssyncset.done $0x0  }
0xe: {  	s11 =	simm.s32 $0x3;
	[sflag:s9] =	ssyncadd.s32 $0xFFFFEC00  }
0xf: {  	_ =	swait.ge [sflag:s11], $0x2800  }
0x10: {  	[sflag:s11] =	ssyncset.done $0x0  }
0x11: {  	[sflag:s11] =	ssyncadd.s32 $0xFFFFD800  }
0x12: {  	_ =	swait.ge [sflag:s11], $0x2800  }
0x13: {  	s13 =	simm.s32 $0x80;
	[sflag:s11] =	ssyncset.done $0x0  }
0x14: {  	s14 =	simm.s32 $0x5000;
	s12 =	sadd.s32 $0x3400, s19;
	[sflag:s11] =	ssyncadd.s32 $0xFFFFD800  }
0x15: {  	[tilespmem:s14], [sflag:$0x1] =	stream.indirect.gather [hbm4b:s12+s13], $0x40, s3, s13, $0xb8;
	[tilespmem:$0x13000] =	vst v63  }
0x16: {  	s15 =	simm.s32 $0x7000  }
0x17: {  	[tilespmem:s15], [sflag:$0x2] =	stream.indirect.gather [hbm4b:s12+s13], $0x40, s13, s13, $0xb8;
	[tilespmem:$0x13000] =	vst v63  }
0x18: {  	s16 =	simm.s32 $0x1;
	[bflag:$0x0] =	sbarrier.arrive $0xFFFF  }
0x19: {  	_ =	swait.ge [sflag:s16], $0x2000  }
0x1a: {  	[sflag:s16] =	ssyncset.done $0x0  }
0x1b: {  	[sflag:s16] =	ssyncadd.s32 $0xFFFFE000  }
0x1c: {  	[spmem:s2] =	stream.indirect.scatter.add.f32 [tilespmem:s14], [sflag:$0x4], $0x40, s8, s13, $0xb8;
	[tilespmem:$0x13000] =	vst v63  }
0x1d: {  	_ =	swait.ge [sflag:s9], $0x2000  }
0x1e: {  	[sflag:s9] =	ssyncset.done $0x0  }
0x1f: {  	s17 =	simm.s32 $0x2;
	[sflag:s9] =	ssyncadd.s32 $0xFFFFE000  }
0x20: {  	s22 =	smul.u32 $0xA0000, s20;
	s20 =	ssub.s32 $0x2, s20;
	_ =	swait.ge [sflag:s17], $0x2000  }
0x21: {  	s31 =	sshrl.u32 s20, $0x1;
	[sflag:s17] =	ssyncset.done $0x0  }
0x22: {  	s18 =	simm.s32 $0x2880;
	s20 =	ssub.s32 s20, s31;
	[sflag:s17] =	ssyncadd.s32 $0xFFFFE000  }
0x23: {  	[spmem:s2] =	stream.indirect.scatter.add.f32 [tilespmem:s15], [sflag:$0x4], $0x40, s18, s13, $0xb8;
	[tilespmem:$0x13000] =	vst v63  }
0x24: {  	s21 =	sadd.s32 s21, s22;
	s20 =	smax.u32 s20, $0x1;
	_ =	swait.ge [sflag:s9], $0x2000  }
0x25: {  	s21 =	sshrl.u32 s21, $0x3;
	p0 =	sne.s32 s20, $0x1;
	[sflag:s9] =	ssyncset.done $0x0  }
.Ltmp0:
0x26: {  	s19 =	sadd.s32 s21, s19;
	[sflag:s9] =	ssyncadd.s32 $0xFFFFE000;
	(pc) =	sbr.rel @!p0 .LBB2_2-.Ltmp0, $4  }
0x27: {  	s19 =	sadd.s32 $0x2C200, s19;
	[bflag:$0x0] =	sbarrier.arrive $0xFFFF  }
0x28: {  	[hbm:s19], [sflag:s7] =	dma.local [spmem:s10], $0x1400  }
0x29: {  	_ =	swait.ge [sflag:s9], $0x1400  }
0x2a: {  	s20 =	sadd.s32 $0xFFFFFFFF, s20;
	[sflag:s9] =	ssyncset.done $0x0  }
.LBB2_1:
0x2b: {  	p0 =	sne.s32 s20, $0x1;
	s20 =	sadd.s32 $0xFFFFFFFF, s20;
	[sflag:s9] =	ssyncadd.s32 $0xFFFFEC00  }
0x2c: {  	[tilespmem:s3], [sflag:$0x3] =	stream.linear.gather [hbm4b:s5+s3], $0x2800, $0x38;
	[tilespmem:$0x13000] =	vst v63  }
0x2d: {  	_ = 	snop  }
0x2e: {  	[tilespmem:s8], [sflag:$0x3] =	stream.linear.gather [hbm4b:s6+s3], $0x2800, $0x38;
	[tilespmem:$0x13000] =	vst v63  }
0x2f: {  	[spmem:s10], [sflag:s7] =	dma.local [hbm:s4], $0x1400  }
0x30: {  	_ =	swait.ge [sflag:s9], $0x1400  }
0x31: {  	[sflag:s9] =	ssyncset.done $0x0  }
0x32: {  	[sflag:s9] =	ssyncadd.s32 $0xFFFFEC00  }
0x33: {  	_ =	swait.ge [sflag:s11], $0x2800  }
0x34: {  	[sflag:s11] =	ssyncset.done $0x0  }
0x35: {  	[sflag:s11] =	ssyncadd.s32 $0xFFFFD800  }
0x36: {  	_ =	swait.ge [sflag:s11], $0x2800  }
0x37: {  	[sflag:s11] =	ssyncset.done $0x0  }
0x38: {  	[sflag:s11] =	ssyncadd.s32 $0xFFFFD800  }
0x39: {  	[tilespmem:s14], [sflag:$0x1] =	stream.indirect.gather [hbm4b:s12+s13], $0x40, s3, s13, $0xb8;
	[tilespmem:$0x13000] =	vst v63  }
0x3a: {  	_ = 	snop  }
0x3b: {  	[tilespmem:s15], [sflag:$0x2] =	stream.indirect.gather [hbm4b:s12+s13], $0x40, s13, s13, $0xb8;
	[tilespmem:$0x13000] =	vst v63  }
0x3c: {  	[bflag:$0x0] =	sbarrier.arrive $0xFFFF  }
0x3d: {  	_ =	swait.ge [sflag:s16], $0x2000  }
0x3e: {  	[sflag:s16] =	ssyncset.done $0x0  }
0x3f: {  	[sflag:s16] =	ssyncadd.s32 $0xFFFFE000  }
0x40: {  	[spmem:s2] =	stream.indirect.scatter.add.f32 [tilespmem:s14], [sflag:$0x4], $0x40, s8, s13, $0xb8;
	[tilespmem:$0x13000] =	vst v63  }
0x41: {  	_ =	swait.ge [sflag:s9], $0x2000  }
0x42: {  	[sflag:s9] =	ssyncset.done $0x0  }
0x43: {  	[sflag:s9] =	ssyncadd.s32 $0xFFFFE000  }
0x44: {  	_ =	swait.ge [sflag:s17], $0x2000  }
0x45: {  	[sflag:s17] =	ssyncset.done $0x0  }
0x46: {  	[sflag:s17] =	ssyncadd.s32 $0xFFFFE000  }
0x47: {  	[spmem:s2] =	stream.indirect.scatter.add.f32 [tilespmem:s15], [sflag:$0x4], $0x40, s18, s13, $0xb8;
	[tilespmem:$0x13000] =	vst v63  }
0x48: {  	_ =	swait.ge [sflag:s9], $0x2000  }
0x49: {  	[sflag:s9] =	ssyncset.done $0x0  }
.Ltmp1:
0x4a: {  	[sflag:s9] =	ssyncadd.s32 $0xFFFFE000;
	(pc) =	sbr.rel @p0 .LBB2_1-.Ltmp1, $4  }
0x4b: {  	[bflag:$0x0] =	sbarrier.arrive $0xFFFF  }
0x4c: {  	[hbm:s19], [sflag:s7] =	dma.local [spmem:s10], $0x1400  }
0x4d: {  	_ =	swait.ge [sflag:s9], $0x1400  }
0x4e: {  	[sflag:s9] =	ssyncset.done $0x0  }
.LBB2_2:
0x4f: {  	[sflag:s9] =	ssyncadd.s32 $0xFFFFEC00  }
0x50: {  	_ =	sfence.sel $0x180000  }
0x51: {  	[bflag:$0x0] =	sbarrier.arrive $0xFFFF  }
0x52: {  	p0 =	sne.s32 s0, $0x0;
	_ =	strace $0x90000047  }
0x53: {  	s0 =	sadd.s32 @!p0 $0x100000, s1;
	[bflag:$0x2] =	sbarrier.arrive $0xFFFF  }
0x54: {  	[sflag:s0] =	ssyncadd.tile.s32 @!p0 $0x1;
	_ =	shalt  }
.Lfunc_end2:
_tile_overlayer_lowered:
.L_overlay_start_2:
0x55: {  	(tag) =	ssettag $0x2  }
0x56: {  	s0 =	rddreg [dreg:$0x0];
	s2 =	stileid.u32  }
0x57: {  	s1 =	rddreg [dreg:$0x1];
	p0 =	sne.s32 s2, $0x0  }
0x58: {  	s3 =	rddreg [dreg:$0x2];
	[bflag:$0x3] =	sbarrier.arrive $0xFFFF;
	s2 =	simm.s32 @!p0 $0x1C04  }
0x59: {  	[timem:s3], [sflag:s2] =	dma.local @!p0 [hbm:s0], s1  }
0x5a: {  	s0 =	simm.s32 @!p0 $0x4  }
0x5b: {  	_ =	swait.ge @!p0 [sflag:s0], s1  }
0x5c: {  	s1 =	ssub.s32 @!p0 $0x0, s1;
	[sflag:s0] =	ssyncset.done @!p0 $0x0  }
0x5d: {  	[sflag:s0] =	ssyncadd.s32 @!p0 s1  }
0x5e: {  	[bflag:$0x3] =	sbarrier.arrive $0xFFFF  }
0x5f: {  	_ =	shalt  }

// kernel: kernel.16.cloned.1.call-start
scs
__scs_entry_jumppad:
0x0: {  	(pc) =	sbr.rel $0x88, $3  }
0x1: {  	(tag) =	ssettag $0x0;
	lr =	simm.s32 $0x1  }
0x2: {  	[smem:$0x3F8A] =	sst lr;
	_ =	strace $0xD0000000  }
0x3: {  	_ = 	snop  }
0x4: {  	_ = 	snop  }
0x5: {  	_ = 	snop  }
0x6: {  	_ = 	snop  }
0x7: {  	_ = 	snop  }
__scs_overlays_trampoline_lowered:
0x8: {  	[smem:$0x3F99] =	sst s0  }
0x9: {  	[smem:$0x3F9A] =	sst s1  }
0xa: {  	[smem:$0x3F9B] =	sst s2  }
0xb: {  	[smem:$0x3F9C] =	sst s3  }
0xc: {  	[smem:$0x3F9D] =	sst s4  }
0xd: {  	[smem:$0x3F9E] =	sst s5  }
0xe: {  	[smem:$0x3F9F] =	sst s6  }
0xf: {  	[smem:$0x3FA0] =	sst s7  }
0x10: {  	[smem:$0x3FA1] =	sst s8  }
0x11: {  	[smem:$0x3FA2] =	sst s9;
	s0 =	simm.s32 @!p0 $0x0  }
0x12: {  	s1 =	sld [smem:$0x3F88];
	s0 =	simm.s32 @p0 $0x1  }
0x13: {  	[smem:$0x3FA3] =	sst s0;
	s0 =	simm.s32 @!p1 $0x0  }
0x14: {  	s2 =	sld [smem:$0x3F87];
	s0 =	simm.s32 @p1 $0x1  }
0x15: {  	[smem:$0x3FA4] =	sst s0;
	s0 =	simm.s32 @!p2 $0x0  }
0x16: {  	s3 =	sld [smem:$0x3FDB];
	s0 =	simm.s32 @p2 $0x1  }
0x17: {  	s4 =	simm.s32 $0x1BF5;
	[smem:$0x3FA6] =	sst s0  }
0x18: {  	s0 =	sld [smem:$0x3F89];
	_ =	swait.ge [sflag:s4], $0x0  }
0x19: {  	s7 =	sld [smem:$0x3F8A]  }
0x1a: {  	s8 =	sadd.s32 $0xFFFFE003, lr  }
0x1b: {  	s9 =	sadd.s32 $0xFFFFFEF7, lr;
	s5 =	simm.s32 $0xFFFFFFFF;
	p2 =	slt.u32 s8, $0xFFFFF086  }
0x1c: {  	p1 =	slt.u32 s9, $0xF7A;
	s5 =	simm.s32 @!p2 $0x0  }
0x1d: {  	s5 =	simm.s32 @p1 $0x1;
	p0 =	seq.s32 s7, s2  }
0x1e: {  	s7 =	smul.u32 @!p0 $0xF7A, s2;
	p2 =	seq.s32 @!p0 s5, $0x0  }
0x1f: {  	s9 =	smul.u32 $0xF7A, s1;
	s8 =	simm.s32 @!p0 $0x1BF5;
	p2 =	por !p2, p0  }
0x20: {  	[sflag:s8] =	ssyncset.s32 @!p0 $0xFFFFF086;
	s6 =	sadd.s32 @!p0 s3, s7;
	s7 =	simm.s32 @!p0 $0x108  }
0x21: {  	s3 =	sadd.s32 s3, s9;
	s6 =	sadd.s32 @!p0 $0x88, s6;
	s7 =	simm.s32 @p2 $0x1082  }
0x22: {  	[simem:s7], [sflag:s8] =	dma.local @!p0 [hbm:s6], $0xF7A  }
0x23: {  	s9 =	sor.u32 $0xD0000000, s2;
	s6 =	simm.s32 $0x108;
	_ =	swait.ge @!p0 [sflag:s8], $0x0  }
0x24: {  	s3 =	sadd.s32 $0x88, s3;
	s6 =	simm.s32 @!p1 $0x1082;
	[sflag:s4] =	ssyncset.s32 $0xFFFFF086  }
0x25: {  	[simem:s6], [sflag:s4] =	dma.local [hbm:s3], $0xF7A  }
0x26: {  	[smem:$0x3F8A] =	sst s1;
	(tag) =	ssettag s2;
	_ =	strace s9  }
0x27: {  	s1 =	sld [smem:$0x3F9A]  }
0x28: {  	s2 =	sld [smem:$0x3F9B]  }
0x29: {  	s4 =	sld [smem:$0x3F9D]  }
0x2a: {  	p0 =	seq.s32 s5, $0x0;
	s5 =	sld [smem:$0x3F9E]  }
0x2b: {  	s6 =	sld [smem:$0x3F9F]  }
0x2c: {  	s7 =	sld [smem:$0x3FA0]  }
0x2d: {  	s3 =	simm.s32 $0x108;
	s8 =	sld [smem:$0x3FA1]  }
0x2e: {  	s3 =	simm.s32 @!p0 $0x1082;
	s9 =	sld [smem:$0x3FA2]  }
0x2f: {  	lr =	sadd.s32 s0, s3;
	s0 =	sld [smem:$0x3F99]  }
0x30: {  	s3 =	sld [smem:$0x3F9C]  }
0x31: {  	[smem:$0x3FA5] =	sst s10  }
0x32: {  	s10 =	sld [smem:$0x3FA3];
	_ =	sdelay $0x3  }
0x33: {  	p0 =	seq.s32 s10, $0x1;
	s10 =	sld [smem:$0x3FA5];
	_ =	sdelay $0x3  }
0x34: {  	[smem:$0x3FA5] =	sst s10  }
0x35: {  	s10 =	sld [smem:$0x3FA4];
	_ =	sdelay $0x3  }
0x36: {  	p1 =	seq.s32 s10, $0x1;
	s10 =	sld [smem:$0x3FA5];
	_ =	sdelay $0x3  }
0x37: {  	[smem:$0x3FA5] =	sst s10  }
0x38: {  	s10 =	sld [smem:$0x3FA6]  }
0x39: {  	_ = 	snop;
	(pc) =	sbr.ind lr, $3  }
0x3a: {  	_ = 	snop  }
0x3b: {  	_ = 	snop  }
0x3c: {  	p2 =	seq.s32 s10, $0x1;
	s10 =	sld [smem:$0x3FA5]  }
0x3d: {  	_ =	shalt  }
0x3e: {  	_ =	shalt  }
0x3f: {  	_ =	shalt  }
0x40: {  	_ =	shalt  }
0x41: {  	_ =	shalt  }
0x42: {  	_ =	shalt  }
0x43: {  	_ =	shalt  }
0x44: {  	_ =	shalt  }
0x45: {  	_ =	shalt  }
0x46: {  	_ =	shalt  }
0x47: {  	_ =	shalt  }
0x48: {  	_ =	shalt  }
0x49: {  	_ =	shalt  }
0x4a: {  	_ =	shalt  }
0x4b: {  	_ =	shalt  }
0x4c: {  	_ =	shalt  }
0x4d: {  	_ =	shalt  }
0x4e: {  	_ =	shalt  }
0x4f: {  	_ =	shalt  }
0x50: {  	_ =	shalt  }
0x51: {  	_ =	shalt  }
0x52: {  	_ =	shalt  }
0x53: {  	_ =	shalt  }
0x54: {  	_ =	shalt  }
0x55: {  	_ =	shalt  }
0x56: {  	_ =	shalt  }
0x57: {  	_ =	shalt  }
0x58: {  	_ =	shalt  }
0x59: {  	_ =	shalt  }
0x5a: {  	_ =	shalt  }
0x5b: {  	_ =	shalt  }
0x5c: {  	_ =	shalt  }
0x5d: {  	_ =	shalt  }
0x5e: {  	_ =	shalt  }
0x5f: {  	_ =	shalt  }
0x60: {  	_ =	shalt  }
0x61: {  	_ =	shalt  }
0x62: {  	_ =	shalt  }
0x63: {  	_ =	shalt  }
0x64: {  	_ =	shalt  }
0x65: {  	_ =	shalt  }
0x66: {  	_ =	shalt  }
0x67: {  	_ =	shalt  }
0x68: {  	_ =	shalt  }
0x69: {  	_ =	shalt  }
0x6a: {  	_ =	shalt  }
0x6b: {  	_ =	shalt  }
0x6c: {  	_ =	shalt  }
0x6d: {  	_ =	shalt  }
0x6e: {  	_ =	shalt  }
0x6f: {  	_ =	shalt  }
0x70: {  	_ =	shalt  }
0x71: {  	_ =	shalt  }
0x72: {  	_ =	shalt  }
0x73: {  	_ =	shalt  }
0x74: {  	_ =	shalt  }
0x75: {  	_ =	shalt  }
0x76: {  	_ =	shalt  }
0x77: {  	_ =	shalt  }
0x78: {  	_ =	shalt  }
0x79: {  	_ =	shalt  }
0x7a: {  	_ =	shalt  }
0x7b: {  	_ =	shalt  }
0x7c: {  	_ =	shalt  }
0x7d: {  	_ =	shalt  }
0x7e: {  	_ =	shalt  }
0x7f: {  	_ =	shalt  }
0x80: {  	_ =	shalt  }
0x81: {  	_ =	shalt  }
0x82: {  	_ =	shalt  }
0x83: {  	_ =	shalt  }
0x84: {  	_ =	shalt  }
0x85: {  	_ =	shalt  }
0x86: {  	_ =	shalt  }
0x87: {  	_ =	shalt  }
.Lfunc_end0:
.L_simem_size_0:
called_computation.1_lowered:
.L_overlay_start_0:
0x88: {  	s2 =	sld [smem:$0x3FD9]  }
0x89: {  	s3 =	sld [smem:$0x3FFE];
	_ =	sdelay $0x1  }
0x8a: {  	s1 =	srdreg.scid  }
0x8b: {  	s0 =	sand.u32 $0x1, s1  }
0x8c: {  	s16 =	sshll.u32 s0, $0xA;
	s2 =	sadd.s32 s3, s2  }
0x8d: {  	s2 =	sadd.s32 s2, s16  }
0x8e: {  	[smem:$0x3FB1] =	sst s2  }
0x8f: {  	_ = 	snop  }
0x90: {  	(tm) =	ssettm $0x1  }
0x91: {  	s17 =	sld [smem:$0x3FFB];
	_ =	sdelay $0x3  }
0x92: {  	_ =	strace s17  }
0x93: {  	s2 =	sld [smem:$0x3FFC];
	_ =	sdelay $0x3  }
0x94: {  	_ =	strace s2  }
0x95: {  	s2 =	sld [smem:$0x3FFD];
	_ =	sdelay $0x3  }
0x96: {  	_ =	strace s2  }
0x97: {  	_ =	strace $0x8FFFFFFF  }
0x98: {  	s18 =	sld [smem:$0x3FDB];
	_ =	sdelay $0x1  }
0x99: {  	s19 =	simm.s32 $_scs_section_size  }
0x9a: {  	s4 =	simm.s32 $_size__tile_overlayer_lowered;
	s5 =	simm.s32 $_tile_overlayer_lowered  }
0x9b: {  	s22 =	simm.s32 $0x1BFF;
	s21 =	sshll.u32 s5, $0x1;
	s2 =	sadd.s32 s19, s18  }
0x9c: {  	s6 =	simm.s32 $0x0;
	s20 =	sshll.u32 s4, $0x1;
	s4 =	sadd.s32 s21, s2  }
0x9d: {  	[timem:s6], [sflag:s22] =	dma.local [hbm:s4], s20  }
0x9e: {  	_ =	swait.ge [sflag:s22], s20  }
0x9f: {  	s3 =	ssub.s32 $0x0, s20;
	[sflag:s22] =	ssyncset.done $0x0  }
0xa0: {  	[sflag:s22] =	ssyncadd.s32 s3;
	_ =	sdelay $0x1  }
0xa1: {  	s23 =	simm.s32 $0x1B8B  }
0xa2: {  	_ =	swait.ge [sflag:s23], $0x1  }
0xa3: {  	[sflag:s23] =	ssyncset.done $0x0  }
0xa4: {  	s25 =	simm.s32 $0x1B8E;
	s24 =	sld [smem:$0x3FFE];
	[sflag:s23] =	ssyncadd.s32 $0xFFFFFFFF  }
0xa5: {  	s26 =	simm.s32 $execute0_lowered;
	[smem:$0x3FD2] =	sst s25  }
0xa6: {  	s4 =	sshll.u32 s26, $0x1;
	_ =	strace $0x80000049;
	[dreg:$0x1] =	wrdreg $0xFFFFFFFF  }
0xa7: {  	s28 =	simm.s32 $_size_execute0_lowered;
	s2 =	sadd.s32 s2, s4;
	[dreg:$0x0] =	wrdreg $0x0  }
0xa8: {  	s4 =	sshll.u32 s28, $0x1;
	[dreg:$0x2] =	wrdreg s2  }
0xa9: {  	[dreg:$0x3] =	wrdreg s4  }
0xaa: {  	[dreg:$0x4] =	wrdreg $0xC0  }
0xab: {  	_ =	task [dreg:s6], $0x5FFFF  }
0xac: {  	[dreg:$0x1] =	wrdreg $0xFFFFFFFF  }
0xad: {  	[dreg:$0x0] =	wrdreg $0x60  }
0xae: {  	[dreg:$0x2] =	wrdreg s24  }
0xaf: {  	[dreg:$0x3] =	wrdreg $0x90000  }
0xb0: {  	[dreg:$0x4] =	wrdreg $0x9  }
0xb1: {  	_ =	task.clear_ibuf [dreg:s6], $0x5FFFF;
	_ =	strace $0x90000049  }
0xb2: {  	s29 =	simm.s32 $0x9;
	_ =	strace $0x8000004B  }
0xb3: {  	_ =	swait.ge [sflag:s29], $0x1  }
0xb4: {  	[sflag:s29] =	ssyncadd.s32 $0xFFFFFFFF  }
0xb5: {  	_ =	strace $0x9000004B  }
0xb6: {  	_ =	sfence  }
0xb7: {  	s30 =	sld [smem:$0x0];
	_ =	sdelay $0x2  }
0xb8: {  	s31 =	sshll.u32 s1, $0xD;
	s1 =	sshrl.u32 s1, $0x2  }
0xb9: {  	s3 =	sand.u32 $0x4000, s31;
	s1 =	sadd.s32 s1, s30  }
0xba: {  	s0 =	sor.u32 s3, s0;
	s1 =	sshll.u32 s1, $0x11  }
0xbb: {  	s0 =	sor.u32 s1, s0  }
0xbc: {  	s0 =	sadd.s32 $0x8F2B, s0  }
0xbd: {  	[sflag:s0] =	ssyncadd.remote.s32 $0x1  }
0xbe: {  	_ =	sfence.sel $0xFFFF  }
0xbf: {  	[dreg:$0x0] =	wrdreg $0xFFFFFFFF;
	(pc) =	sbr.abs _section_cstart, $3  }
0xc0: {  	[dreg:$0x1] =	wrdreg $0xFFFFFFFF  }
0xc1: {  	_ =	task.clear_ibuf [dreg:s6], $0x2FFFF;
	_ =	strace $0x9FFFFFFF  }
0xc2: {  	(tm) =	ssettm $0x7FFFFFFF  }
0xc3: {  	_ =	shalt  }
tec
execute0_lowered:
.L_overlay_start_1:
0x0: {  	(tag) =	ssettag $0x1  }
0x1: {  	s1 =	srdreg.scid;
	s0 =	stileid.u32  }
0x2: {  	s19 =	rddreg [dreg:$0x0];
	s20 =	sand.u32 $0x1, s1;
	s30 =	sshll.u32 s0, $0x1  }
0x3: {  	s2 =	rddreg [dreg:$0x1];
	s21 =	smul.u32 $0xA000, s0;
	s4 =	sor.u32 s20, s30  }
0x4: {  	s3 =	simm.s32 $0x0;
	s1 =	rddreg [dreg:$0x2];
	s4 =	smul.u32 $0x500, s4  }
0x5: {  	s8 =	simm.s32 $0x2800;
	[smem:$0x7FF] =	sst s3;
	s7 =	sshll.u32 s0, $0x6  }
0x6: {  	_ =	strace $0x8000004A;
	s9 =	sadd.s32 s21, s2;
	s6 =	sadd.s32 s4, s19  }
0x7: {  	s7 =	sor.u32 $0x1C04, s7;
	s10 =	sshrl.u32 s9, $0x3;
	s5 =	sadd.s32 $0x16E00, s6  }
0x8: {  	[tilespmem:s3], [sflag:$0x3] =	stream.linear.gather [hbm4b:s5+s3], $0x2800, $0x38;
	[tilespmem:$0x13000] =	vst v63  }
0x9: {  	s9 =	simm.s32 $0x4;
	s4 =	sadd.s32 $0x2AE00, s19;
	s6 =	sadd.s32 $0x20E00, s6  }
0xa: {  	[tilespmem:s8], [sflag:$0x3] =	stream.linear.gather [hbm4b:s6+s3], $0x2800, $0x38;
	[tilespmem:$0x13000] =	vst v63  }
0xb: {  	[spmem:s10], [sflag:s7] =	dma.local [hbm:s4], $0x1400  }
0xc: {  	_ =	swait.ge [sflag:s9], $0x1400  }
0xd: {  	[sflag:s9] =	ssyncset.done $0x0  }
0xe: {  	s11 =	simm.s32 $0x3;
	[sflag:s9] =	ssyncadd.s32 $0xFFFFEC00  }
0xf: {  	_ =	swait.ge [sflag:s11], $0x2800  }
0x10: {  	[sflag:s11] =	ssyncset.done $0x0  }
0x11: {  	[sflag:s11] =	ssyncadd.s32 $0xFFFFD800  }
0x12: {  	_ =	swait.ge [sflag:s11], $0x2800  }
0x13: {  	s13 =	simm.s32 $0x80;
	[sflag:s11] =	ssyncset.done $0x0  }
0x14: {  	s14 =	simm.s32 $0x5000;
	s12 =	sadd.s32 $0x3400, s19;
	[sflag:s11] =	ssyncadd.s32 $0xFFFFD800  }
0x15: {  	[tilespmem:s14], [sflag:$0x1] =	stream.indirect.gather [hbm4b:s12+s13], $0x40, s3, s13, $0xb8;
	[tilespmem:$0x13000] =	vst v63  }
0x16: {  	s15 =	simm.s32 $0x7000  }
0x17: {  	[tilespmem:s15], [sflag:$0x2] =	stream.indirect.gather [hbm4b:s12+s13], $0x40, s13, s13, $0xb8;
	[tilespmem:$0x13000] =	vst v63  }
0x18: {  	s16 =	simm.s32 $0x1;
	[bflag:$0x0] =	sbarrier.arrive $0xFFFF  }
0x19: {  	_ =	swait.ge [sflag:s16], $0x2000  }
0x1a: {  	[sflag:s16] =	ssyncset.done $0x0  }
0x1b: {  	[sflag:s16] =	ssyncadd.s32 $0xFFFFE000  }
0x1c: {  	[spmem:s2] =	stream.indirect.scatter.add.f32 [tilespmem:s14], [sflag:$0x4], $0x40, s8, s13, $0xb8;
	[tilespmem:$0x13000] =	vst v63  }
0x1d: {  	_ =	swait.ge [sflag:s9], $0x2000  }
0x1e: {  	[sflag:s9] =	ssyncset.done $0x0  }
0x1f: {  	s17 =	simm.s32 $0x2;
	[sflag:s9] =	ssyncadd.s32 $0xFFFFE000  }
0x20: {  	s22 =	smul.u32 $0xA0000, s20;
	s20 =	ssub.s32 $0x2, s20;
	_ =	swait.ge [sflag:s17], $0x2000  }
0x21: {  	s31 =	sshrl.u32 s20, $0x1;
	[sflag:s17] =	ssyncset.done $0x0  }
0x22: {  	s18 =	simm.s32 $0x2880;
	s20 =	ssub.s32 s20, s31;
	[sflag:s17] =	ssyncadd.s32 $0xFFFFE000  }
0x23: {  	[spmem:s2] =	stream.indirect.scatter.add.f32 [tilespmem:s15], [sflag:$0x4], $0x40, s18, s13, $0xb8;
	[tilespmem:$0x13000] =	vst v63  }
0x24: {  	s21 =	sadd.s32 s21, s22;
	s20 =	smax.u32 s20, $0x1;
	_ =	swait.ge [sflag:s9], $0x2000  }
0x25: {  	s21 =	sshrl.u32 s21, $0x3;
	p0 =	sne.s32 s20, $0x1;
	[sflag:s9] =	ssyncset.done $0x0  }
.Ltmp0:
0x26: {  	s19 =	sadd.s32 s21, s19;
	[sflag:s9] =	ssyncadd.s32 $0xFFFFE000;
	(pc) =	sbr.rel @!p0 .LBB2_2-.Ltmp0, $4  }
0x27: {  	s19 =	sadd.s32 $0x2C200, s19;
	[bflag:$0x0] =	sbarrier.arrive $0xFFFF  }
0x28: {  	[hbm:s19], [sflag:s7] =	dma.local [spmem:s10], $0x1400  }
0x29: {  	_ =	swait.ge [sflag:s9], $0x1400  }
0x2a: {  	s20 =	sadd.s32 $0xFFFFFFFF, s20;
	[sflag:s9] =	ssyncset.done $0x0  }
.LBB2_1:
0x2b: {  	p0 =	sne.s32 s20, $0x1;
	s20 =	sadd.s32 $0xFFFFFFFF, s20;
	[sflag:s9] =	ssyncadd.s32 $0xFFFFEC00  }
0x2c: {  	[tilespmem:s3], [sflag:$0x3] =	stream.linear.gather [hbm4b:s5+s3], $0x2800, $0x38;
	[tilespmem:$0x13000] =	vst v63  }
0x2d: {  	_ = 	snop  }
0x2e: {  	[tilespmem:s8], [sflag:$0x3] =	stream.linear.gather [hbm4b:s6+s3], $0x2800, $0x38;
	[tilespmem:$0x13000] =	vst v63  }
0x2f: {  	[spmem:s10], [sflag:s7] =	dma.local [hbm:s4], $0x1400  }
0x30: {  	_ =	swait.ge [sflag:s9], $0x1400  }
0x31: {  	[sflag:s9] =	ssyncset.done $0x0  }
0x32: {  	[sflag:s9] =	ssyncadd.s32 $0xFFFFEC00  }
0x33: {  	_ =	swait.ge [sflag:s11], $0x2800  }
0x34: {  	[sflag:s11] =	ssyncset.done $0x0  }
0x35: {  	[sflag:s11] =	ssyncadd.s32 $0xFFFFD800  }
0x36: {  	_ =	swait.ge [sflag:s11], $0x2800  }
0x37: {  	[sflag:s11] =	ssyncset.done $0x0  }
0x38: {  	[sflag:s11] =	ssyncadd.s32 $0xFFFFD800  }
0x39: {  	[tilespmem:s14], [sflag:$0x1] =	stream.indirect.gather [hbm4b:s12+s13], $0x40, s3, s13, $0xb8;
	[tilespmem:$0x13000] =	vst v63  }
0x3a: {  	_ = 	snop  }
0x3b: {  	[tilespmem:s15], [sflag:$0x2] =	stream.indirect.gather [hbm4b:s12+s13], $0x40, s13, s13, $0xb8;
	[tilespmem:$0x13000] =	vst v63  }
0x3c: {  	[bflag:$0x0] =	sbarrier.arrive $0xFFFF  }
0x3d: {  	_ =	swait.ge [sflag:s16], $0x2000  }
0x3e: {  	[sflag:s16] =	ssyncset.done $0x0  }
0x3f: {  	[sflag:s16] =	ssyncadd.s32 $0xFFFFE000  }
0x40: {  	[spmem:s2] =	stream.indirect.scatter.add.f32 [tilespmem:s14], [sflag:$0x4], $0x40, s8, s13, $0xb8;
	[tilespmem:$0x13000] =	vst v63  }
0x41: {  	_ =	swait.ge [sflag:s9], $0x2000  }
0x42: {  	[sflag:s9] =	ssyncset.done $0x0  }
0x43: {  	[sflag:s9] =	ssyncadd.s32 $0xFFFFE000  }
0x44: {  	_ =	swait.ge [sflag:s17], $0x2000  }
0x45: {  	[sflag:s17] =	ssyncset.done $0x0  }
0x46: {  	[sflag:s17] =	ssyncadd.s32 $0xFFFFE000  }
0x47: {  	[spmem:s2] =	stream.indirect.scatter.add.f32 [tilespmem:s15], [sflag:$0x4], $0x40, s18, s13, $0xb8;
	[tilespmem:$0x13000] =	vst v63  }
0x48: {  	_ =	swait.ge [sflag:s9], $0x2000  }
0x49: {  	[sflag:s9] =	ssyncset.done $0x0  }
.Ltmp1:
0x4a: {  	[sflag:s9] =	ssyncadd.s32 $0xFFFFE000;
	(pc) =	sbr.rel @p0 .LBB2_1-.Ltmp1, $4  }
0x4b: {  	[bflag:$0x0] =	sbarrier.arrive $0xFFFF  }
0x4c: {  	[hbm:s19], [sflag:s7] =	dma.local [spmem:s10], $0x1400  }
0x4d: {  	_ =	swait.ge [sflag:s9], $0x1400  }
0x4e: {  	[sflag:s9] =	ssyncset.done $0x0  }
.LBB2_2:
0x4f: {  	[sflag:s9] =	ssyncadd.s32 $0xFFFFEC00  }
0x50: {  	_ =	sfence.sel $0x180000  }
0x51: {  	[bflag:$0x0] =	sbarrier.arrive $0xFFFF  }
0x52: {  	p0 =	sne.s32 s0, $0x0;
	_ =	strace $0x9000004A  }
0x53: {  	s0 =	sadd.s32 @!p0 $0x100000, s1;
	[bflag:$0x2] =	sbarrier.arrive $0xFFFF  }
0x54: {  	[sflag:s0] =	ssyncadd.tile.s32 @!p0 $0x1;
	_ =	shalt  }
.Lfunc_end2:
_tile_overlayer_lowered:
.L_overlay_start_2:
0x55: {  	(tag) =	ssettag $0x2  }
0x56: {  	s0 =	rddreg [dreg:$0x0];
	s2 =	stileid.u32  }
0x57: {  	s1 =	rddreg [dreg:$0x1];
	p0 =	sne.s32 s2, $0x0  }
0x58: {  	s3 =	rddreg [dreg:$0x2];
	[bflag:$0x3] =	sbarrier.arrive $0xFFFF;
	s2 =	simm.s32 @!p0 $0x1C04  }
0x59: {  	[timem:s3], [sflag:s2] =	dma.local @!p0 [hbm:s0], s1  }
0x5a: {  	s0 =	simm.s32 @!p0 $0x4  }
0x5b: {  	_ =	swait.ge @!p0 [sflag:s0], s1  }
0x5c: {  	s1 =	ssub.s32 @!p0 $0x0, s1;
	[sflag:s0] =	ssyncset.done @!p0 $0x0  }
0x5d: {  	[sflag:s0] =	ssyncadd.s32 @!p0 s1  }
0x5e: {  	[bflag:$0x3] =	sbarrier.arrive $0xFFFF  }
0x5f: {  	_ =	shalt  }

// kernel: kernel.19.cloned.1.call-start
scs
__scs_entry_jumppad:
0x0: {  	(pc) =	sbr.rel $0x88, $3  }
0x1: {  	(tag) =	ssettag $0x0;
	lr =	simm.s32 $0x1  }
0x2: {  	[smem:$0x3F8A] =	sst lr;
	_ =	strace $0xD0000000  }
0x3: {  	_ = 	snop  }
0x4: {  	_ = 	snop  }
0x5: {  	_ = 	snop  }
0x6: {  	_ = 	snop  }
0x7: {  	_ = 	snop  }
__scs_overlays_trampoline_lowered:
0x8: {  	[smem:$0x3F99] =	sst s0  }
0x9: {  	[smem:$0x3F9A] =	sst s1  }
0xa: {  	[smem:$0x3F9B] =	sst s2  }
0xb: {  	[smem:$0x3F9C] =	sst s3  }
0xc: {  	[smem:$0x3F9D] =	sst s4  }
0xd: {  	[smem:$0x3F9E] =	sst s5  }
0xe: {  	[smem:$0x3F9F] =	sst s6  }
0xf: {  	[smem:$0x3FA0] =	sst s7  }
0x10: {  	[smem:$0x3FA1] =	sst s8  }
0x11: {  	[smem:$0x3FA2] =	sst s9;
	s0 =	simm.s32 @!p0 $0x0  }
0x12: {  	s1 =	sld [smem:$0x3F88];
	s0 =	simm.s32 @p0 $0x1  }
0x13: {  	[smem:$0x3FA3] =	sst s0;
	s0 =	simm.s32 @!p1 $0x0  }
0x14: {  	s2 =	sld [smem:$0x3F87];
	s0 =	simm.s32 @p1 $0x1  }
0x15: {  	[smem:$0x3FA4] =	sst s0;
	s0 =	simm.s32 @!p2 $0x0  }
0x16: {  	s3 =	sld [smem:$0x3FDB];
	s0 =	simm.s32 @p2 $0x1  }
0x17: {  	s4 =	simm.s32 $0x1BF5;
	[smem:$0x3FA6] =	sst s0  }
0x18: {  	s0 =	sld [smem:$0x3F89];
	_ =	swait.ge [sflag:s4], $0x0  }
0x19: {  	s7 =	sld [smem:$0x3F8A]  }
0x1a: {  	s8 =	sadd.s32 $0xFFFFE003, lr  }
0x1b: {  	s9 =	sadd.s32 $0xFFFFFEF7, lr;
	s5 =	simm.s32 $0xFFFFFFFF;
	p2 =	slt.u32 s8, $0xFFFFF086  }
0x1c: {  	p1 =	slt.u32 s9, $0xF7A;
	s5 =	simm.s32 @!p2 $0x0  }
0x1d: {  	s5 =	simm.s32 @p1 $0x1;
	p0 =	seq.s32 s7, s2  }
0x1e: {  	s7 =	smul.u32 @!p0 $0xF7A, s2;
	p2 =	seq.s32 @!p0 s5, $0x0  }
0x1f: {  	s9 =	smul.u32 $0xF7A, s1;
	s8 =	simm.s32 @!p0 $0x1BF5;
	p2 =	por !p2, p0  }
0x20: {  	[sflag:s8] =	ssyncset.s32 @!p0 $0xFFFFF086;
	s6 =	sadd.s32 @!p0 s3, s7;
	s7 =	simm.s32 @!p0 $0x108  }
0x21: {  	s3 =	sadd.s32 s3, s9;
	s6 =	sadd.s32 @!p0 $0x88, s6;
	s7 =	simm.s32 @p2 $0x1082  }
0x22: {  	[simem:s7], [sflag:s8] =	dma.local @!p0 [hbm:s6], $0xF7A  }
0x23: {  	s9 =	sor.u32 $0xD0000000, s2;
	s6 =	simm.s32 $0x108;
	_ =	swait.ge @!p0 [sflag:s8], $0x0  }
0x24: {  	s3 =	sadd.s32 $0x88, s3;
	s6 =	simm.s32 @!p1 $0x1082;
	[sflag:s4] =	ssyncset.s32 $0xFFFFF086  }
0x25: {  	[simem:s6], [sflag:s4] =	dma.local [hbm:s3], $0xF7A  }
0x26: {  	[smem:$0x3F8A] =	sst s1;
	(tag) =	ssettag s2;
	_ =	strace s9  }
0x27: {  	s1 =	sld [smem:$0x3F9A]  }
0x28: {  	s2 =	sld [smem:$0x3F9B]  }
0x29: {  	s4 =	sld [smem:$0x3F9D]  }
0x2a: {  	p0 =	seq.s32 s5, $0x0;
	s5 =	sld [smem:$0x3F9E]  }
0x2b: {  	s6 =	sld [smem:$0x3F9F]  }
0x2c: {  	s7 =	sld [smem:$0x3FA0]  }
0x2d: {  	s3 =	simm.s32 $0x108;
	s8 =	sld [smem:$0x3FA1]  }
0x2e: {  	s3 =	simm.s32 @!p0 $0x1082;
	s9 =	sld [smem:$0x3FA2]  }
0x2f: {  	lr =	sadd.s32 s0, s3;
	s0 =	sld [smem:$0x3F99]  }
0x30: {  	s3 =	sld [smem:$0x3F9C]  }
0x31: {  	[smem:$0x3FA5] =	sst s10  }
0x32: {  	s10 =	sld [smem:$0x3FA3];
	_ =	sdelay $0x3  }
0x33: {  	p0 =	seq.s32 s10, $0x1;
	s10 =	sld [smem:$0x3FA5];
	_ =	sdelay $0x3  }
0x34: {  	[smem:$0x3FA5] =	sst s10  }
0x35: {  	s10 =	sld [smem:$0x3FA4];
	_ =	sdelay $0x3  }
0x36: {  	p1 =	seq.s32 s10, $0x1;
	s10 =	sld [smem:$0x3FA5];
	_ =	sdelay $0x3  }
0x37: {  	[smem:$0x3FA5] =	sst s10  }
0x38: {  	s10 =	sld [smem:$0x3FA6]  }
0x39: {  	_ = 	snop;
	(pc) =	sbr.ind lr, $3  }
0x3a: {  	_ = 	snop  }
0x3b: {  	_ = 	snop  }
0x3c: {  	p2 =	seq.s32 s10, $0x1;
	s10 =	sld [smem:$0x3FA5]  }
0x3d: {  	_ =	shalt  }
0x3e: {  	_ =	shalt  }
0x3f: {  	_ =	shalt  }
0x40: {  	_ =	shalt  }
0x41: {  	_ =	shalt  }
0x42: {  	_ =	shalt  }
0x43: {  	_ =	shalt  }
0x44: {  	_ =	shalt  }
0x45: {  	_ =	shalt  }
0x46: {  	_ =	shalt  }
0x47: {  	_ =	shalt  }
0x48: {  	_ =	shalt  }
0x49: {  	_ =	shalt  }
0x4a: {  	_ =	shalt  }
0x4b: {  	_ =	shalt  }
0x4c: {  	_ =	shalt  }
0x4d: {  	_ =	shalt  }
0x4e: {  	_ =	shalt  }
0x4f: {  	_ =	shalt  }
0x50: {  	_ =	shalt  }
0x51: {  	_ =	shalt  }
0x52: {  	_ =	shalt  }
0x53: {  	_ =	shalt  }
0x54: {  	_ =	shalt  }
0x55: {  	_ =	shalt  }
0x56: {  	_ =	shalt  }
0x57: {  	_ =	shalt  }
0x58: {  	_ =	shalt  }
0x59: {  	_ =	shalt  }
0x5a: {  	_ =	shalt  }
0x5b: {  	_ =	shalt  }
0x5c: {  	_ =	shalt  }
0x5d: {  	_ =	shalt  }
0x5e: {  	_ =	shalt  }
0x5f: {  	_ =	shalt  }
0x60: {  	_ =	shalt  }
0x61: {  	_ =	shalt  }
0x62: {  	_ =	shalt  }
0x63: {  	_ =	shalt  }
0x64: {  	_ =	shalt  }
0x65: {  	_ =	shalt  }
0x66: {  	_ =	shalt  }
0x67: {  	_ =	shalt  }
0x68: {  	_ =	shalt  }
0x69: {  	_ =	shalt  }
0x6a: {  	_ =	shalt  }
0x6b: {  	_ =	shalt  }
0x6c: {  	_ =	shalt  }
0x6d: {  	_ =	shalt  }
0x6e: {  	_ =	shalt  }
0x6f: {  	_ =	shalt  }
0x70: {  	_ =	shalt  }
0x71: {  	_ =	shalt  }
0x72: {  	_ =	shalt  }
0x73: {  	_ =	shalt  }
0x74: {  	_ =	shalt  }
0x75: {  	_ =	shalt  }
0x76: {  	_ =	shalt  }
0x77: {  	_ =	shalt  }
0x78: {  	_ =	shalt  }
0x79: {  	_ =	shalt  }
0x7a: {  	_ =	shalt  }
0x7b: {  	_ =	shalt  }
0x7c: {  	_ =	shalt  }
0x7d: {  	_ =	shalt  }
0x7e: {  	_ =	shalt  }
0x7f: {  	_ =	shalt  }
0x80: {  	_ =	shalt  }
0x81: {  	_ =	shalt  }
0x82: {  	_ =	shalt  }
0x83: {  	_ =	shalt  }
0x84: {  	_ =	shalt  }
0x85: {  	_ =	shalt  }
0x86: {  	_ =	shalt  }
0x87: {  	_ =	shalt  }
.Lfunc_end0:
.L_simem_size_0:
called_computation.2_lowered:
.L_overlay_start_0:
0x88: {  	s2 =	sld [smem:$0x3FD9]  }
0x89: {  	s3 =	sld [smem:$0x3FFE];
	_ =	sdelay $0x1  }
0x8a: {  	s1 =	srdreg.scid  }
0x8b: {  	s0 =	sand.u32 $0x1, s1  }
0x8c: {  	s16 =	sshll.u32 s0, $0xA;
	s2 =	sadd.s32 s3, s2  }
0x8d: {  	s2 =	sadd.s32 s2, s16  }
0x8e: {  	[smem:$0x3FB1] =	sst s2  }
0x8f: {  	_ = 	snop  }
0x90: {  	(tm) =	ssettm $0x1  }
0x91: {  	s17 =	sld [smem:$0x3FFB];
	_ =	sdelay $0x3  }
0x92: {  	_ =	strace s17  }
0x93: {  	s2 =	sld [smem:$0x3FFC];
	_ =	sdelay $0x3  }
0x94: {  	_ =	strace s2  }
0x95: {  	s2 =	sld [smem:$0x3FFD];
	_ =	sdelay $0x3  }
0x96: {  	_ =	strace s2  }
0x97: {  	_ =	strace $0x8FFFFFFF  }
0x98: {  	s18 =	sld [smem:$0x3FDB];
	_ =	sdelay $0x1  }
0x99: {  	s19 =	simm.s32 $_scs_section_size  }
0x9a: {  	s4 =	simm.s32 $_size__tile_overlayer_lowered;
	s5 =	simm.s32 $_tile_overlayer_lowered  }
0x9b: {  	s22 =	simm.s32 $0x1BFF;
	s21 =	sshll.u32 s5, $0x1;
	s2 =	sadd.s32 s19, s18  }
0x9c: {  	s6 =	simm.s32 $0x0;
	s20 =	sshll.u32 s4, $0x1;
	s4 =	sadd.s32 s21, s2  }
0x9d: {  	[timem:s6], [sflag:s22] =	dma.local [hbm:s4], s20  }
0x9e: {  	_ =	swait.ge [sflag:s22], s20  }
0x9f: {  	s3 =	ssub.s32 $0x0, s20;
	[sflag:s22] =	ssyncset.done $0x0  }
0xa0: {  	[sflag:s22] =	ssyncadd.s32 s3;
	_ =	sdelay $0x1  }
0xa1: {  	s23 =	simm.s32 $0x1B8B  }
0xa2: {  	_ =	swait.ge [sflag:s23], $0x1  }
0xa3: {  	[sflag:s23] =	ssyncset.done $0x0  }
0xa4: {  	s25 =	simm.s32 $0x1B8E;
	s24 =	sld [smem:$0x3FFE];
	[sflag:s23] =	ssyncadd.s32 $0xFFFFFFFF  }
0xa5: {  	s26 =	simm.s32 $execute0_lowered;
	[smem:$0x3FD2] =	sst s25  }
0xa6: {  	s4 =	sshll.u32 s26, $0x1;
	_ =	strace $0x8000004C;
	[dreg:$0x1] =	wrdreg $0xFFFFFFFF  }
0xa7: {  	s28 =	simm.s32 $_size_execute0_lowered;
	s2 =	sadd.s32 s2, s4;
	[dreg:$0x0] =	wrdreg $0x0  }
0xa8: {  	s4 =	sshll.u32 s28, $0x1;
	[dreg:$0x2] =	wrdreg s2  }
0xa9: {  	[dreg:$0x3] =	wrdreg s4  }
0xaa: {  	[dreg:$0x4] =	wrdreg $0xC0  }
0xab: {  	_ =	task [dreg:s6], $0x5FFFF  }
0xac: {  	[dreg:$0x1] =	wrdreg $0xFFFFFFFF  }
0xad: {  	[dreg:$0x0] =	wrdreg $0x60  }
0xae: {  	[dreg:$0x2] =	wrdreg s24  }
0xaf: {  	[dreg:$0x3] =	wrdreg $0x90000  }
0xb0: {  	[dreg:$0x4] =	wrdreg $0x9  }
0xb1: {  	_ =	task.clear_ibuf [dreg:s6], $0x5FFFF;
	_ =	strace $0x9000004C  }
0xb2: {  	s29 =	simm.s32 $0x9;
	_ =	strace $0x8000004E  }
0xb3: {  	_ =	swait.ge [sflag:s29], $0x1  }
0xb4: {  	[sflag:s29] =	ssyncadd.s32 $0xFFFFFFFF  }
0xb5: {  	_ =	strace $0x9000004E  }
0xb6: {  	_ =	sfence  }
0xb7: {  	s30 =	sld [smem:$0x0];
	_ =	sdelay $0x2  }
0xb8: {  	s31 =	sshll.u32 s1, $0xD;
	s1 =	sshrl.u32 s1, $0x2  }
0xb9: {  	s3 =	sand.u32 $0x4000, s31;
	s1 =	sadd.s32 s1, s30  }
0xba: {  	s0 =	sor.u32 s3, s0;
	s1 =	sshll.u32 s1, $0x11  }
0xbb: {  	s0 =	sor.u32 s1, s0  }
0xbc: {  	s0 =	sadd.s32 $0x8F2B, s0  }
0xbd: {  	[sflag:s0] =	ssyncadd.remote.s32 $0x1  }
0xbe: {  	_ =	sfence.sel $0xFFFF  }
0xbf: {  	[dreg:$0x0] =	wrdreg $0xFFFFFFFF;
	(pc) =	sbr.abs _section_cstart, $3  }
0xc0: {  	[dreg:$0x1] =	wrdreg $0xFFFFFFFF  }
0xc1: {  	_ =	task.clear_ibuf [dreg:s6], $0x2FFFF;
	_ =	strace $0x9FFFFFFF  }
0xc2: {  	(tm) =	ssettm $0x7FFFFFFF  }
0xc3: {  	_ =	shalt  }
tec
execute0_lowered:
.L_overlay_start_1:
0x0: {  	(tag) =	ssettag $0x1  }
0x1: {  	s1 =	srdreg.scid;
	s0 =	stileid.u32  }
0x2: {  	s19 =	rddreg [dreg:$0x0];
	s20 =	sand.u32 $0x1, s1;
	s30 =	sshll.u32 s0, $0x1  }
0x3: {  	s2 =	rddreg [dreg:$0x1];
	s21 =	smul.u32 $0xA000, s0;
	s4 =	sor.u32 s20, s30  }
0x4: {  	s3 =	simm.s32 $0x0;
	s1 =	rddreg [dreg:$0x2];
	s4 =	smul.u32 $0x500, s4  }
0x5: {  	s8 =	simm.s32 $0x2800;
	[smem:$0x7FF] =	sst s3;
	s7 =	sshll.u32 s0, $0x6  }
0x6: {  	_ =	strace $0x8000004D;
	s9 =	sadd.s32 s21, s2;
	s6 =	sadd.s32 s4, s19  }
0x7: {  	s7 =	sor.u32 $0x1C04, s7;
	s10 =	sshrl.u32 s9, $0x3;
	s5 =	sadd.s32 $0x16E00, s6  }
0x8: {  	[tilespmem:s3], [sflag:$0x3] =	stream.linear.gather [hbm4b:s5+s3], $0x2800, $0x38;
	[tilespmem:$0x13000] =	vst v63  }
0x9: {  	s9 =	simm.s32 $0x4;
	s4 =	sadd.s32 $0x2AE00, s19;
	s6 =	sadd.s32 $0x20E00, s6  }
0xa: {  	[tilespmem:s8], [sflag:$0x3] =	stream.linear.gather [hbm4b:s6+s3], $0x2800, $0x38;
	[tilespmem:$0x13000] =	vst v63  }
0xb: {  	[spmem:s10], [sflag:s7] =	dma.local [hbm:s4], $0x1400  }
0xc: {  	_ =	swait.ge [sflag:s9], $0x1400  }
0xd: {  	[sflag:s9] =	ssyncset.done $0x0  }
0xe: {  	s11 =	simm.s32 $0x3;
	[sflag:s9] =	ssyncadd.s32 $0xFFFFEC00  }
0xf: {  	_ =	swait.ge [sflag:s11], $0x2800  }
0x10: {  	[sflag:s11] =	ssyncset.done $0x0  }
0x11: {  	[sflag:s11] =	ssyncadd.s32 $0xFFFFD800  }
0x12: {  	_ =	swait.ge [sflag:s11], $0x2800  }
0x13: {  	s13 =	simm.s32 $0x80;
	[sflag:s11] =	ssyncset.done $0x0  }
0x14: {  	s14 =	simm.s32 $0x5000;
	s12 =	sadd.s32 $0x3400, s19;
	[sflag:s11] =	ssyncadd.s32 $0xFFFFD800  }
0x15: {  	[tilespmem:s14], [sflag:$0x1] =	stream.indirect.gather [hbm4b:s12+s13], $0x40, s3, s13, $0xb8;
	[tilespmem:$0x13000] =	vst v63  }
0x16: {  	s15 =	simm.s32 $0x7000  }
0x17: {  	[tilespmem:s15], [sflag:$0x2] =	stream.indirect.gather [hbm4b:s12+s13], $0x40, s13, s13, $0xb8;
	[tilespmem:$0x13000] =	vst v63  }
0x18: {  	s16 =	simm.s32 $0x1;
	[bflag:$0x0] =	sbarrier.arrive $0xFFFF  }
0x19: {  	_ =	swait.ge [sflag:s16], $0x2000  }
0x1a: {  	[sflag:s16] =	ssyncset.done $0x0  }
0x1b: {  	[sflag:s16] =	ssyncadd.s32 $0xFFFFE000  }
0x1c: {  	[spmem:s2] =	stream.indirect.scatter.add.f32 [tilespmem:s14], [sflag:$0x4], $0x40, s8, s13, $0xb8;
	[tilespmem:$0x13000] =	vst v63  }
0x1d: {  	_ =	swait.ge [sflag:s9], $0x2000  }
0x1e: {  	[sflag:s9] =	ssyncset.done $0x0  }
0x1f: {  	s17 =	simm.s32 $0x2;
	[sflag:s9] =	ssyncadd.s32 $0xFFFFE000  }
0x20: {  	s22 =	smul.u32 $0xA0000, s20;
	s20 =	ssub.s32 $0x2, s20;
	_ =	swait.ge [sflag:s17], $0x2000  }
0x21: {  	s31 =	sshrl.u32 s20, $0x1;
	[sflag:s17] =	ssyncset.done $0x0  }
0x22: {  	s18 =	simm.s32 $0x2880;
	s20 =	ssub.s32 s20, s31;
	[sflag:s17] =	ssyncadd.s32 $0xFFFFE000  }
0x23: {  	[spmem:s2] =	stream.indirect.scatter.add.f32 [tilespmem:s15], [sflag:$0x4], $0x40, s18, s13, $0xb8;
	[tilespmem:$0x13000] =	vst v63  }
0x24: {  	s21 =	sadd.s32 s21, s22;
	s20 =	smax.u32 s20, $0x1;
	_ =	swait.ge [sflag:s9], $0x2000  }
0x25: {  	s21 =	sshrl.u32 s21, $0x3;
	p0 =	sne.s32 s20, $0x1;
	[sflag:s9] =	ssyncset.done $0x0  }
.Ltmp0:
0x26: {  	s19 =	sadd.s32 s21, s19;
	[sflag:s9] =	ssyncadd.s32 $0xFFFFE000;
	(pc) =	sbr.rel @!p0 .LBB2_2-.Ltmp0, $4  }
0x27: {  	s19 =	sadd.s32 $0x2C200, s19;
	[bflag:$0x0] =	sbarrier.arrive $0xFFFF  }
0x28: {  	[hbm:s19], [sflag:s7] =	dma.local [spmem:s10], $0x1400  }
0x29: {  	_ =	swait.ge [sflag:s9], $0x1400  }
0x2a: {  	s20 =	sadd.s32 $0xFFFFFFFF, s20;
	[sflag:s9] =	ssyncset.done $0x0  }
.LBB2_1:
0x2b: {  	p0 =	sne.s32 s20, $0x1;
	s20 =	sadd.s32 $0xFFFFFFFF, s20;
	[sflag:s9] =	ssyncadd.s32 $0xFFFFEC00  }
0x2c: {  	[tilespmem:s3], [sflag:$0x3] =	stream.linear.gather [hbm4b:s5+s3], $0x2800, $0x38;
	[tilespmem:$0x13000] =	vst v63  }
0x2d: {  	_ = 	snop  }
0x2e: {  	[tilespmem:s8], [sflag:$0x3] =	stream.linear.gather [hbm4b:s6+s3], $0x2800, $0x38;
	[tilespmem:$0x13000] =	vst v63  }
0x2f: {  	[spmem:s10], [sflag:s7] =	dma.local [hbm:s4], $0x1400  }
0x30: {  	_ =	swait.ge [sflag:s9], $0x1400  }
0x31: {  	[sflag:s9] =	ssyncset.done $0x0  }
0x32: {  	[sflag:s9] =	ssyncadd.s32 $0xFFFFEC00  }
0x33: {  	_ =	swait.ge [sflag:s11], $0x2800  }
0x34: {  	[sflag:s11] =	ssyncset.done $0x0  }
0x35: {  	[sflag:s11] =	ssyncadd.s32 $0xFFFFD800  }
0x36: {  	_ =	swait.ge [sflag:s11], $0x2800  }
0x37: {  	[sflag:s11] =	ssyncset.done $0x0  }
0x38: {  	[sflag:s11] =	ssyncadd.s32 $0xFFFFD800  }
0x39: {  	[tilespmem:s14], [sflag:$0x1] =	stream.indirect.gather [hbm4b:s12+s13], $0x40, s3, s13, $0xb8;
	[tilespmem:$0x13000] =	vst v63  }
0x3a: {  	_ = 	snop  }
0x3b: {  	[tilespmem:s15], [sflag:$0x2] =	stream.indirect.gather [hbm4b:s12+s13], $0x40, s13, s13, $0xb8;
	[tilespmem:$0x13000] =	vst v63  }
0x3c: {  	[bflag:$0x0] =	sbarrier.arrive $0xFFFF  }
0x3d: {  	_ =	swait.ge [sflag:s16], $0x2000  }
0x3e: {  	[sflag:s16] =	ssyncset.done $0x0  }
0x3f: {  	[sflag:s16] =	ssyncadd.s32 $0xFFFFE000  }
0x40: {  	[spmem:s2] =	stream.indirect.scatter.add.f32 [tilespmem:s14], [sflag:$0x4], $0x40, s8, s13, $0xb8;
	[tilespmem:$0x13000] =	vst v63  }
0x41: {  	_ =	swait.ge [sflag:s9], $0x2000  }
0x42: {  	[sflag:s9] =	ssyncset.done $0x0  }
0x43: {  	[sflag:s9] =	ssyncadd.s32 $0xFFFFE000  }
0x44: {  	_ =	swait.ge [sflag:s17], $0x2000  }
0x45: {  	[sflag:s17] =	ssyncset.done $0x0  }
0x46: {  	[sflag:s17] =	ssyncadd.s32 $0xFFFFE000  }
0x47: {  	[spmem:s2] =	stream.indirect.scatter.add.f32 [tilespmem:s15], [sflag:$0x4], $0x40, s18, s13, $0xb8;
	[tilespmem:$0x13000] =	vst v63  }
0x48: {  	_ =	swait.ge [sflag:s9], $0x2000  }
0x49: {  	[sflag:s9] =	ssyncset.done $0x0  }
.Ltmp1:
0x4a: {  	[sflag:s9] =	ssyncadd.s32 $0xFFFFE000;
	(pc) =	sbr.rel @p0 .LBB2_1-.Ltmp1, $4  }
0x4b: {  	[bflag:$0x0] =	sbarrier.arrive $0xFFFF  }
0x4c: {  	[hbm:s19], [sflag:s7] =	dma.local [spmem:s10], $0x1400  }
0x4d: {  	_ =	swait.ge [sflag:s9], $0x1400  }
0x4e: {  	[sflag:s9] =	ssyncset.done $0x0  }
.LBB2_2:
0x4f: {  	[sflag:s9] =	ssyncadd.s32 $0xFFFFEC00  }
0x50: {  	_ =	sfence.sel $0x180000  }
0x51: {  	[bflag:$0x0] =	sbarrier.arrive $0xFFFF  }
0x52: {  	p0 =	sne.s32 s0, $0x0;
	_ =	strace $0x9000004D  }
0x53: {  	s0 =	sadd.s32 @!p0 $0x100000, s1;
	[bflag:$0x2] =	sbarrier.arrive $0xFFFF  }
0x54: {  	[sflag:s0] =	ssyncadd.tile.s32 @!p0 $0x1;
	_ =	shalt  }
.Lfunc_end2:
_tile_overlayer_lowered:
.L_overlay_start_2:
0x55: {  	(tag) =	ssettag $0x2  }
0x56: {  	s0 =	rddreg [dreg:$0x0];
	s2 =	stileid.u32  }
0x57: {  	s1 =	rddreg [dreg:$0x1];
	p0 =	sne.s32 s2, $0x0  }
0x58: {  	s3 =	rddreg [dreg:$0x2];
	[bflag:$0x3] =	sbarrier.arrive $0xFFFF;
	s2 =	simm.s32 @!p0 $0x1C04  }
0x59: {  	[timem:s3], [sflag:s2] =	dma.local @!p0 [hbm:s0], s1  }
0x5a: {  	s0 =	simm.s32 @!p0 $0x4  }
0x5b: {  	_ =	swait.ge @!p0 [sflag:s0], s1  }
0x5c: {  	s1 =	ssub.s32 @!p0 $0x0, s1;
	[sflag:s0] =	ssyncset.done @!p0 $0x0  }
0x5d: {  	[sflag:s0] =	ssyncadd.s32 @!p0 s1  }
0x5e: {  	[bflag:$0x3] =	sbarrier.arrive $0xFFFF  }
0x5f: {  	_ =	shalt  }

// kernel: kernel.22.cloned.1.call-start
scs
__scs_entry_jumppad:
0x0: {  	(pc) =	sbr.rel $0x88, $3  }
0x1: {  	(tag) =	ssettag $0x0;
	lr =	simm.s32 $0x1  }
0x2: {  	[smem:$0x3F8A] =	sst lr;
	_ =	strace $0xD0000000  }
0x3: {  	_ = 	snop  }
0x4: {  	_ = 	snop  }
0x5: {  	_ = 	snop  }
0x6: {  	_ = 	snop  }
0x7: {  	_ = 	snop  }
__scs_overlays_trampoline_lowered:
0x8: {  	[smem:$0x3F99] =	sst s0  }
0x9: {  	[smem:$0x3F9A] =	sst s1  }
0xa: {  	[smem:$0x3F9B] =	sst s2  }
0xb: {  	[smem:$0x3F9C] =	sst s3  }
0xc: {  	[smem:$0x3F9D] =	sst s4  }
0xd: {  	[smem:$0x3F9E] =	sst s5  }
0xe: {  	[smem:$0x3F9F] =	sst s6  }
0xf: {  	[smem:$0x3FA0] =	sst s7  }
0x10: {  	[smem:$0x3FA1] =	sst s8  }
0x11: {  	[smem:$0x3FA2] =	sst s9;
	s0 =	simm.s32 @!p0 $0x0  }
0x12: {  	s1 =	sld [smem:$0x3F88];
	s0 =	simm.s32 @p0 $0x1  }
0x13: {  	[smem:$0x3FA3] =	sst s0;
	s0 =	simm.s32 @!p1 $0x0  }
0x14: {  	s2 =	sld [smem:$0x3F87];
	s0 =	simm.s32 @p1 $0x1  }
0x15: {  	[smem:$0x3FA4] =	sst s0;
	s0 =	simm.s32 @!p2 $0x0  }
0x16: {  	s3 =	sld [smem:$0x3FDB];
	s0 =	simm.s32 @p2 $0x1  }
0x17: {  	s4 =	simm.s32 $0x1BF5;
	[smem:$0x3FA6] =	sst s0  }
0x18: {  	s0 =	sld [smem:$0x3F89];
	_ =	swait.ge [sflag:s4], $0x0  }
0x19: {  	s7 =	sld [smem:$0x3F8A]  }
0x1a: {  	s8 =	sadd.s32 $0xFFFFE003, lr  }
0x1b: {  	s9 =	sadd.s32 $0xFFFFFEF7, lr;
	s5 =	simm.s32 $0xFFFFFFFF;
	p2 =	slt.u32 s8, $0xFFFFF086  }
0x1c: {  	p1 =	slt.u32 s9, $0xF7A;
	s5 =	simm.s32 @!p2 $0x0  }
0x1d: {  	s5 =	simm.s32 @p1 $0x1;
	p0 =	seq.s32 s7, s2  }
0x1e: {  	s7 =	smul.u32 @!p0 $0xF7A, s2;
	p2 =	seq.s32 @!p0 s5, $0x0  }
0x1f: {  	s9 =	smul.u32 $0xF7A, s1;
	s8 =	simm.s32 @!p0 $0x1BF5;
	p2 =	por !p2, p0  }
0x20: {  	[sflag:s8] =	ssyncset.s32 @!p0 $0xFFFFF086;
	s6 =	sadd.s32 @!p0 s3, s7;
	s7 =	simm.s32 @!p0 $0x108  }
0x21: {  	s3 =	sadd.s32 s3, s9;
	s6 =	sadd.s32 @!p0 $0x88, s6;
	s7 =	simm.s32 @p2 $0x1082  }
0x22: {  	[simem:s7], [sflag:s8] =	dma.local @!p0 [hbm:s6], $0xF7A  }
0x23: {  	s9 =	sor.u32 $0xD0000000, s2;
	s6 =	simm.s32 $0x108;
	_ =	swait.ge @!p0 [sflag:s8], $0x0  }
0x24: {  	s3 =	sadd.s32 $0x88, s3;
	s6 =	simm.s32 @!p1 $0x1082;
	[sflag:s4] =	ssyncset.s32 $0xFFFFF086  }
0x25: {  	[simem:s6], [sflag:s4] =	dma.local [hbm:s3], $0xF7A  }
0x26: {  	[smem:$0x3F8A] =	sst s1;
	(tag) =	ssettag s2;
	_ =	strace s9  }
0x27: {  	s1 =	sld [smem:$0x3F9A]  }
0x28: {  	s2 =	sld [smem:$0x3F9B]  }
0x29: {  	s4 =	sld [smem:$0x3F9D]  }
0x2a: {  	p0 =	seq.s32 s5, $0x0;
	s5 =	sld [smem:$0x3F9E]  }
0x2b: {  	s6 =	sld [smem:$0x3F9F]  }
0x2c: {  	s7 =	sld [smem:$0x3FA0]  }
0x2d: {  	s3 =	simm.s32 $0x108;
	s8 =	sld [smem:$0x3FA1]  }
0x2e: {  	s3 =	simm.s32 @!p0 $0x1082;
	s9 =	sld [smem:$0x3FA2]  }
0x2f: {  	lr =	sadd.s32 s0, s3;
	s0 =	sld [smem:$0x3F99]  }
0x30: {  	s3 =	sld [smem:$0x3F9C]  }
0x31: {  	[smem:$0x3FA5] =	sst s10  }
0x32: {  	s10 =	sld [smem:$0x3FA3];
	_ =	sdelay $0x3  }
0x33: {  	p0 =	seq.s32 s10, $0x1;
	s10 =	sld [smem:$0x3FA5];
	_ =	sdelay $0x3  }
0x34: {  	[smem:$0x3FA5] =	sst s10  }
0x35: {  	s10 =	sld [smem:$0x3FA4];
	_ =	sdelay $0x3  }
0x36: {  	p1 =	seq.s32 s10, $0x1;
	s10 =	sld [smem:$0x3FA5];
	_ =	sdelay $0x3  }
0x37: {  	[smem:$0x3FA5] =	sst s10  }
0x38: {  	s10 =	sld [smem:$0x3FA6]  }
0x39: {  	_ = 	snop;
	(pc) =	sbr.ind lr, $3  }
0x3a: {  	_ = 	snop  }
0x3b: {  	_ = 	snop  }
0x3c: {  	p2 =	seq.s32 s10, $0x1;
	s10 =	sld [smem:$0x3FA5]  }
0x3d: {  	_ =	shalt  }
0x3e: {  	_ =	shalt  }
0x3f: {  	_ =	shalt  }
0x40: {  	_ =	shalt  }
0x41: {  	_ =	shalt  }
0x42: {  	_ =	shalt  }
0x43: {  	_ =	shalt  }
0x44: {  	_ =	shalt  }
0x45: {  	_ =	shalt  }
0x46: {  	_ =	shalt  }
0x47: {  	_ =	shalt  }
0x48: {  	_ =	shalt  }
0x49: {  	_ =	shalt  }
0x4a: {  	_ =	shalt  }
0x4b: {  	_ =	shalt  }
0x4c: {  	_ =	shalt  }
0x4d: {  	_ =	shalt  }
0x4e: {  	_ =	shalt  }
0x4f: {  	_ =	shalt  }
0x50: {  	_ =	shalt  }
0x51: {  	_ =	shalt  }
0x52: {  	_ =	shalt  }
0x53: {  	_ =	shalt  }
0x54: {  	_ =	shalt  }
0x55: {  	_ =	shalt  }
0x56: {  	_ =	shalt  }
0x57: {  	_ =	shalt  }
0x58: {  	_ =	shalt  }
0x59: {  	_ =	shalt  }
0x5a: {  	_ =	shalt  }
0x5b: {  	_ =	shalt  }
0x5c: {  	_ =	shalt  }
0x5d: {  	_ =	shalt  }
0x5e: {  	_ =	shalt  }
0x5f: {  	_ =	shalt  }
0x60: {  	_ =	shalt  }
0x61: {  	_ =	shalt  }
0x62: {  	_ =	shalt  }
0x63: {  	_ =	shalt  }
0x64: {  	_ =	shalt  }
0x65: {  	_ =	shalt  }
0x66: {  	_ =	shalt  }
0x67: {  	_ =	shalt  }
0x68: {  	_ =	shalt  }
0x69: {  	_ =	shalt  }
0x6a: {  	_ =	shalt  }
0x6b: {  	_ =	shalt  }
0x6c: {  	_ =	shalt  }
0x6d: {  	_ =	shalt  }
0x6e: {  	_ =	shalt  }
0x6f: {  	_ =	shalt  }
0x70: {  	_ =	shalt  }
0x71: {  	_ =	shalt  }
0x72: {  	_ =	shalt  }
0x73: {  	_ =	shalt  }
0x74: {  	_ =	shalt  }
0x75: {  	_ =	shalt  }
0x76: {  	_ =	shalt  }
0x77: {  	_ =	shalt  }
0x78: {  	_ =	shalt  }
0x79: {  	_ =	shalt  }
0x7a: {  	_ =	shalt  }
0x7b: {  	_ =	shalt  }
0x7c: {  	_ =	shalt  }
0x7d: {  	_ =	shalt  }
0x7e: {  	_ =	shalt  }
0x7f: {  	_ =	shalt  }
0x80: {  	_ =	shalt  }
0x81: {  	_ =	shalt  }
0x82: {  	_ =	shalt  }
0x83: {  	_ =	shalt  }
0x84: {  	_ =	shalt  }
0x85: {  	_ =	shalt  }
0x86: {  	_ =	shalt  }
0x87: {  	_ =	shalt  }
.Lfunc_end0:
.L_simem_size_0:
called_computation.3_lowered:
.L_overlay_start_0:
0x88: {  	s2 =	sld [smem:$0x3FD9]  }
0x89: {  	s3 =	sld [smem:$0x3FFE];
	_ =	sdelay $0x1  }
0x8a: {  	s1 =	srdreg.scid  }
0x8b: {  	s0 =	sand.u32 $0x1, s1  }
0x8c: {  	s16 =	sshll.u32 s0, $0xA;
	s2 =	sadd.s32 s3, s2  }
0x8d: {  	s2 =	sadd.s32 s2, s16  }
0x8e: {  	[smem:$0x3FB1] =	sst s2  }
0x8f: {  	_ = 	snop  }
0x90: {  	(tm) =	ssettm $0x1  }
0x91: {  	s17 =	sld [smem:$0x3FFB];
	_ =	sdelay $0x3  }
0x92: {  	_ =	strace s17  }
0x93: {  	s2 =	sld [smem:$0x3FFC];
	_ =	sdelay $0x3  }
0x94: {  	_ =	strace s2  }
0x95: {  	s2 =	sld [smem:$0x3FFD];
	_ =	sdelay $0x3  }
0x96: {  	_ =	strace s2  }
0x97: {  	_ =	strace $0x8FFFFFFF  }
0x98: {  	s18 =	sld [smem:$0x3FDB];
	_ =	sdelay $0x1  }
0x99: {  	s19 =	simm.s32 $_scs_section_size  }
0x9a: {  	s4 =	simm.s32 $_size__tile_overlayer_lowered;
	s5 =	simm.s32 $_tile_overlayer_lowered  }
0x9b: {  	s22 =	simm.s32 $0x1BFF;
	s21 =	sshll.u32 s5, $0x1;
	s2 =	sadd.s32 s19, s18  }
0x9c: {  	s6 =	simm.s32 $0x0;
	s20 =	sshll.u32 s4, $0x1;
	s4 =	sadd.s32 s21, s2  }
0x9d: {  	[timem:s6], [sflag:s22] =	dma.local [hbm:s4], s20  }
0x9e: {  	_ =	swait.ge [sflag:s22], s20  }
0x9f: {  	s3 =	ssub.s32 $0x0, s20;
	[sflag:s22] =	ssyncset.done $0x0  }
0xa0: {  	[sflag:s22] =	ssyncadd.s32 s3;
	_ =	sdelay $0x1  }
0xa1: {  	s23 =	simm.s32 $0x1B8B  }
0xa2: {  	_ =	swait.ge [sflag:s23], $0x1  }
0xa3: {  	[sflag:s23] =	ssyncset.done $0x0  }
0xa4: {  	s25 =	simm.s32 $0x1B8E;
	s24 =	sld [smem:$0x3FFE];
	[sflag:s23] =	ssyncadd.s32 $0xFFFFFFFF  }
0xa5: {  	s26 =	simm.s32 $execute0_lowered;
	[smem:$0x3FD2] =	sst s25  }
0xa6: {  	s4 =	sshll.u32 s26, $0x1;
	_ =	strace $0x8000004F;
	[dreg:$0x1] =	wrdreg $0xFFFFFFFF  }
0xa7: {  	s28 =	simm.s32 $_size_execute0_lowered;
	s2 =	sadd.s32 s2, s4;
	[dreg:$0x0] =	wrdreg $0x0  }
0xa8: {  	s4 =	sshll.u32 s28, $0x1;
	[dreg:$0x2] =	wrdreg s2  }
0xa9: {  	[dreg:$0x3] =	wrdreg s4  }
0xaa: {  	[dreg:$0x4] =	wrdreg $0xC0  }
0xab: {  	_ =	task [dreg:s6], $0x5FFFF  }
0xac: {  	[dreg:$0x1] =	wrdreg $0xFFFFFFFF  }
0xad: {  	[dreg:$0x0] =	wrdreg $0x60  }
0xae: {  	[dreg:$0x2] =	wrdreg s24  }
0xaf: {  	[dreg:$0x3] =	wrdreg $0x90000  }
0xb0: {  	[dreg:$0x4] =	wrdreg $0x9  }
0xb1: {  	_ =	task.clear_ibuf [dreg:s6], $0x5FFFF;
	_ =	strace $0x9000004F  }
0xb2: {  	s29 =	simm.s32 $0x9;
	_ =	strace $0x80000051  }
0xb3: {  	_ =	swait.ge [sflag:s29], $0x1  }
0xb4: {  	[sflag:s29] =	ssyncadd.s32 $0xFFFFFFFF  }
0xb5: {  	_ =	strace $0x90000051  }
0xb6: {  	_ =	sfence  }
0xb7: {  	s30 =	sld [smem:$0x0];
	_ =	sdelay $0x2  }
0xb8: {  	s31 =	sshll.u32 s1, $0xD;
	s1 =	sshrl.u32 s1, $0x2  }
0xb9: {  	s3 =	sand.u32 $0x4000, s31;
	s1 =	sadd.s32 s1, s30  }
0xba: {  	s0 =	sor.u32 s3, s0;
	s1 =	sshll.u32 s1, $0x11  }
0xbb: {  	s0 =	sor.u32 s1, s0  }
0xbc: {  	s0 =	sadd.s32 $0x8F2B, s0  }
0xbd: {  	[sflag:s0] =	ssyncadd.remote.s32 $0x1  }
0xbe: {  	_ =	sfence.sel $0xFFFF  }
0xbf: {  	[dreg:$0x0] =	wrdreg $0xFFFFFFFF;
	(pc) =	sbr.abs _section_cstart, $3  }
0xc0: {  	[dreg:$0x1] =	wrdreg $0xFFFFFFFF  }
0xc1: {  	_ =	task.clear_ibuf [dreg:s6], $0x2FFFF;
	_ =	strace $0x9FFFFFFF  }
0xc2: {  	(tm) =	ssettm $0x7FFFFFFF  }
0xc3: {  	_ =	shalt  }
tec
execute0_lowered:
.L_overlay_start_1:
0x0: {  	(tag) =	ssettag $0x1  }
0x1: {  	s1 =	srdreg.scid;
	s0 =	stileid.u32  }
0x2: {  	s19 =	rddreg [dreg:$0x0];
	s20 =	sand.u32 $0x1, s1;
	s30 =	sshll.u32 s0, $0x1  }
0x3: {  	s2 =	rddreg [dreg:$0x1];
	s21 =	smul.u32 $0xA000, s0;
	s4 =	sor.u32 s20, s30  }
0x4: {  	s3 =	simm.s32 $0x0;
	s1 =	rddreg [dreg:$0x2];
	s4 =	smul.u32 $0x500, s4  }
0x5: {  	s8 =	simm.s32 $0x2800;
	[smem:$0x7FF] =	sst s3;
	s7 =	sshll.u32 s0, $0x6  }
0x6: {  	_ =	strace $0x80000050;
	s9 =	sadd.s32 s21, s2;
	s6 =	sadd.s32 s4, s19  }
0x7: {  	s7 =	sor.u32 $0x1C04, s7;
	s10 =	sshrl.u32 s9, $0x3;
	s5 =	sadd.s32 $0x16E00, s6  }
0x8: {  	[tilespmem:s3], [sflag:$0x3] =	stream.linear.gather [hbm4b:s5+s3], $0x2800, $0x38;
	[tilespmem:$0x13000] =	vst v63  }
0x9: {  	s9 =	simm.s32 $0x4;
	s4 =	sadd.s32 $0x2AE00, s19;
	s6 =	sadd.s32 $0x20E00, s6  }
0xa: {  	[tilespmem:s8], [sflag:$0x3] =	stream.linear.gather [hbm4b:s6+s3], $0x2800, $0x38;
	[tilespmem:$0x13000] =	vst v63  }
0xb: {  	[spmem:s10], [sflag:s7] =	dma.local [hbm:s4], $0x1400  }
0xc: {  	_ =	swait.ge [sflag:s9], $0x1400  }
0xd: {  	[sflag:s9] =	ssyncset.done $0x0  }
0xe: {  	s11 =	simm.s32 $0x3;
	[sflag:s9] =	ssyncadd.s32 $0xFFFFEC00  }
0xf: {  	_ =	swait.ge [sflag:s11], $0x2800  }
0x10: {  	[sflag:s11] =	ssyncset.done $0x0  }
0x11: {  	[sflag:s11] =	ssyncadd.s32 $0xFFFFD800  }
0x12: {  	_ =	swait.ge [sflag:s11], $0x2800  }
0x13: {  	s13 =	simm.s32 $0x80;
	[sflag:s11] =	ssyncset.done $0x0  }
0x14: {  	s14 =	simm.s32 $0x5000;
	s12 =	sadd.s32 $0x3400, s19;
	[sflag:s11] =	ssyncadd.s32 $0xFFFFD800  }
0x15: {  	[tilespmem:s14], [sflag:$0x1] =	stream.indirect.gather [hbm4b:s12+s13], $0x40, s3, s13, $0xb8;
	[tilespmem:$0x13000] =	vst v63  }
0x16: {  	s15 =	simm.s32 $0x7000  }
0x17: {  	[tilespmem:s15], [sflag:$0x2] =	stream.indirect.gather [hbm4b:s12+s13], $0x40, s13, s13, $0xb8;
	[tilespmem:$0x13000] =	vst v63  }
0x18: {  	s16 =	simm.s32 $0x1;
	[bflag:$0x0] =	sbarrier.arrive $0xFFFF  }
0x19: {  	_ =	swait.ge [sflag:s16], $0x2000  }
0x1a: {  	[sflag:s16] =	ssyncset.done $0x0  }
0x1b: {  	[sflag:s16] =	ssyncadd.s32 $0xFFFFE000  }
0x1c: {  	[spmem:s2] =	stream.indirect.scatter.add.f32 [tilespmem:s14], [sflag:$0x4], $0x40, s8, s13, $0xb8;
	[tilespmem:$0x13000] =	vst v63  }
0x1d: {  	_ =	swait.ge [sflag:s9], $0x2000  }
0x1e: {  	[sflag:s9] =	ssyncset.done $0x0  }
0x1f: {  	s17 =	simm.s32 $0x2;
	[sflag:s9] =	ssyncadd.s32 $0xFFFFE000  }
0x20: {  	s22 =	smul.u32 $0xA0000, s20;
	s20 =	ssub.s32 $0x2, s20;
	_ =	swait.ge [sflag:s17], $0x2000  }
0x21: {  	s31 =	sshrl.u32 s20, $0x1;
	[sflag:s17] =	ssyncset.done $0x0  }
0x22: {  	s18 =	simm.s32 $0x2880;
	s20 =	ssub.s32 s20, s31;
	[sflag:s17] =	ssyncadd.s32 $0xFFFFE000  }
0x23: {  	[spmem:s2] =	stream.indirect.scatter.add.f32 [tilespmem:s15], [sflag:$0x4], $0x40, s18, s13, $0xb8;
	[tilespmem:$0x13000] =	vst v63  }
0x24: {  	s21 =	sadd.s32 s21, s22;
	s20 =	smax.u32 s20, $0x1;
	_ =	swait.ge [sflag:s9], $0x2000  }
0x25: {  	s21 =	sshrl.u32 s21, $0x3;
	p0 =	sne.s32 s20, $0x1;
	[sflag:s9] =	ssyncset.done $0x0  }
.Ltmp0:
0x26: {  	s19 =	sadd.s32 s21, s19;
	[sflag:s9] =	ssyncadd.s32 $0xFFFFE000;
	(pc) =	sbr.rel @!p0 .LBB2_2-.Ltmp0, $4  }
0x27: {  	s19 =	sadd.s32 $0x2C200, s19;
	[bflag:$0x0] =	sbarrier.arrive $0xFFFF  }
0x28: {  	[hbm:s19], [sflag:s7] =	dma.local [spmem:s10], $0x1400  }
0x29: {  	_ =	swait.ge [sflag:s9], $0x1400  }
0x2a: {  	s20 =	sadd.s32 $0xFFFFFFFF, s20;
	[sflag:s9] =	ssyncset.done $0x0  }
.LBB2_1:
0x2b: {  	p0 =	sne.s32 s20, $0x1;
	s20 =	sadd.s32 $0xFFFFFFFF, s20;
	[sflag:s9] =	ssyncadd.s32 $0xFFFFEC00  }
0x2c: {  	[tilespmem:s3], [sflag:$0x3] =	stream.linear.gather [hbm4b:s5+s3], $0x2800, $0x38;
	[tilespmem:$0x13000] =	vst v63  }
0x2d: {  	_ = 	snop  }
0x2e: {  	[tilespmem:s8], [sflag:$0x3] =	stream.linear.gather [hbm4b:s6+s3], $0x2800, $0x38;
	[tilespmem:$0x13000] =	vst v63  }
0x2f: {  	[spmem:s10], [sflag:s7] =	dma.local [hbm:s4], $0x1400  }
0x30: {  	_ =	swait.ge [sflag:s9], $0x1400  }
0x31: {  	[sflag:s9] =	ssyncset.done $0x0  }
0x32: {  	[sflag:s9] =	ssyncadd.s32 $0xFFFFEC00  }
0x33: {  	_ =	swait.ge [sflag:s11], $0x2800  }
0x34: {  	[sflag:s11] =	ssyncset.done $0x0  }
0x35: {  	[sflag:s11] =	ssyncadd.s32 $0xFFFFD800  }
0x36: {  	_ =	swait.ge [sflag:s11], $0x2800  }
0x37: {  	[sflag:s11] =	ssyncset.done $0x0  }
0x38: {  	[sflag:s11] =	ssyncadd.s32 $0xFFFFD800  }
0x39: {  	[tilespmem:s14], [sflag:$0x1] =	stream.indirect.gather [hbm4b:s12+s13], $0x40, s3, s13, $0xb8;
	[tilespmem:$0x13000] =	vst v63  }
0x3a: {  	_ = 	snop  }
0x3b: {  	[tilespmem:s15], [sflag:$0x2] =	stream.indirect.gather [hbm4b:s12+s13], $0x40, s13, s13, $0xb8;
	[tilespmem:$0x13000] =	vst v63  }
0x3c: {  	[bflag:$0x0] =	sbarrier.arrive $0xFFFF  }
0x3d: {  	_ =	swait.ge [sflag:s16], $0x2000  }
0x3e: {  	[sflag:s16] =	ssyncset.done $0x0  }
0x3f: {  	[sflag:s16] =	ssyncadd.s32 $0xFFFFE000  }
0x40: {  	[spmem:s2] =	stream.indirect.scatter.add.f32 [tilespmem:s14], [sflag:$0x4], $0x40, s8, s13, $0xb8;
	[tilespmem:$0x13000] =	vst v63  }
0x41: {  	_ =	swait.ge [sflag:s9], $0x2000  }
0x42: {  	[sflag:s9] =	ssyncset.done $0x0  }
0x43: {  	[sflag:s9] =	ssyncadd.s32 $0xFFFFE000  }
0x44: {  	_ =	swait.ge [sflag:s17], $0x2000  }
0x45: {  	[sflag:s17] =	ssyncset.done $0x0  }
0x46: {  	[sflag:s17] =	ssyncadd.s32 $0xFFFFE000  }
0x47: {  	[spmem:s2] =	stream.indirect.scatter.add.f32 [tilespmem:s15], [sflag:$0x4], $0x40, s18, s13, $0xb8;
	[tilespmem:$0x13000] =	vst v63  }
0x48: {  	_ =	swait.ge [sflag:s9], $0x2000  }
0x49: {  	[sflag:s9] =	ssyncset.done $0x0  }
.Ltmp1:
0x4a: {  	[sflag:s9] =	ssyncadd.s32 $0xFFFFE000;
	(pc) =	sbr.rel @p0 .LBB2_1-.Ltmp1, $4  }
0x4b: {  	[bflag:$0x0] =	sbarrier.arrive $0xFFFF  }
0x4c: {  	[hbm:s19], [sflag:s7] =	dma.local [spmem:s10], $0x1400  }
0x4d: {  	_ =	swait.ge [sflag:s9], $0x1400  }
0x4e: {  	[sflag:s9] =	ssyncset.done $0x0  }
.LBB2_2:
0x4f: {  	[sflag:s9] =	ssyncadd.s32 $0xFFFFEC00  }
0x50: {  	_ =	sfence.sel $0x180000  }
0x51: {  	[bflag:$0x0] =	sbarrier.arrive $0xFFFF  }
0x52: {  	p0 =	sne.s32 s0, $0x0;
	_ =	strace $0x90000050  }
0x53: {  	s0 =	sadd.s32 @!p0 $0x100000, s1;
	[bflag:$0x2] =	sbarrier.arrive $0xFFFF  }
0x54: {  	[sflag:s0] =	ssyncadd.tile.s32 @!p0 $0x1;
	_ =	shalt  }
.Lfunc_end2:
_tile_overlayer_lowered:
.L_overlay_start_2:
0x55: {  	(tag) =	ssettag $0x2  }
0x56: {  	s0 =	rddreg [dreg:$0x0];
	s2 =	stileid.u32  }
0x57: {  	s1 =	rddreg [dreg:$0x1];
	p0 =	sne.s32 s2, $0x0  }
0x58: {  	s3 =	rddreg [dreg:$0x2];
	[bflag:$0x3] =	sbarrier.arrive $0xFFFF;
	s2 =	simm.s32 @!p0 $0x1C04  }
0x59: {  	[timem:s3], [sflag:s2] =	dma.local @!p0 [hbm:s0], s1  }
0x5a: {  	s0 =	simm.s32 @!p0 $0x4  }
0x5b: {  	_ =	swait.ge @!p0 [sflag:s0], s1  }
0x5c: {  	s1 =	ssub.s32 @!p0 $0x0, s1;
	[sflag:s0] =	ssyncset.done @!p0 $0x0  }
0x5d: {  	[sflag:s0] =	ssyncadd.s32 @!p0 s1  }
0x5e: {  	[bflag:$0x3] =	sbarrier.arrive $0xFFFF  }
0x5f: {  	_ =	shalt  }

// kernel: kernel.25.cloned.1.call-start
scs
__scs_entry_jumppad:
0x0: {  	(pc) =	sbr.rel $0x88, $3  }
0x1: {  	(tag) =	ssettag $0x0;
	lr =	simm.s32 $0x1  }
0x2: {  	[smem:$0x3F8A] =	sst lr;
	_ =	strace $0xD0000000  }
0x3: {  	_ = 	snop  }
0x4: {  	_ = 	snop  }
0x5: {  	_ = 	snop  }
0x6: {  	_ = 	snop  }
0x7: {  	_ = 	snop  }
__scs_overlays_trampoline_lowered:
0x8: {  	[smem:$0x3F99] =	sst s0  }
0x9: {  	[smem:$0x3F9A] =	sst s1  }
0xa: {  	[smem:$0x3F9B] =	sst s2  }
0xb: {  	[smem:$0x3F9C] =	sst s3  }
0xc: {  	[smem:$0x3F9D] =	sst s4  }
0xd: {  	[smem:$0x3F9E] =	sst s5  }
0xe: {  	[smem:$0x3F9F] =	sst s6  }
0xf: {  	[smem:$0x3FA0] =	sst s7  }
0x10: {  	[smem:$0x3FA1] =	sst s8  }
0x11: {  	[smem:$0x3FA2] =	sst s9;
	s0 =	simm.s32 @!p0 $0x0  }
0x12: {  	s1 =	sld [smem:$0x3F88];
	s0 =	simm.s32 @p0 $0x1  }
0x13: {  	[smem:$0x3FA3] =	sst s0;
	s0 =	simm.s32 @!p1 $0x0  }
0x14: {  	s2 =	sld [smem:$0x3F87];
	s0 =	simm.s32 @p1 $0x1  }
0x15: {  	[smem:$0x3FA4] =	sst s0;
	s0 =	simm.s32 @!p2 $0x0  }
0x16: {  	s3 =	sld [smem:$0x3FDB];
	s0 =	simm.s32 @p2 $0x1  }
0x17: {  	s4 =	simm.s32 $0x1BF5;
	[smem:$0x3FA6] =	sst s0  }
0x18: {  	s0 =	sld [smem:$0x3F89];
	_ =	swait.ge [sflag:s4], $0x0  }
0x19: {  	s7 =	sld [smem:$0x3F8A]  }
0x1a: {  	s8 =	sadd.s32 $0xFFFFE003, lr  }
0x1b: {  	s9 =	sadd.s32 $0xFFFFFEF7, lr;
	s5 =	simm.s32 $0xFFFFFFFF;
	p2 =	slt.u32 s8, $0xFFFFF086  }
0x1c: {  	p1 =	slt.u32 s9, $0xF7A;
	s5 =	simm.s32 @!p2 $0x0  }
0x1d: {  	s5 =	simm.s32 @p1 $0x1;
	p0 =	seq.s32 s7, s2  }
0x1e: {  	s7 =	smul.u32 @!p0 $0xF7A, s2;
	p2 =	seq.s32 @!p0 s5, $0x0  }
0x1f: {  	s9 =	smul.u32 $0xF7A, s1;
	s8 =	simm.s32 @!p0 $0x1BF5;
	p2 =	por !p2, p0  }
0x20: {  	[sflag:s8] =	ssyncset.s32 @!p0 $0xFFFFF086;
	s6 =	sadd.s32 @!p0 s3, s7;
	s7 =	simm.s32 @!p0 $0x108  }
0x21: {  	s3 =	sadd.s32 s3, s9;
	s6 =	sadd.s32 @!p0 $0x88, s6;
	s7 =	simm.s32 @p2 $0x1082  }
0x22: {  	[simem:s7], [sflag:s8] =	dma.local @!p0 [hbm:s6], $0xF7A  }
0x23: {  	s9 =	sor.u32 $0xD0000000, s2;
	s6 =	simm.s32 $0x108;
	_ =	swait.ge @!p0 [sflag:s8], $0x0  }
0x24: {  	s3 =	sadd.s32 $0x88, s3;
	s6 =	simm.s32 @!p1 $0x1082;
	[sflag:s4] =	ssyncset.s32 $0xFFFFF086  }
0x25: {  	[simem:s6], [sflag:s4] =	dma.local [hbm:s3], $0xF7A  }
0x26: {  	[smem:$0x3F8A] =	sst s1;
	(tag) =	ssettag s2;
	_ =	strace s9  }
0x27: {  	s1 =	sld [smem:$0x3F9A]  }
0x28: {  	s2 =	sld [smem:$0x3F9B]  }
0x29: {  	s4 =	sld [smem:$0x3F9D]  }
0x2a: {  	p0 =	seq.s32 s5, $0x0;
	s5 =	sld [smem:$0x3F9E]  }
0x2b: {  	s6 =	sld [smem:$0x3F9F]  }
0x2c: {  	s7 =	sld [smem:$0x3FA0]  }
0x2d: {  	s3 =	simm.s32 $0x108;
	s8 =	sld [smem:$0x3FA1]  }
0x2e: {  	s3 =	simm.s32 @!p0 $0x1082;
	s9 =	sld [smem:$0x3FA2]  }
0x2f: {  	lr =	sadd.s32 s0, s3;
	s0 =	sld [smem:$0x3F99]  }
0x30: {  	s3 =	sld [smem:$0x3F9C]  }
0x31: {  	[smem:$0x3FA5] =	sst s10  }
0x32: {  	s10 =	sld [smem:$0x3FA3];
	_ =	sdelay $0x3  }
0x33: {  	p0 =	seq.s32 s10, $0x1;
	s10 =	sld [smem:$0x3FA5];
	_ =	sdelay $0x3  }
0x34: {  	[smem:$0x3FA5] =	sst s10  }
0x35: {  	s10 =	sld [smem:$0x3FA4];
	_ =	sdelay $0x3  }
0x36: {  	p1 =	seq.s32 s10, $0x1;
	s10 =	sld [smem:$0x3FA5];
	_ =	sdelay $0x3  }
0x37: {  	[smem:$0x3FA5] =	sst s10  }
0x38: {  	s10 =	sld [smem:$0x3FA6]  }
0x39: {  	_ = 	snop;
	(pc) =	sbr.ind lr, $3  }
0x3a: {  	_ = 	snop  }
0x3b: {  	_ = 	snop  }
0x3c: {  	p2 =	seq.s32 s10, $0x1;
	s10 =	sld [smem:$0x3FA5]  }
0x3d: {  	_ =	shalt  }
0x3e: {  	_ =	shalt  }
0x3f: {  	_ =	shalt  }
0x40: {  	_ =	shalt  }
0x41: {  	_ =	shalt  }
0x42: {  	_ =	shalt  }
0x43: {  	_ =	shalt  }
0x44: {  	_ =	shalt  }
0x45: {  	_ =	shalt  }
0x46: {  	_ =	shalt  }
0x47: {  	_ =	shalt  }
0x48: {  	_ =	shalt  }
0x49: {  	_ =	shalt  }
0x4a: {  	_ =	shalt  }
0x4b: {  	_ =	shalt  }
0x4c: {  	_ =	shalt  }
0x4d: {  	_ =	shalt  }
0x4e: {  	_ =	shalt  }
0x4f: {  	_ =	shalt  }
0x50: {  	_ =	shalt  }
0x51: {  	_ =	shalt  }
0x52: {  	_ =	shalt  }
0x53: {  	_ =	shalt  }
0x54: {  	_ =	shalt  }
0x55: {  	_ =	shalt  }
0x56: {  	_ =	shalt  }
0x57: {  	_ =	shalt  }
0x58: {  	_ =	shalt  }
0x59: {  	_ =	shalt  }
0x5a: {  	_ =	shalt  }
0x5b: {  	_ =	shalt  }
0x5c: {  	_ =	shalt  }
0x5d: {  	_ =	shalt  }
0x5e: {  	_ =	shalt  }
0x5f: {  	_ =	shalt  }
0x60: {  	_ =	shalt  }
0x61: {  	_ =	shalt  }
0x62: {  	_ =	shalt  }
0x63: {  	_ =	shalt  }
0x64: {  	_ =	shalt  }
0x65: {  	_ =	shalt  }
0x66: {  	_ =	shalt  }
0x67: {  	_ =	shalt  }
0x68: {  	_ =	shalt  }
0x69: {  	_ =	shalt  }
0x6a: {  	_ =	shalt  }
0x6b: {  	_ =	shalt  }
0x6c: {  	_ =	shalt  }
0x6d: {  	_ =	shalt  }
0x6e: {  	_ =	shalt  }
0x6f: {  	_ =	shalt  }
0x70: {  	_ =	shalt  }
0x71: {  	_ =	shalt  }
0x72: {  	_ =	shalt  }
0x73: {  	_ =	shalt  }
0x74: {  	_ =	shalt  }
0x75: {  	_ =	shalt  }
0x76: {  	_ =	shalt  }
0x77: {  	_ =	shalt  }
0x78: {  	_ =	shalt  }
0x79: {  	_ =	shalt  }
0x7a: {  	_ =	shalt  }
0x7b: {  	_ =	shalt  }
0x7c: {  	_ =	shalt  }
0x7d: {  	_ =	shalt  }
0x7e: {  	_ =	shalt  }
0x7f: {  	_ =	shalt  }
0x80: {  	_ =	shalt  }
0x81: {  	_ =	shalt  }
0x82: {  	_ =	shalt  }
0x83: {  	_ =	shalt  }
0x84: {  	_ =	shalt  }
0x85: {  	_ =	shalt  }
0x86: {  	_ =	shalt  }
0x87: {  	_ =	shalt  }
.Lfunc_end0:
.L_simem_size_0:
called_computation.4_lowered:
.L_overlay_start_0:
0x88: {  	s2 =	sld [smem:$0x3FD9]  }
0x89: {  	s3 =	sld [smem:$0x3FFE];
	_ =	sdelay $0x1  }
0x8a: {  	s1 =	srdreg.scid  }
0x8b: {  	s0 =	sand.u32 $0x1, s1  }
0x8c: {  	s16 =	sshll.u32 s0, $0xA;
	s2 =	sadd.s32 s3, s2  }
0x8d: {  	s2 =	sadd.s32 s2, s16  }
0x8e: {  	[smem:$0x3FB1] =	sst s2  }
0x8f: {  	_ = 	snop  }
0x90: {  	(tm) =	ssettm $0x1  }
0x91: {  	s17 =	sld [smem:$0x3FFB];
	_ =	sdelay $0x3  }
0x92: {  	_ =	strace s17  }
0x93: {  	s2 =	sld [smem:$0x3FFC];
	_ =	sdelay $0x3  }
0x94: {  	_ =	strace s2  }
0x95: {  	s2 =	sld [smem:$0x3FFD];
	_ =	sdelay $0x3  }
0x96: {  	_ =	strace s2  }
0x97: {  	_ =	strace $0x8FFFFFFF  }
0x98: {  	s18 =	sld [smem:$0x3FDB];
	_ =	sdelay $0x1  }
0x99: {  	s19 =	simm.s32 $_scs_section_size  }
0x9a: {  	s4 =	simm.s32 $_size__tile_overlayer_lowered;
	s5 =	simm.s32 $_tile_overlayer_lowered  }
0x9b: {  	s22 =	simm.s32 $0x1BFF;
	s21 =	sshll.u32 s5, $0x1;
	s2 =	sadd.s32 s19, s18  }
0x9c: {  	s6 =	simm.s32 $0x0;
	s20 =	sshll.u32 s4, $0x1;
	s4 =	sadd.s32 s21, s2  }
0x9d: {  	[timem:s6], [sflag:s22] =	dma.local [hbm:s4], s20  }
0x9e: {  	_ =	swait.ge [sflag:s22], s20  }
0x9f: {  	s3 =	ssub.s32 $0x0, s20;
	[sflag:s22] =	ssyncset.done $0x0  }
0xa0: {  	[sflag:s22] =	ssyncadd.s32 s3;
	_ =	sdelay $0x1  }
0xa1: {  	s23 =	simm.s32 $0x1B8B  }
0xa2: {  	_ =	swait.ge [sflag:s23], $0x1  }
0xa3: {  	[sflag:s23] =	ssyncset.done $0x0  }
0xa4: {  	s25 =	simm.s32 $0x1B8E;
	s24 =	sld [smem:$0x3FFE];
	[sflag:s23] =	ssyncadd.s32 $0xFFFFFFFF  }
0xa5: {  	s26 =	simm.s32 $execute0_lowered;
	[smem:$0x3FD2] =	sst s25  }
0xa6: {  	s4 =	sshll.u32 s26, $0x1;
	_ =	strace $0x80000052;
	[dreg:$0x1] =	wrdreg $0xFFFFFFFF  }
0xa7: {  	s28 =	simm.s32 $_size_execute0_lowered;
	s2 =	sadd.s32 s2, s4;
	[dreg:$0x0] =	wrdreg $0x0  }
0xa8: {  	s4 =	sshll.u32 s28, $0x1;
	[dreg:$0x2] =	wrdreg s2  }
0xa9: {  	[dreg:$0x3] =	wrdreg s4  }
0xaa: {  	[dreg:$0x4] =	wrdreg $0xC0  }
0xab: {  	_ =	task [dreg:s6], $0x5FFFF  }
0xac: {  	[dreg:$0x1] =	wrdreg $0xFFFFFFFF  }
0xad: {  	[dreg:$0x0] =	wrdreg $0x60  }
0xae: {  	[dreg:$0x2] =	wrdreg s24  }
0xaf: {  	[dreg:$0x3] =	wrdreg $0x60000  }
0xb0: {  	[dreg:$0x4] =	wrdreg $0x9  }
0xb1: {  	_ =	task.clear_ibuf [dreg:s6], $0x5FFFF;
	_ =	strace $0x90000052  }
0xb2: {  	s29 =	simm.s32 $0x9;
	_ =	strace $0x80000054  }
0xb3: {  	_ =	swait.ge [sflag:s29], $0x1  }
0xb4: {  	[sflag:s29] =	ssyncadd.s32 $0xFFFFFFFF  }
0xb5: {  	_ =	strace $0x90000054  }
0xb6: {  	_ =	sfence  }
0xb7: {  	s30 =	sld [smem:$0x0];
	_ =	sdelay $0x2  }
0xb8: {  	s31 =	sshll.u32 s1, $0xD;
	s1 =	sshrl.u32 s1, $0x2  }
0xb9: {  	s3 =	sand.u32 $0x4000, s31;
	s1 =	sadd.s32 s1, s30  }
0xba: {  	s0 =	sor.u32 s3, s0;
	s1 =	sshll.u32 s1, $0x11  }
0xbb: {  	s0 =	sor.u32 s1, s0  }
0xbc: {  	s0 =	sadd.s32 $0x8F2B, s0  }
0xbd: {  	[sflag:s0] =	ssyncadd.remote.s32 $0x1  }
0xbe: {  	_ =	sfence.sel $0xFFFF  }
0xbf: {  	[dreg:$0x0] =	wrdreg $0xFFFFFFFF;
	(pc) =	sbr.abs _section_cstart, $3  }
0xc0: {  	[dreg:$0x1] =	wrdreg $0xFFFFFFFF  }
0xc1: {  	_ =	task.clear_ibuf [dreg:s6], $0x2FFFF;
	_ =	strace $0x9FFFFFFF  }
0xc2: {  	(tm) =	ssettm $0x7FFFFFFF  }
0xc3: {  	_ =	shalt  }
tec
execute0_lowered:
.L_overlay_start_1:
0x0: {  	(tag) =	ssettag $0x1  }
0x1: {  	s1 =	srdreg.scid;
	s0 =	stileid.u32  }
0x2: {  	s19 =	rddreg [dreg:$0x0];
	s20 =	sand.u32 $0x1, s1;
	s30 =	sshll.u32 s0, $0x1  }
0x3: {  	s2 =	rddreg [dreg:$0x1];
	s21 =	smul.u32 $0x2800, s0;
	s4 =	sor.u32 s20, s30  }
0x4: {  	s3 =	simm.s32 $0x0;
	s1 =	rddreg [dreg:$0x2];
	s4 =	smul.u32 $0x500, s4  }
0x5: {  	s8 =	simm.s32 $0x2800;
	[smem:$0x7FF] =	sst s3;
	s7 =	sshll.u32 s0, $0x6  }
0x6: {  	_ =	strace $0x80000053;
	s9 =	sadd.s32 s21, s2;
	s6 =	sadd.s32 s4, s19  }
0x7: {  	s7 =	sor.u32 $0x1C04, s7;
	s10 =	sshrl.u32 s9, $0x3;
	s5 =	sadd.s32 $0x16E00, s6  }
0x8: {  	[tilespmem:s3], [sflag:$0x3] =	stream.linear.gather [hbm4b:s5+s3], $0x2800, $0x38;
	[tilespmem:$0x8800] =	vst v63  }
0x9: {  	s9 =	simm.s32 $0x4;
	s4 =	sadd.s32 $0x8400, s19;
	s6 =	sadd.s32 $0x20E00, s6  }
0xa: {  	[tilespmem:s8], [sflag:$0x3] =	stream.linear.gather [hbm4b:s6+s3], $0x2800, $0x38;
	[tilespmem:$0x8800] =	vst v63  }
0xb: {  	[spmem:s10], [sflag:s7] =	dma.local [hbm:s4], $0x500  }
0xc: {  	_ =	swait.ge [sflag:s9], $0x500  }
0xd: {  	[sflag:s9] =	ssyncset.done $0x0  }
0xe: {  	s11 =	simm.s32 $0x3;
	[sflag:s9] =	ssyncadd.s32 $0xFFFFFB00  }
0xf: {  	_ =	swait.ge [sflag:s11], $0x2800  }
0x10: {  	[sflag:s11] =	ssyncset.done $0x0  }
0x11: {  	[sflag:s11] =	ssyncadd.s32 $0xFFFFD800  }
0x12: {  	_ =	swait.ge [sflag:s11], $0x2800  }
0x13: {  	s13 =	simm.s32 $0x80;
	[sflag:s11] =	ssyncset.done $0x0  }
0x14: {  	s14 =	simm.s32 $0x5000;
	s12 =	sadd.s32 $0x3400, s19;
	[sflag:s11] =	ssyncadd.s32 $0xFFFFD800  }
0x15: {  	[tilespmem:s14], [sflag:$0x1] =	stream.indirect.gather [hbm4b:s12+s13], $0x10, s3, s13, $0xb8;
	[tilespmem:$0x8800] =	vst v63  }
0x16: {  	s15 =	simm.s32 $0x5800  }
0x17: {  	[tilespmem:s15], [sflag:$0x2] =	stream.indirect.gather [hbm4b:s12+s13], $0x10, s13, s13, $0xb8;
	[tilespmem:$0x8800] =	vst v63  }
0x18: {  	s16 =	simm.s32 $0x1;
	[bflag:$0x0] =	sbarrier.arrive $0xFFFF  }
0x19: {  	_ =	swait.ge [sflag:s16], $0x800  }
0x1a: {  	[sflag:s16] =	ssyncset.done $0x0  }
0x1b: {  	[sflag:s16] =	ssyncadd.s32 $0xFFFFF800  }
0x1c: {  	[spmem:s2] =	stream.indirect.scatter.add.f32 [tilespmem:s14], [sflag:$0x4], $0x10, s8, s13, $0xb8;
	[tilespmem:$0x8800] =	vst v63  }
0x1d: {  	_ =	swait.ge [sflag:s9], $0x800  }
0x1e: {  	[sflag:s9] =	ssyncset.done $0x0  }
0x1f: {  	s17 =	simm.s32 $0x2;
	[sflag:s9] =	ssyncadd.s32 $0xFFFFF800  }
0x20: {  	s22 =	smul.u32 $0x28000, s20;
	s20 =	ssub.s32 $0x2, s20;
	_ =	swait.ge [sflag:s17], $0x800  }
0x21: {  	s31 =	sshrl.u32 s20, $0x1;
	[sflag:s17] =	ssyncset.done $0x0  }
0x22: {  	s18 =	simm.s32 $0x2880;
	s20 =	ssub.s32 s20, s31;
	[sflag:s17] =	ssyncadd.s32 $0xFFFFF800  }
0x23: {  	[spmem:s2] =	stream.indirect.scatter.add.f32 [tilespmem:s15], [sflag:$0x4], $0x10, s18, s13, $0xb8;
	[tilespmem:$0x8800] =	vst v63  }
0x24: {  	s21 =	sadd.s32 s21, s22;
	s20 =	smax.u32 s20, $0x1;
	_ =	swait.ge [sflag:s9], $0x800  }
0x25: {  	s21 =	sshrl.u32 s21, $0x3;
	p0 =	sne.s32 s20, $0x1;
	[sflag:s9] =	ssyncset.done $0x0  }
.Ltmp0:
0x26: {  	s19 =	sadd.s32 s21, s19;
	[sflag:s9] =	ssyncadd.s32 $0xFFFFF800;
	(pc) =	sbr.rel @!p0 .LBB2_2-.Ltmp0, $4  }
0x27: {  	s19 =	sadd.s32 $0x8A00, s19;
	[bflag:$0x0] =	sbarrier.arrive $0xFFFF  }
0x28: {  	[hbm:s19], [sflag:s7] =	dma.local [spmem:s10], $0x500  }
0x29: {  	_ =	swait.ge [sflag:s9], $0x500  }
0x2a: {  	s20 =	sadd.s32 $0xFFFFFFFF, s20;
	[sflag:s9] =	ssyncset.done $0x0  }
.LBB2_1:
0x2b: {  	p0 =	sne.s32 s20, $0x1;
	s20 =	sadd.s32 $0xFFFFFFFF, s20;
	[sflag:s9] =	ssyncadd.s32 $0xFFFFFB00  }
0x2c: {  	[tilespmem:s3], [sflag:$0x3] =	stream.linear.gather [hbm4b:s5+s3], $0x2800, $0x38;
	[tilespmem:$0x8800] =	vst v63  }
0x2d: {  	_ = 	snop  }
0x2e: {  	[tilespmem:s8], [sflag:$0x3] =	stream.linear.gather [hbm4b:s6+s3], $0x2800, $0x38;
	[tilespmem:$0x8800] =	vst v63  }
0x2f: {  	[spmem:s10], [sflag:s7] =	dma.local [hbm:s4], $0x500  }
0x30: {  	_ =	swait.ge [sflag:s9], $0x500  }
0x31: {  	[sflag:s9] =	ssyncset.done $0x0  }
0x32: {  	[sflag:s9] =	ssyncadd.s32 $0xFFFFFB00  }
0x33: {  	_ =	swait.ge [sflag:s11], $0x2800  }
0x34: {  	[sflag:s11] =	ssyncset.done $0x0  }
0x35: {  	[sflag:s11] =	ssyncadd.s32 $0xFFFFD800  }
0x36: {  	_ =	swait.ge [sflag:s11], $0x2800  }
0x37: {  	[sflag:s11] =	ssyncset.done $0x0  }
0x38: {  	[sflag:s11] =	ssyncadd.s32 $0xFFFFD800  }
0x39: {  	[tilespmem:s14], [sflag:$0x1] =	stream.indirect.gather [hbm4b:s12+s13], $0x10, s3, s13, $0xb8;
	[tilespmem:$0x8800] =	vst v63  }
0x3a: {  	_ = 	snop  }
0x3b: {  	[tilespmem:s15], [sflag:$0x2] =	stream.indirect.gather [hbm4b:s12+s13], $0x10, s13, s13, $0xb8;
	[tilespmem:$0x8800] =	vst v63  }
0x3c: {  	[bflag:$0x0] =	sbarrier.arrive $0xFFFF  }
0x3d: {  	_ =	swait.ge [sflag:s16], $0x800  }
0x3e: {  	[sflag:s16] =	ssyncset.done $0x0  }
0x3f: {  	[sflag:s16] =	ssyncadd.s32 $0xFFFFF800  }
0x40: {  	[spmem:s2] =	stream.indirect.scatter.add.f32 [tilespmem:s14], [sflag:$0x4], $0x10, s8, s13, $0xb8;
	[tilespmem:$0x8800] =	vst v63  }
0x41: {  	_ =	swait.ge [sflag:s9], $0x800  }
0x42: {  	[sflag:s9] =	ssyncset.done $0x0  }
0x43: {  	[sflag:s9] =	ssyncadd.s32 $0xFFFFF800  }
0x44: {  	_ =	swait.ge [sflag:s17], $0x800  }
0x45: {  	[sflag:s17] =	ssyncset.done $0x0  }
0x46: {  	[sflag:s17] =	ssyncadd.s32 $0xFFFFF800  }
0x47: {  	[spmem:s2] =	stream.indirect.scatter.add.f32 [tilespmem:s15], [sflag:$0x4], $0x10, s18, s13, $0xb8;
	[tilespmem:$0x8800] =	vst v63  }
0x48: {  	_ =	swait.ge [sflag:s9], $0x800  }
0x49: {  	[sflag:s9] =	ssyncset.done $0x0  }
.Ltmp1:
0x4a: {  	[sflag:s9] =	ssyncadd.s32 $0xFFFFF800;
	(pc) =	sbr.rel @p0 .LBB2_1-.Ltmp1, $4  }
0x4b: {  	[bflag:$0x0] =	sbarrier.arrive $0xFFFF  }
0x4c: {  	[hbm:s19], [sflag:s7] =	dma.local [spmem:s10], $0x500  }
0x4d: {  	_ =	swait.ge [sflag:s9], $0x500  }
0x4e: {  	[sflag:s9] =	ssyncset.done $0x0  }
.LBB2_2:
0x4f: {  	[sflag:s9] =	ssyncadd.s32 $0xFFFFFB00  }
0x50: {  	_ =	sfence.sel $0x180000  }
0x51: {  	[bflag:$0x0] =	sbarrier.arrive $0xFFFF  }
0x52: {  	p0 =	sne.s32 s0, $0x0;
	_ =	strace $0x90000053  }
0x53: {  	s0 =	sadd.s32 @!p0 $0x100000, s1;
	[bflag:$0x2] =	sbarrier.arrive $0xFFFF  }
0x54: {  	[sflag:s0] =	ssyncadd.tile.s32 @!p0 $0x1;
	_ =	shalt  }
.Lfunc_end2:
_tile_overlayer_lowered:
.L_overlay_start_2:
0x55: {  	(tag) =	ssettag $0x2  }
0x56: {  	s0 =	rddreg [dreg:$0x0];
	s2 =	stileid.u32  }
0x57: {  	s1 =	rddreg [dreg:$0x1];
	p0 =	sne.s32 s2, $0x0  }
0x58: {  	s3 =	rddreg [dreg:$0x2];
	[bflag:$0x3] =	sbarrier.arrive $0xFFFF;
	s2 =	simm.s32 @!p0 $0x1C04  }
0x59: {  	[timem:s3], [sflag:s2] =	dma.local @!p0 [hbm:s0], s1  }
0x5a: {  	s0 =	simm.s32 @!p0 $0x4  }
0x5b: {  	_ =	swait.ge @!p0 [sflag:s0], s1  }
0x5c: {  	s1 =	ssub.s32 @!p0 $0x0, s1;
	[sflag:s0] =	ssyncset.done @!p0 $0x0  }
0x5d: {  	[sflag:s0] =	ssyncadd.s32 @!p0 s1  }
0x5e: {  	[bflag:$0x3] =	sbarrier.arrive $0xFFFF  }
0x5f: {  	_ =	shalt  }

</sc_bundles>
